<compile_context>
chip_gen: v7x
topology: tpu7x:2x2x1
jax: 0.10.2.dev20260603
libtpu: 0.0.44.dev20260713+nightly
codegen_flags: <defaults>
</compile_context>

<pallas_src>
import functools

import jax
import jax.numpy as jnp
from jax import lax
from jax.experimental import pallas as pl
from jax.experimental.pallas import tpu as pltpu
from jax.experimental.pallas import tpu_sc as plsc




def _rowsum_body(wvt_ref, out_ref, *, inv_l, cols):
    x = wvt_ref[...]
    s = jnp.sum(x, axis=0) * inv_l
    out_ref[...] = s.reshape(cols // 128, 128)


def _rowsum(word_vectors, L):
    voc, d = word_vectors.shape
    wvt = word_vectors.T
    cols = 32768
    grid = pl.cdiv(voc, cols)
    out_rows = 8192
    assert grid * (cols // 128) <= out_rows
    return pl.pallas_call(
        functools.partial(_rowsum_body, inv_l=1.0 / float(L), cols=cols),
        grid=(grid,),
        in_specs=[pl.BlockSpec((d, cols), lambda i: (0, i))],
        out_specs=pl.BlockSpec((cols // 128, 128), lambda i: (i, 0)),
        out_shape=jax.ShapeDtypeStruct((out_rows, 128), jnp.float32),
    )(wvt)




def _make_sc_gather(bsz, L):
    info = plsc.get_sparse_core_info()
    nc, ns = info.num_cores, info.num_subcores
    nw = nc * ns
    n_idx = bsz * L
    assert n_idx % nw == 0 and bsz % (nw * 8) == 0
    per_s = bsz // nw
    mesh = plsc.VectorSubcoreMesh(core_axis_name="c", subcore_axis_name="s")

    @functools.partial(
        pl.kernel,
        out_type=jax.ShapeDtypeStruct((n_idx,), jnp.float32),
        mesh=mesh,
        scratch_types=[
            pltpu.VMEM((L * per_s,), jnp.int32),
            pltpu.VMEM((L * per_s,), jnp.float32),
            pltpu.SemaphoreType.DMA,
            pltpu.SemaphoreType.DMA,
            pltpu.SemaphoreType.DMA,
        ],
    )
    def gather_k(rowsum_hbm, idx_hbm, out_hbm, idx_v, val_v, sem_i, sem_g,
                 sem_o):
        wid = lax.axis_index("s") * nc + lax.axis_index("c")
        base = wid * per_s
        ld = [pltpu.async_copy(idx_hbm.at[pl.ds(l * bsz + base, per_s)],
                               idx_v.at[pl.ds(l * per_s, per_s)], sem_i)
              for l in range(L)]
        for h in ld:
            h.wait()
        pltpu.async_copy(rowsum_hbm.at[idx_v], val_v, sem_g).wait()
        st = [pltpu.async_copy(val_v.at[pl.ds(l * per_s, per_s)],
                               out_hbm.at[pl.ds(l * bsz + base, per_s)],
                               sem_o) for l in range(L)]
        for h in st:
            h.wait()

    return gather_k




def _finish_body(v_ref, w_ref, b_ref, out_ref, *, blk_b, L, qrows):
    p = pl.program_id(0)
    rows_per_l = v_ref.shape[0] // L
    acc = jnp.zeros((qrows, 128), jnp.float32)
    for l in range(L):
        acc = acc + v_ref[pl.ds(l * rows_per_l + qrows * p, qrows), :]
    ones = jnp.ones((1, w_ref.shape[1]), jnp.float32)
    wsum_row = lax.dot_general(ones, w_ref[...], (((1,), (1,)), ((), ())),
                               preferred_element_type=jnp.float32)
    parts = []
    for q in range(qrows):
        s_row = acc[q:q + 1, :]
        parts.append(lax.dot_general(
            s_row, wsum_row, (((0,), (0,)), ((), ())),
            preferred_element_type=jnp.float32) + b_ref[...])
    out_ref[...] = jnp.concatenate(parts, axis=0)


def _finish(vals, bsz, L, W, b):
    n_labels, d = W.shape
    blk_b = 1024
    qrows = blk_b // 128
    v2d = vals.reshape(bsz * L // 128, 128)
    return pl.pallas_call(
        functools.partial(_finish_body, blk_b=blk_b, L=L, qrows=qrows),
        grid=(bsz // blk_b,),
        in_specs=[
            pl.BlockSpec(v2d.shape, lambda i: (0, 0)),
            pl.BlockSpec((n_labels, d), lambda i: (0, 0)),
            pl.BlockSpec((1, n_labels), lambda i: (0, 0)),
        ],
        out_specs=pl.BlockSpec((blk_b, n_labels), lambda i: (i, 0)),
        out_shape=jax.ShapeDtypeStruct((bsz, n_labels), jnp.float32),
    )(v2d, W, b.reshape(1, n_labels))


def kernel(sentences, word_vectors, W, b):
    bsz, L = sentences.shape
    rowsum = _rowsum(word_vectors, L).reshape(-1)
    idx = sentences.T.reshape(-1).astype(jnp.int32)
    vals = _make_sc_gather(bsz, L)(rowsum, idx)
    return _finish(vals, bsz, L, W, b)

# --- scband reference (transcript-rebuilt; emitter-appended) ---
"""Pipeline reference for scband-net-28544352649361 (READ-ONLY COPY).

The authoritative reference and input builder live on the scoring server;
editing this copy changes nothing except your own understanding.
"""

import jax, jax.numpy as jnp
import numpy as np

B = 16384
L = 50
VOC = 1000000
D = 64
N_LABELS = 100


def setup_inputs(seed: int = 0) -> dict:
    key = jax.random.key(seed)
    k1, k2 = jax.random.split(key, 2)
    sentences = jax.random.randint(k1, (B, L), 0, VOC, dtype=jnp.int64) if jax.config.jax_enable_x64 else jax.random.randint(k1, (B, L), 0, VOC, dtype=jnp.int32)
    # word_vectors ~ U(-1/d, 1/d) as in nn.init.uniform_
    word_vectors = jax.random.uniform(k2, (VOC, D), dtype=jnp.float32, minval=-1.0 / D, maxval=1.0 / D)
    # hidden Linear is zero-initialized in the torch module
    W = jnp.zeros((N_LABELS, D), dtype=jnp.float32)
    b = jnp.zeros((N_LABELS,), dtype=jnp.float32)
    return {"sentences": sentences, "word_vectors": word_vectors, "W": W, "b": b}


def reference(sentences, word_vectors, W, b):
    # Faithful to torch: sv[i] = word_vectors[s].sum() / len(s)
    # torch .sum() reduces over ALL dims -> a scalar broadcast into sv[i] of size d.
    gathered = jnp.take(word_vectors, sentences, axis=0)  # [B, L, D]
    scalar_per_sentence = jnp.sum(gathered, axis=(1, 2)) / float(L)  # [B]
    sv = jnp.broadcast_to(scalar_per_sentence[:, None], (sentences.shape[0], word_vectors.shape[1]))  # [B, D]
    out = sv @ W.T + b  # [B, n_labels]
    return out

if __name__ == "__main__":
    import jax
    _d = setup_inputs()
    print(jax.jit(kernel)(*tuple(_d.values())))

</pallas_src>

<mosaic_0001>
#map = affine_map<(d0, d1) -> (0)>
module attributes {stable_mosaic.version = 14 : i64} {
  func.func @gather_k(%arg0: i32, %arg1: i32, %arg2: memref<1048576xf32, #tpu.memory_space<hbm>>, %arg3: memref<819200xi32, #tpu.memory_space<hbm>>, %arg4: memref<819200xf32, #tpu.memory_space<hbm>>, %arg5: memref<25600xi32, #tpu.memory_space<vmem>>, %arg6: memref<25600xf32, #tpu.memory_space<vmem>>, %arg7: memref<!tpu.dma_semaphore, #tpu.memory_space<semaphore_mem>>, %arg8: memref<!tpu.dma_semaphore, #tpu.memory_space<semaphore_mem>>, %arg9: memref<!tpu.dma_semaphore, #tpu.memory_space<semaphore_mem>>) attributes {dimension_semantics = [#tpu.dimension_semantics<core_parallel>, #tpu.dimension_semantics<subcore_parallel>], iteration_bounds = array<i64: 2, 16>, scalar_prefetch = 0 : i64, scratch_operands = 5 : i64, tpu.core_type = #tpu.core_type<sc_vector_subcore>, window_params = [{transform_indices = #map}, {transform_indices = #map}, {transform_indices = #map}]} {
    %mul3A = arith.constant 2 : i32
    %mul3A_0 = arith.muli %arg1, %mul3A : i32
    %add3A = arith.addi %mul3A_0, %arg0 : i32
    %mul3A_1 = arith.constant 512 : i32
    %mul3A_2 = arith.muli %add3A, %mul3A_1 : i32
    %add3A_3 = arith.constant 0 : i32
    %add3A_4 = arith.addi %add3A_3, %mul3A_2 : i32
    %dma_start3A = arith.constant 0 : i32
    %dma_start3A_5 = tpu.memref_slice %arg5[%dma_start3A] : memref<25600xi32, #tpu.memory_space<vmem>> -> memref<512xi32, #tpu.memory_space<vmem>>
    %dma_start3A_6 = tpu.memref_slice %arg3[%add3A_4] : memref<819200xi32, #tpu.memory_space<hbm>> -> memref<512xi32, #tpu.memory_space<hbm>>
    %dma_start3A_7 = arith.constant 0 : i32
    %dma_start3A_8 = tpu.memref_slice %arg5[%dma_start3A_7] : memref<25600xi32, #tpu.memory_space<vmem>> -> memref<512xi32, #tpu.memory_space<vmem>>
    %dma_start3A_9 = tpu.memref_slice %arg3[%add3A_4] : memref<819200xi32, #tpu.memory_space<hbm>> -> memref<512xi32, #tpu.memory_space<hbm>>
    tpu.enqueue_dma source(%dma_start3A_9 : memref<512xi32, #tpu.memory_space<hbm>>) target(%dma_start3A_8 : memref<512xi32, #tpu.memory_space<vmem>>) target_semaphore(%arg7 : memref<!tpu.dma_semaphore, #tpu.memory_space<semaphore_mem>>)
    %add3A_10 = arith.constant 16384 : i32
    %add3A_11 = arith.addi %add3A_10, %mul3A_2 : i32
    %dma_start3A_12 = arith.constant 512 : i32
    %dma_start3A_13 = tpu.memref_slice %arg5[%dma_start3A_12] : memref<25600xi32, #tpu.memory_space<vmem>> -> memref<512xi32, #tpu.memory_space<vmem>>
    %dma_start3A_14 = tpu.memref_slice %arg3[%add3A_11] : memref<819200xi32, #tpu.memory_space<hbm>> -> memref<512xi32, #tpu.memory_space<hbm>>
    %dma_start3A_15 = arith.constant 512 : i32
    %dma_start3A_16 = tpu.memref_slice %arg5[%dma_start3A_15] : memref<25600xi32, #tpu.memory_space<vmem>> -> memref<512xi32, #tpu.memory_space<vmem>>
    %dma_start3A_17 = tpu.memref_slice %arg3[%add3A_11] : memref<819200xi32, #tpu.memory_space<hbm>> -> memref<512xi32, #tpu.memory_space<hbm>>
    tpu.enqueue_dma source(%dma_start3A_17 : memref<512xi32, #tpu.memory_space<hbm>>) target(%dma_start3A_16 : memref<512xi32, #tpu.memory_space<vmem>>) target_semaphore(%arg7 : memref<!tpu.dma_semaphore, #tpu.memory_space<semaphore_mem>>)
    %add3A_18 = arith.constant 32768 : i32
    %add3A_19 = arith.addi %add3A_18, %mul3A_2 : i32
    %dma_start3A_20 = arith.constant 1024 : i32
    %dma_start3A_21 = tpu.memref_slice %arg5[%dma_start3A_20] : memref<25600xi32, #tpu.memory_space<vmem>> -> memref<512xi32, #tpu.memory_space<vmem>>
    %dma_start3A_22 = tpu.memref_slice %arg3[%add3A_19] : memref<819200xi32, #tpu.memory_space<hbm>> -> memref<512xi32, #tpu.memory_space<hbm>>
    %dma_start3A_23 = arith.constant 1024 : i32
    %dma_start3A_24 = tpu.memref_slice %arg5[%dma_start3A_23] : memref<25600xi32, #tpu.memory_space<vmem>> -> memref<512xi32, #tpu.memory_space<vmem>>
    %dma_start3A_25 = tpu.memref_slice %arg3[%add3A_19] : memref<819200xi32, #tpu.memory_space<hbm>> -> memref<512xi32, #tpu.memory_space<hbm>>
    tpu.enqueue_dma source(%dma_start3A_25 : memref<512xi32, #tpu.memory_space<hbm>>) target(%dma_start3A_24 : memref<512xi32, #tpu.memory_space<vmem>>) target_semaphore(%arg7 : memref<!tpu.dma_semaphore, #tpu.memory_space<semaphore_mem>>)
    %add3A_26 = arith.constant 49152 : i32
    %add3A_27 = arith.addi %add3A_26, %mul3A_2 : i32
    %dma_start3A_28 = arith.constant 1536 : i32
    %dma_start3A_29 = tpu.memref_slice %arg5[%dma_start3A_28] : memref<25600xi32, #tpu.memory_space<vmem>> -> memref<512xi32, #tpu.memory_space<vmem>>
    %dma_start3A_30 = tpu.memref_slice %arg3[%add3A_27] : memref<819200xi32, #tpu.memory_space<hbm>> -> memref<512xi32, #tpu.memory_space<hbm>>
    %dma_start3A_31 = arith.constant 1536 : i32
    %dma_start3A_32 = tpu.memref_slice %arg5[%dma_start3A_31] : memref<25600xi32, #tpu.memory_space<vmem>> -> memref<512xi32, #tpu.memory_space<vmem>>
    %dma_start3A_33 = tpu.memref_slice %arg3[%add3A_27] : memref<819200xi32, #tpu.memory_space<hbm>> -> memref<512xi32, #tpu.memory_space<hbm>>
    tpu.enqueue_dma source(%dma_start3A_33 : memref<512xi32, #tpu.memory_space<hbm>>) target(%dma_start3A_32 : memref<512xi32, #tpu.memory_space<vmem>>) target_semaphore(%arg7 : memref<!tpu.dma_semaphore, #tpu.memory_space<semaphore_mem>>)
    %add3A_34 = arith.constant 65536 : i32
    %add3A_35 = arith.addi %add3A_34, %mul3A_2 : i32
    %dma_start3A_36 = arith.constant 2048 : i32
    %dma_start3A_37 = tpu.memref_slice %arg5[%dma_start3A_36] : memref<25600xi32, #tpu.memory_space<vmem>> -> memref<512xi32, #tpu.memory_space<vmem>>
    %dma_start3A_38 = tpu.memref_slice %arg3[%add3A_35] : memref<819200xi32, #tpu.memory_space<hbm>> -> memref<512xi32, #tpu.memory_space<hbm>>
    %dma_start3A_39 = arith.constant 2048 : i32
    %dma_start3A_40 = tpu.memref_slice %arg5[%dma_start3A_39] : memref<25600xi32, #tpu.memory_space<vmem>> -> memref<512xi32, #tpu.memory_space<vmem>>
    %dma_start3A_41 = tpu.memref_slice %arg3[%add3A_35] : memref<819200xi32, #tpu.memory_space<hbm>> -> memref<512xi32, #tpu.memory_space<hbm>>
    tpu.enqueue_dma source(%dma_start3A_41 : memref<512xi32, #tpu.memory_space<hbm>>) target(%dma_start3A_40 : memref<512xi32, #tpu.memory_space<vmem>>) target_semaphore(%arg7 : memref<!tpu.dma_semaphore, #tpu.memory_space<semaphore_mem>>)
    %add3A_42 = arith.constant 81920 : i32
    %add3A_43 = arith.addi %add3A_42, %mul3A_2 : i32
    %dma_start3A_44 = arith.constant 2560 : i32
    %dma_start3A_45 = tpu.memref_slice %arg5[%dma_start3A_44] : memref<25600xi32, #tpu.memory_space<vmem>> -> memref<512xi32, #tpu.memory_space<vmem>>
    %dma_start3A_46 = tpu.memref_slice %arg3[%add3A_43] : memref<819200xi32, #tpu.memory_space<hbm>> -> memref<512xi32, #tpu.memory_space<hbm>>
    %dma_start3A_47 = arith.constant 2560 : i32
    %dma_start3A_48 = tpu.memref_slice %arg5[%dma_start3A_47] : memref<25600xi32, #tpu.memory_space<vmem>> -> memref<512xi32, #tpu.memory_space<vmem>>
    %dma_start3A_49 = tpu.memref_slice %arg3[%add3A_43] : memref<819200xi32, #tpu.memory_space<hbm>> -> memref<512xi32, #tpu.memory_space<hbm>>
    tpu.enqueue_dma source(%dma_start3A_49 : memref<512xi32, #tpu.memory_space<hbm>>) target(%dma_start3A_48 : memref<512xi32, #tpu.memory_space<vmem>>) target_semaphore(%arg7 : memref<!tpu.dma_semaphore, #tpu.memory_space<semaphore_mem>>)
    %add3A_50 = arith.constant 98304 : i32
    %add3A_51 = arith.addi %add3A_50, %mul3A_2 : i32
    %dma_start3A_52 = arith.constant 3072 : i32
    %dma_start3A_53 = tpu.memref_slice %arg5[%dma_start3A_52] : memref<25600xi32, #tpu.memory_space<vmem>> -> memref<512xi32, #tpu.memory_space<vmem>>
    %dma_start3A_54 = tpu.memref_slice %arg3[%add3A_51] : memref<819200xi32, #tpu.memory_space<hbm>> -> memref<512xi32, #tpu.memory_space<hbm>>
    %dma_start3A_55 = arith.constant 3072 : i32
    %dma_start3A_56 = tpu.memref_slice %arg5[%dma_start3A_55] : memref<25600xi32, #tpu.memory_space<vmem>> -> memref<512xi32, #tpu.memory_space<vmem>>
    %dma_start3A_57 = tpu.memref_slice %arg3[%add3A_51] : memref<819200xi32, #tpu.memory_space<hbm>> -> memref<512xi32, #tpu.memory_space<hbm>>
    tpu.enqueue_dma source(%dma_start3A_57 : memref<512xi32, #tpu.memory_space<hbm>>) target(%dma_start3A_56 : memref<512xi32, #tpu.memory_space<vmem>>) target_semaphore(%arg7 : memref<!tpu.dma_semaphore, #tpu.memory_space<semaphore_mem>>)
    %add3A_58 = arith.constant 114688 : i32
    %add3A_59 = arith.addi %add3A_58, %mul3A_2 : i32
    %dma_start3A_60 = arith.constant 3584 : i32
    %dma_start3A_61 = tpu.memref_slice %arg5[%dma_start3A_60] : memref<25600xi32, #tpu.memory_space<vmem>> -> memref<512xi32, #tpu.memory_space<vmem>>
    %dma_start3A_62 = tpu.memref_slice %arg3[%add3A_59] : memref<819200xi32, #tpu.memory_space<hbm>> -> memref<512xi32, #tpu.memory_space<hbm>>
    %dma_start3A_63 = arith.constant 3584 : i32
    %dma_start3A_64 = tpu.memref_slice %arg5[%dma_start3A_63] : memref<25600xi32, #tpu.memory_space<vmem>> -> memref<512xi32, #tpu.memory_space<vmem>>
    %dma_start3A_65 = tpu.memref_slice %arg3[%add3A_59] : memref<819200xi32, #tpu.memory_space<hbm>> -> memref<512xi32, #tpu.memory_space<hbm>>
    tpu.enqueue_dma source(%dma_start3A_65 : memref<512xi32, #tpu.memory_space<hbm>>) target(%dma_start3A_64 : memref<512xi32, #tpu.memory_space<vmem>>) target_semaphore(%arg7 : memref<!tpu.dma_semaphore, #tpu.memory_space<semaphore_mem>>)
    %add3A_66 = arith.constant 131072 : i32
    %add3A_67 = arith.addi %add3A_66, %mul3A_2 : i32
    %dma_start3A_68 = arith.constant 4096 : i32
    %dma_start3A_69 = tpu.memref_slice %arg5[%dma_start3A_68] : memref<25600xi32, #tpu.memory_space<vmem>> -> memref<512xi32, #tpu.memory_space<vmem>>
    %dma_start3A_70 = tpu.memref_slice %arg3[%add3A_67] : memref<819200xi32, #tpu.memory_space<hbm>> -> memref<512xi32, #tpu.memory_space<hbm>>
    %dma_start3A_71 = arith.constant 4096 : i32
    %dma_start3A_72 = tpu.memref_slice %arg5[%dma_start3A_71] : memref<25600xi32, #tpu.memory_space<vmem>> -> memref<512xi32, #tpu.memory_space<vmem>>
    %dma_start3A_73 = tpu.memref_slice %arg3[%add3A_67] : memref<819200xi32, #tpu.memory_space<hbm>> -> memref<512xi32, #tpu.memory_space<hbm>>
    tpu.enqueue_dma source(%dma_start3A_73 : memref<512xi32, #tpu.memory_space<hbm>>) target(%dma_start3A_72 : memref<512xi32, #tpu.memory_space<vmem>>) target_semaphore(%arg7 : memref<!tpu.dma_semaphore, #tpu.memory_space<semaphore_mem>>)
    %add3A_74 = arith.constant 147456 : i32
    %add3A_75 = arith.addi %add3A_74, %mul3A_2 : i32
    %dma_start3A_76 = arith.constant 4608 : i32
    %dma_start3A_77 = tpu.memref_slice %arg5[%dma_start3A_76] : memref<25600xi32, #tpu.memory_space<vmem>> -> memref<512xi32, #tpu.memory_space<vmem>>
    %dma_start3A_78 = tpu.memref_slice %arg3[%add3A_75] : memref<819200xi32, #tpu.memory_space<hbm>> -> memref<512xi32, #tpu.memory_space<hbm>>
    %dma_start3A_79 = arith.constant 4608 : i32
    %dma_start3A_80 = tpu.memref_slice %arg5[%dma_start3A_79] : memref<25600xi32, #tpu.memory_space<vmem>> -> memref<512xi32, #tpu.memory_space<vmem>>
    %dma_start3A_81 = tpu.memref_slice %arg3[%add3A_75] : memref<819200xi32, #tpu.memory_space<hbm>> -> memref<512xi32, #tpu.memory_space<hbm>>
    tpu.enqueue_dma source(%dma_start3A_81 : memref<512xi32, #tpu.memory_space<hbm>>) target(%dma_start3A_80 : memref<512xi32, #tpu.memory_space<vmem>>) target_semaphore(%arg7 : memref<!tpu.dma_semaphore, #tpu.memory_space<semaphore_mem>>)
    %add3A_82 = arith.constant 163840 : i32
    %add3A_83 = arith.addi %add3A_82, %mul3A_2 : i32
    %dma_start3A_84 = arith.constant 5120 : i32
    %dma_start3A_85 = tpu.memref_slice %arg5[%dma_start3A_84] : memref<25600xi32, #tpu.memory_space<vmem>> -> memref<512xi32, #tpu.memory_space<vmem>>
    %dma_start3A_86 = tpu.memref_slice %arg3[%add3A_83] : memref<819200xi32, #tpu.memory_space<hbm>> -> memref<512xi32, #tpu.memory_space<hbm>>
    %dma_start3A_87 = arith.constant 5120 : i32
    %dma_start3A_88 = tpu.memref_slice %arg5[%dma_start3A_87] : memref<25600xi32, #tpu.memory_space<vmem>> -> memref<512xi32, #tpu.memory_space<vmem>>
    %dma_start3A_89 = tpu.memref_slice %arg3[%add3A_83] : memref<819200xi32, #tpu.memory_space<hbm>> -> memref<512xi32, #tpu.memory_space<hbm>>
    tpu.enqueue_dma source(%dma_start3A_89 : memref<512xi32, #tpu.memory_space<hbm>>) target(%dma_start3A_88 : memref<512xi32, #tpu.memory_space<vmem>>) target_semaphore(%arg7 : memref<!tpu.dma_semaphore, #tpu.memory_space<semaphore_mem>>)
    %add3A_90 = arith.constant 180224 : i32
    %add3A_91 = arith.addi %add3A_90, %mul3A_2 : i32
    %dma_start3A_92 = arith.constant 5632 : i32
    %dma_start3A_93 = tpu.memref_slice %arg5[%dma_start3A_92] : memref<25600xi32, #tpu.memory_space<vmem>> -> memref<512xi32, #tpu.memory_space<vmem>>
    %dma_start3A_94 = tpu.memref_slice %arg3[%add3A_91] : memref<819200xi32, #tpu.memory_space<hbm>> -> memref<512xi32, #tpu.memory_space<hbm>>
    %dma_start3A_95 = arith.constant 5632 : i32
    %dma_start3A_96 = tpu.memref_slice %arg5[%dma_start3A_95] : memref<25600xi32, #tpu.memory_space<vmem>> -> memref<512xi32, #tpu.memory_space<vmem>>
    %dma_start3A_97 = tpu.memref_slice %arg3[%add3A_91] : memref<819200xi32, #tpu.memory_space<hbm>> -> memref<512xi32, #tpu.memory_space<hbm>>
    tpu.enqueue_dma source(%dma_start3A_97 : memref<512xi32, #tpu.memory_space<hbm>>) target(%dma_start3A_96 : memref<512xi32, #tpu.memory_space<vmem>>) target_semaphore(%arg7 : memref<!tpu.dma_semaphore, #tpu.memory_space<semaphore_mem>>)
    %add3A_98 = arith.constant 196608 : i32
    %add3A_99 = arith.addi %add3A_98, %mul3A_2 : i32
    %dma_start3A_100 = arith.constant 6144 : i32
    %dma_start3A_101 = tpu.memref_slice %arg5[%dma_start3A_100] : memref<25600xi32, #tpu.memory_space<vmem>> -> memref<512xi32, #tpu.memory_space<vmem>>
    %dma_start3A_102 = tpu.memref_slice %arg3[%add3A_99] : memref<819200xi32, #tpu.memory_space<hbm>> -> memref<512xi32, #tpu.memory_space<hbm>>
    %dma_start3A_103 = arith.constant 6144 : i32
    %dma_start3A_104 = tpu.memref_slice %arg5[%dma_start3A_103] : memref<25600xi32, #tpu.memory_space<vmem>> -> memref<512xi32, #tpu.memory_space<vmem>>
    %dma_start3A_105 = tpu.memref_slice %arg3[%add3A_99] : memref<819200xi32, #tpu.memory_space<hbm>> -> memref<512xi32, #tpu.memory_space<hbm>>
    tpu.enqueue_dma source(%dma_start3A_105 : memref<512xi32, #tpu.memory_space<hbm>>) target(%dma_start3A_104 : memref<512xi32, #tpu.memory_space<vmem>>) target_semaphore(%arg7 : memref<!tpu.dma_semaphore, #tpu.memory_space<semaphore_mem>>)
    %add3A_106 = arith.constant 212992 : i32
    %add3A_107 = arith.addi %add3A_106, %mul3A_2 : i32
    %dma_start3A_108 = arith.constant 6656 : i32
    %dma_start3A_109 = tpu.memref_slice %arg5[%dma_start3A_108] : memref<25600xi32, #tpu.memory_space<vmem>> -> memref<512xi32, #tpu.memory_space<vmem>>
    %dma_start3A_110 = tpu.memref_slice %arg3[%add3A_107] : memref<819200xi32, #tpu.memory_space<hbm>> -> memref<512xi32, #tpu.memory_space<hbm>>
    %dma_start3A_111 = arith.constant 6656 : i32
    %dma_start3A_112 = tpu.memref_slice %arg5[%dma_start3A_111] : memref<25600xi32, #tpu.memory_space<vmem>> -> memref<512xi32, #tpu.memory_space<vmem>>
    %dma_start3A_113 = tpu.memref_slice %arg3[%add3A_107] : memref<819200xi32, #tpu.memory_space<hbm>> -> memref<512xi32, #tpu.memory_space<hbm>>
    tpu.enqueue_dma source(%dma_start3A_113 : memref<512xi32, #tpu.memory_space<hbm>>) target(%dma_start3A_112 : memref<512xi32, #tpu.memory_space<vmem>>) target_semaphore(%arg7 : memref<!tpu.dma_semaphore, #tpu.memory_space<semaphore_mem>>)
    %add3A_114 = arith.constant 229376 : i32
    %add3A_115 = arith.addi %add3A_114, %mul3A_2 : i32
    %dma_start3A_116 = arith.constant 7168 : i32
    %dma_start3A_117 = tpu.memref_slice %arg5[%dma_start3A_116] : memref<25600xi32, #tpu.memory_space<vmem>> -> memref<512xi32, #tpu.memory_space<vmem>>
    %dma_start3A_118 = tpu.memref_slice %arg3[%add3A_115] : memref<819200xi32, #tpu.memory_space<hbm>> -> memref<512xi32, #tpu.memory_space<hbm>>
    %dma_start3A_119 = arith.constant 7168 : i32
    %dma_start3A_120 = tpu.memref_slice %arg5[%dma_start3A_119] : memref<25600xi32, #tpu.memory_space<vmem>> -> memref<512xi32, #tpu.memory_space<vmem>>
    %dma_start3A_121 = tpu.memref_slice %arg3[%add3A_115] : memref<819200xi32, #tpu.memory_space<hbm>> -> memref<512xi32, #tpu.memory_space<hbm>>
    tpu.enqueue_dma source(%dma_start3A_121 : memref<512xi32, #tpu.memory_space<hbm>>) target(%dma_start3A_120 : memref<512xi32, #tpu.memory_space<vmem>>) target_semaphore(%arg7 : memref<!tpu.dma_semaphore, #tpu.memory_space<semaphore_mem>>)
    %add3A_122 = arith.constant 245760 : i32
    %add3A_123 = arith.addi %add3A_122, %mul3A_2 : i32
    %dma_start3A_124 = arith.constant 7680 : i32
    %dma_start3A_125 = tpu.memref_slice %arg5[%dma_start3A_124] : memref<25600xi32, #tpu.memory_space<vmem>> -> memref<512xi32, #tpu.memory_space<vmem>>
    %dma_start3A_126 = tpu.memref_slice %arg3[%add3A_123] : memref<819200xi32, #tpu.memory_space<hbm>> -> memref<512xi32, #tpu.memory_space<hbm>>
    %dma_start3A_127 = arith.constant 7680 : i32
    %dma_start3A_128 = tpu.memref_slice %arg5[%dma_start3A_127] : memref<25600xi32, #tpu.memory_space<vmem>> -> memref<512xi32, #tpu.memory_space<vmem>>
    %dma_start3A_129 = tpu.memref_slice %arg3[%add3A_123] : memref<819200xi32, #tpu.memory_space<hbm>> -> memref<512xi32, #tpu.memory_space<hbm>>
    tpu.enqueue_dma source(%dma_start3A_129 : memref<512xi32, #tpu.memory_space<hbm>>) target(%dma_start3A_128 : memref<512xi32, #tpu.memory_space<vmem>>) target_semaphore(%arg7 : memref<!tpu.dma_semaphore, #tpu.memory_space<semaphore_mem>>)
    %add3A_130 = arith.constant 262144 : i32
    %add3A_131 = arith.addi %add3A_130, %mul3A_2 : i32
    %dma_start3A_132 = arith.constant 8192 : i32
    %dma_start3A_133 = tpu.memref_slice %arg5[%dma_start3A_132] : memref<25600xi32, #tpu.memory_space<vmem>> -> memref<512xi32, #tpu.memory_space<vmem>>
    %dma_start3A_134 = tpu.memref_slice %arg3[%add3A_131] : memref<819200xi32, #tpu.memory_space<hbm>> -> memref<512xi32, #tpu.memory_space<hbm>>
    %dma_start3A_135 = arith.constant 8192 : i32
    %dma_start3A_136 = tpu.memref_slice %arg5[%dma_start3A_135] : memref<25600xi32, #tpu.memory_space<vmem>> -> memref<512xi32, #tpu.memory_space<vmem>>
    %dma_start3A_137 = tpu.memref_slice %arg3[%add3A_131] : memref<819200xi32, #tpu.memory_space<hbm>> -> memref<512xi32, #tpu.memory_space<hbm>>
    tpu.enqueue_dma source(%dma_start3A_137 : memref<512xi32, #tpu.memory_space<hbm>>) target(%dma_start3A_136 : memref<512xi32, #tpu.memory_space<vmem>>) target_semaphore(%arg7 : memref<!tpu.dma_semaphore, #tpu.memory_space<semaphore_mem>>)
    %add3A_138 = arith.constant 278528 : i32
    %add3A_139 = arith.addi %add3A_138, %mul3A_2 : i32
    %dma_start3A_140 = arith.constant 8704 : i32
    %dma_start3A_141 = tpu.memref_slice %arg5[%dma_start3A_140] : memref<25600xi32, #tpu.memory_space<vmem>> -> memref<512xi32, #tpu.memory_space<vmem>>
    %dma_start3A_142 = tpu.memref_slice %arg3[%add3A_139] : memref<819200xi32, #tpu.memory_space<hbm>> -> memref<512xi32, #tpu.memory_space<hbm>>
    %dma_start3A_143 = arith.constant 8704 : i32
    %dma_start3A_144 = tpu.memref_slice %arg5[%dma_start3A_143] : memref<25600xi32, #tpu.memory_space<vmem>> -> memref<512xi32, #tpu.memory_space<vmem>>
    %dma_start3A_145 = tpu.memref_slice %arg3[%add3A_139] : memref<819200xi32, #tpu.memory_space<hbm>> -> memref<512xi32, #tpu.memory_space<hbm>>
    tpu.enqueue_dma source(%dma_start3A_145 : memref<512xi32, #tpu.memory_space<hbm>>) target(%dma_start3A_144 : memref<512xi32, #tpu.memory_space<vmem>>) target_semaphore(%arg7 : memref<!tpu.dma_semaphore, #tpu.memory_space<semaphore_mem>>)
    %add3A_146 = arith.constant 294912 : i32
    %add3A_147 = arith.addi %add3A_146, %mul3A_2 : i32
    %dma_start3A_148 = arith.constant 9216 : i32
    %dma_start3A_149 = tpu.memref_slice %arg5[%dma_start3A_148] : memref<25600xi32, #tpu.memory_space<vmem>> -> memref<512xi32, #tpu.memory_space<vmem>>
    %dma_start3A_150 = tpu.memref_slice %arg3[%add3A_147] : memref<819200xi32, #tpu.memory_space<hbm>> -> memref<512xi32, #tpu.memory_space<hbm>>
    %dma_start3A_151 = arith.constant 9216 : i32
    %dma_start3A_152 = tpu.memref_slice %arg5[%dma_start3A_151] : memref<25600xi32, #tpu.memory_space<vmem>> -> memref<512xi32, #tpu.memory_space<vmem>>
    %dma_start3A_153 = tpu.memref_slice %arg3[%add3A_147] : memref<819200xi32, #tpu.memory_space<hbm>> -> memref<512xi32, #tpu.memory_space<hbm>>
    tpu.enqueue_dma source(%dma_start3A_153 : memref<512xi32, #tpu.memory_space<hbm>>) target(%dma_start3A_152 : memref<512xi32, #tpu.memory_space<vmem>>) target_semaphore(%arg7 : memref<!tpu.dma_semaphore, #tpu.memory_space<semaphore_mem>>)
    %add3A_154 = arith.constant 311296 : i32
    %add3A_155 = arith.addi %add3A_154, %mul3A_2 : i32
    %dma_start3A_156 = arith.constant 9728 : i32
    %dma_start3A_157 = tpu.memref_slice %arg5[%dma_start3A_156] : memref<25600xi32, #tpu.memory_space<vmem>> -> memref<512xi32, #tpu.memory_space<vmem>>
    %dma_start3A_158 = tpu.memref_slice %arg3[%add3A_155] : memref<819200xi32, #tpu.memory_space<hbm>> -> memref<512xi32, #tpu.memory_space<hbm>>
    %dma_start3A_159 = arith.constant 9728 : i32
    %dma_start3A_160 = tpu.memref_slice %arg5[%dma_start3A_159] : memref<25600xi32, #tpu.memory_space<vmem>> -> memref<512xi32, #tpu.memory_space<vmem>>
    %dma_start3A_161 = tpu.memref_slice %arg3[%add3A_155] : memref<819200xi32, #tpu.memory_space<hbm>> -> memref<512xi32, #tpu.memory_space<hbm>>
    tpu.enqueue_dma source(%dma_start3A_161 : memref<512xi32, #tpu.memory_space<hbm>>) target(%dma_start3A_160 : memref<512xi32, #tpu.memory_space<vmem>>) target_semaphore(%arg7 : memref<!tpu.dma_semaphore, #tpu.memory_space<semaphore_mem>>)
    %add3A_162 = arith.constant 327680 : i32
    %add3A_163 = arith.addi %add3A_162, %mul3A_2 : i32
    %dma_start3A_164 = arith.constant 10240 : i32
    %dma_start3A_165 = tpu.memref_slice %arg5[%dma_start3A_164] : memref<25600xi32, #tpu.memory_space<vmem>> -> memref<512xi32, #tpu.memory_space<vmem>>
    %dma_start3A_166 = tpu.memref_slice %arg3[%add3A_163] : memref<819200xi32, #tpu.memory_space<hbm>> -> memref<512xi32, #tpu.memory_space<hbm>>
    %dma_start3A_167 = arith.constant 10240 : i32
    %dma_start3A_168 = tpu.memref_slice %arg5[%dma_start3A_167] : memref<25600xi32, #tpu.memory_space<vmem>> -> memref<512xi32, #tpu.memory_space<vmem>>
    %dma_start3A_169 = tpu.memref_slice %arg3[%add3A_163] : memref<819200xi32, #tpu.memory_space<hbm>> -> memref<512xi32, #tpu.memory_space<hbm>>
    tpu.enqueue_dma source(%dma_start3A_169 : memref<512xi32, #tpu.memory_space<hbm>>) target(%dma_start3A_168 : memref<512xi32, #tpu.memory_space<vmem>>) target_semaphore(%arg7 : memref<!tpu.dma_semaphore, #tpu.memory_space<semaphore_mem>>)
    %add3A_170 = arith.constant 344064 : i32
    %add3A_171 = arith.addi %add3A_170, %mul3A_2 : i32
    %dma_start3A_172 = arith.constant 10752 : i32
    %dma_start3A_173 = tpu.memref_slice %arg5[%dma_start3A_172] : memref<25600xi32, #tpu.memory_space<vmem>> -> memref<512xi32, #tpu.memory_space<vmem>>
    %dma_start3A_174 = tpu.memref_slice %arg3[%add3A_171] : memref<819200xi32, #tpu.memory_space<hbm>> -> memref<512xi32, #tpu.memory_space<hbm>>
    %dma_start3A_175 = arith.constant 10752 : i32
    %dma_start3A_176 = tpu.memref_slice %arg5[%dma_start3A_175] : memref<25600xi32, #tpu.memory_space<vmem>> -> memref<512xi32, #tpu.memory_space<vmem>>
    %dma_start3A_177 = tpu.memref_slice %arg3[%add3A_171] : memref<819200xi32, #tpu.memory_space<hbm>> -> memref<512xi32, #tpu.memory_space<hbm>>
    tpu.enqueue_dma source(%dma_start3A_177 : memref<512xi32, #tpu.memory_space<hbm>>) target(%dma_start3A_176 : memref<512xi32, #tpu.memory_space<vmem>>) target_semaphore(%arg7 : memref<!tpu.dma_semaphore, #tpu.memory_space<semaphore_mem>>)
    %add3A_178 = arith.constant 360448 : i32
    %add3A_179 = arith.addi %add3A_178, %mul3A_2 : i32
    %dma_start3A_180 = arith.constant 11264 : i32
    %dma_start3A_181 = tpu.memref_slice %arg5[%dma_start3A_180] : memref<25600xi32, #tpu.memory_space<vmem>> -> memref<512xi32, #tpu.memory_space<vmem>>
    %dma_start3A_182 = tpu.memref_slice %arg3[%add3A_179] : memref<819200xi32, #tpu.memory_space<hbm>> -> memref<512xi32, #tpu.memory_space<hbm>>
    %dma_start3A_183 = arith.constant 11264 : i32
    %dma_start3A_184 = tpu.memref_slice %arg5[%dma_start3A_183] : memref<25600xi32, #tpu.memory_space<vmem>> -> memref<512xi32, #tpu.memory_space<vmem>>
    %dma_start3A_185 = tpu.memref_slice %arg3[%add3A_179] : memref<819200xi32, #tpu.memory_space<hbm>> -> memref<512xi32, #tpu.memory_space<hbm>>
    tpu.enqueue_dma source(%dma_start3A_185 : memref<512xi32, #tpu.memory_space<hbm>>) target(%dma_start3A_184 : memref<512xi32, #tpu.memory_space<vmem>>) target_semaphore(%arg7 : memref<!tpu.dma_semaphore, #tpu.memory_space<semaphore_mem>>)
    %add3A_186 = arith.constant 376832 : i32
    %add3A_187 = arith.addi %add3A_186, %mul3A_2 : i32
    %dma_start3A_188 = arith.constant 11776 : i32
    %dma_start3A_189 = tpu.memref_slice %arg5[%dma_start3A_188] : memref<25600xi32, #tpu.memory_space<vmem>> -> memref<512xi32, #tpu.memory_space<vmem>>
    %dma_start3A_190 = tpu.memref_slice %arg3[%add3A_187] : memref<819200xi32, #tpu.memory_space<hbm>> -> memref<512xi32, #tpu.memory_space<hbm>>
    %dma_start3A_191 = arith.constant 11776 : i32
    %dma_start3A_192 = tpu.memref_slice %arg5[%dma_start3A_191] : memref<25600xi32, #tpu.memory_space<vmem>> -> memref<512xi32, #tpu.memory_space<vmem>>
    %dma_start3A_193 = tpu.memref_slice %arg3[%add3A_187] : memref<819200xi32, #tpu.memory_space<hbm>> -> memref<512xi32, #tpu.memory_space<hbm>>
    tpu.enqueue_dma source(%dma_start3A_193 : memref<512xi32, #tpu.memory_space<hbm>>) target(%dma_start3A_192 : memref<512xi32, #tpu.memory_space<vmem>>) target_semaphore(%arg7 : memref<!tpu.dma_semaphore, #tpu.memory_space<semaphore_mem>>)
    %add3A_194 = arith.constant 393216 : i32
    %add3A_195 = arith.addi %add3A_194, %mul3A_2 : i32
    %dma_start3A_196 = arith.constant 12288 : i32
    %dma_start3A_197 = tpu.memref_slice %arg5[%dma_start3A_196] : memref<25600xi32, #tpu.memory_space<vmem>> -> memref<512xi32, #tpu.memory_space<vmem>>
    %dma_start3A_198 = tpu.memref_slice %arg3[%add3A_195] : memref<819200xi32, #tpu.memory_space<hbm>> -> memref<512xi32, #tpu.memory_space<hbm>>
    %dma_start3A_199 = arith.constant 12288 : i32
    %dma_start3A_200 = tpu.memref_slice %arg5[%dma_start3A_199] : memref<25600xi32, #tpu.memory_space<vmem>> -> memref<512xi32, #tpu.memory_space<vmem>>
    %dma_start3A_201 = tpu.memref_slice %arg3[%add3A_195] : memref<819200xi32, #tpu.memory_space<hbm>> -> memref<512xi32, #tpu.memory_space<hbm>>
    tpu.enqueue_dma source(%dma_start3A_201 : memref<512xi32, #tpu.memory_space<hbm>>) target(%dma_start3A_200 : memref<512xi32, #tpu.memory_space<vmem>>) target_semaphore(%arg7 : memref<!tpu.dma_semaphore, #tpu.memory_space<semaphore_mem>>)
    %add3A_202 = arith.constant 409600 : i32
    %add3A_203 = arith.addi %add3A_202, %mul3A_2 : i32
    %dma_start3A_204 = arith.constant 12800 : i32
    %dma_start3A_205 = tpu.memref_slice %arg5[%dma_start3A_204] : memref<25600xi32, #tpu.memory_space<vmem>> -> memref<512xi32, #tpu.memory_space<vmem>>
    %dma_start3A_206 = tpu.memref_slice %arg3[%add3A_203] : memref<819200xi32, #tpu.memory_space<hbm>> -> memref<512xi32, #tpu.memory_space<hbm>>
    %dma_start3A_207 = arith.constant 12800 : i32
    %dma_start3A_208 = tpu.memref_slice %arg5[%dma_start3A_207] : memref<25600xi32, #tpu.memory_space<vmem>> -> memref<512xi32, #tpu.memory_space<vmem>>
    %dma_start3A_209 = tpu.memref_slice %arg3[%add3A_203] : memref<819200xi32, #tpu.memory_space<hbm>> -> memref<512xi32, #tpu.memory_space<hbm>>
    tpu.enqueue_dma source(%dma_start3A_209 : memref<512xi32, #tpu.memory_space<hbm>>) target(%dma_start3A_208 : memref<512xi32, #tpu.memory_space<vmem>>) target_semaphore(%arg7 : memref<!tpu.dma_semaphore, #tpu.memory_space<semaphore_mem>>)
    %add3A_210 = arith.constant 425984 : i32
    %add3A_211 = arith.addi %add3A_210, %mul3A_2 : i32
    %dma_start3A_212 = arith.constant 13312 : i32
    %dma_start3A_213 = tpu.memref_slice %arg5[%dma_start3A_212] : memref<25600xi32, #tpu.memory_space<vmem>> -> memref<512xi32, #tpu.memory_space<vmem>>
    %dma_start3A_214 = tpu.memref_slice %arg3[%add3A_211] : memref<819200xi32, #tpu.memory_space<hbm>> -> memref<512xi32, #tpu.memory_space<hbm>>
    %dma_start3A_215 = arith.constant 13312 : i32
    %dma_start3A_216 = tpu.memref_slice %arg5[%dma_start3A_215] : memref<25600xi32, #tpu.memory_space<vmem>> -> memref<512xi32, #tpu.memory_space<vmem>>
    %dma_start3A_217 = tpu.memref_slice %arg3[%add3A_211] : memref<819200xi32, #tpu.memory_space<hbm>> -> memref<512xi32, #tpu.memory_space<hbm>>
    tpu.enqueue_dma source(%dma_start3A_217 : memref<512xi32, #tpu.memory_space<hbm>>) target(%dma_start3A_216 : memref<512xi32, #tpu.memory_space<vmem>>) target_semaphore(%arg7 : memref<!tpu.dma_semaphore, #tpu.memory_space<semaphore_mem>>)
    %add3A_218 = arith.constant 442368 : i32
    %add3A_219 = arith.addi %add3A_218, %mul3A_2 : i32
    %dma_start3A_220 = arith.constant 13824 : i32
    %dma_start3A_221 = tpu.memref_slice %arg5[%dma_start3A_220] : memref<25600xi32, #tpu.memory_space<vmem>> -> memref<512xi32, #tpu.memory_space<vmem>>
    %dma_start3A_222 = tpu.memref_slice %arg3[%add3A_219] : memref<819200xi32, #tpu.memory_space<hbm>> -> memref<512xi32, #tpu.memory_space<hbm>>
    %dma_start3A_223 = arith.constant 13824 : i32
    %dma_start3A_224 = tpu.memref_slice %arg5[%dma_start3A_223] : memref<25600xi32, #tpu.memory_space<vmem>> -> memref<512xi32, #tpu.memory_space<vmem>>
    %dma_start3A_225 = tpu.memref_slice %arg3[%add3A_219] : memref<819200xi32, #tpu.memory_space<hbm>> -> memref<512xi32, #tpu.memory_space<hbm>>
    tpu.enqueue_dma source(%dma_start3A_225 : memref<512xi32, #tpu.memory_space<hbm>>) target(%dma_start3A_224 : memref<512xi32, #tpu.memory_space<vmem>>) target_semaphore(%arg7 : memref<!tpu.dma_semaphore, #tpu.memory_space<semaphore_mem>>)
    %add3A_226 = arith.constant 458752 : i32
    %add3A_227 = arith.addi %add3A_226, %mul3A_2 : i32
    %dma_start3A_228 = arith.constant 14336 : i32
    %dma_start3A_229 = tpu.memref_slice %arg5[%dma_start3A_228] : memref<25600xi32, #tpu.memory_space<vmem>> -> memref<512xi32, #tpu.memory_space<vmem>>
    %dma_start3A_230 = tpu.memref_slice %arg3[%add3A_227] : memref<819200xi32, #tpu.memory_space<hbm>> -> memref<512xi32, #tpu.memory_space<hbm>>
    %dma_start3A_231 = arith.constant 14336 : i32
    %dma_start3A_232 = tpu.memref_slice %arg5[%dma_start3A_231] : memref<25600xi32, #tpu.memory_space<vmem>> -> memref<512xi32, #tpu.memory_space<vmem>>
    %dma_start3A_233 = tpu.memref_slice %arg3[%add3A_227] : memref<819200xi32, #tpu.memory_space<hbm>> -> memref<512xi32, #tpu.memory_space<hbm>>
    tpu.enqueue_dma source(%dma_start3A_233 : memref<512xi32, #tpu.memory_space<hbm>>) target(%dma_start3A_232 : memref<512xi32, #tpu.memory_space<vmem>>) target_semaphore(%arg7 : memref<!tpu.dma_semaphore, #tpu.memory_space<semaphore_mem>>)
    %add3A_234 = arith.constant 475136 : i32
    %add3A_235 = arith.addi %add3A_234, %mul3A_2 : i32
    %dma_start3A_236 = arith.constant 14848 : i32
    %dma_start3A_237 = tpu.memref_slice %arg5[%dma_start3A_236] : memref<25600xi32, #tpu.memory_space<vmem>> -> memref<512xi32, #tpu.memory_space<vmem>>
    %dma_start3A_238 = tpu.memref_slice %arg3[%add3A_235] : memref<819200xi32, #tpu.memory_space<hbm>> -> memref<512xi32, #tpu.memory_space<hbm>>
    %dma_start3A_239 = arith.constant 14848 : i32
    %dma_start3A_240 = tpu.memref_slice %arg5[%dma_start3A_239] : memref<25600xi32, #tpu.memory_space<vmem>> -> memref<512xi32, #tpu.memory_space<vmem>>
    %dma_start3A_241 = tpu.memref_slice %arg3[%add3A_235] : memref<819200xi32, #tpu.memory_space<hbm>> -> memref<512xi32, #tpu.memory_space<hbm>>
    tpu.enqueue_dma source(%dma_start3A_241 : memref<512xi32, #tpu.memory_space<hbm>>) target(%dma_start3A_240 : memref<512xi32, #tpu.memory_space<vmem>>) target_semaphore(%arg7 : memref<!tpu.dma_semaphore, #tpu.memory_space<semaphore_mem>>)
    %add3A_242 = arith.constant 491520 : i32
    %add3A_243 = arith.addi %add3A_242, %mul3A_2 : i32
    %dma_start3A_244 = arith.constant 15360 : i32
    %dma_start3A_245 = tpu.memref_slice %arg5[%dma_start3A_244] : memref<25600xi32, #tpu.memory_space<vmem>> -> memref<512xi32, #tpu.memory_space<vmem>>
    %dma_start3A_246 = tpu.memref_slice %arg3[%add3A_243] : memref<819200xi32, #tpu.memory_space<hbm>> -> memref<512xi32, #tpu.memory_space<hbm>>
    %dma_start3A_247 = arith.constant 15360 : i32
    %dma_start3A_248 = tpu.memref_slice %arg5[%dma_start3A_247] : memref<25600xi32, #tpu.memory_space<vmem>> -> memref<512xi32, #tpu.memory_space<vmem>>
    %dma_start3A_249 = tpu.memref_slice %arg3[%add3A_243] : memref<819200xi32, #tpu.memory_space<hbm>> -> memref<512xi32, #tpu.memory_space<hbm>>
    tpu.enqueue_dma source(%dma_start3A_249 : memref<512xi32, #tpu.memory_space<hbm>>) target(%dma_start3A_248 : memref<512xi32, #tpu.memory_space<vmem>>) target_semaphore(%arg7 : memref<!tpu.dma_semaphore, #tpu.memory_space<semaphore_mem>>)
    %add3A_250 = arith.constant 507904 : i32
    %add3A_251 = arith.addi %add3A_250, %mul3A_2 : i32
    %dma_start3A_252 = arith.constant 15872 : i32
    %dma_start3A_253 = tpu.memref_slice %arg5[%dma_start3A_252] : memref<25600xi32, #tpu.memory_space<vmem>> -> memref<512xi32, #tpu.memory_space<vmem>>
    %dma_start3A_254 = tpu.memref_slice %arg3[%add3A_251] : memref<819200xi32, #tpu.memory_space<hbm>> -> memref<512xi32, #tpu.memory_space<hbm>>
    %dma_start3A_255 = arith.constant 15872 : i32
    %dma_start3A_256 = tpu.memref_slice %arg5[%dma_start3A_255] : memref<25600xi32, #tpu.memory_space<vmem>> -> memref<512xi32, #tpu.memory_space<vmem>>
    %dma_start3A_257 = tpu.memref_slice %arg3[%add3A_251] : memref<819200xi32, #tpu.memory_space<hbm>> -> memref<512xi32, #tpu.memory_space<hbm>>
    tpu.enqueue_dma source(%dma_start3A_257 : memref<512xi32, #tpu.memory_space<hbm>>) target(%dma_start3A_256 : memref<512xi32, #tpu.memory_space<vmem>>) target_semaphore(%arg7 : memref<!tpu.dma_semaphore, #tpu.memory_space<semaphore_mem>>)
    %add3A_258 = arith.constant 524288 : i32
    %add3A_259 = arith.addi %add3A_258, %mul3A_2 : i32
    %dma_start3A_260 = arith.constant 16384 : i32
    %dma_start3A_261 = tpu.memref_slice %arg5[%dma_start3A_260] : memref<25600xi32, #tpu.memory_space<vmem>> -> memref<512xi32, #tpu.memory_space<vmem>>
    %dma_start3A_262 = tpu.memref_slice %arg3[%add3A_259] : memref<819200xi32, #tpu.memory_space<hbm>> -> memref<512xi32, #tpu.memory_space<hbm>>
    %dma_start3A_263 = arith.constant 16384 : i32
    %dma_start3A_264 = tpu.memref_slice %arg5[%dma_start3A_263] : memref<25600xi32, #tpu.memory_space<vmem>> -> memref<512xi32, #tpu.memory_space<vmem>>
    %dma_start3A_265 = tpu.memref_slice %arg3[%add3A_259] : memref<819200xi32, #tpu.memory_space<hbm>> -> memref<512xi32, #tpu.memory_space<hbm>>
    tpu.enqueue_dma source(%dma_start3A_265 : memref<512xi32, #tpu.memory_space<hbm>>) target(%dma_start3A_264 : memref<512xi32, #tpu.memory_space<vmem>>) target_semaphore(%arg7 : memref<!tpu.dma_semaphore, #tpu.memory_space<semaphore_mem>>)
    %add3A_266 = arith.constant 540672 : i32
    %add3A_267 = arith.addi %add3A_266, %mul3A_2 : i32
    %dma_start3A_268 = arith.constant 16896 : i32
    %dma_start3A_269 = tpu.memref_slice %arg5[%dma_start3A_268] : memref<25600xi32, #tpu.memory_space<vmem>> -> memref<512xi32, #tpu.memory_space<vmem>>
    %dma_start3A_270 = tpu.memref_slice %arg3[%add3A_267] : memref<819200xi32, #tpu.memory_space<hbm>> -> memref<512xi32, #tpu.memory_space<hbm>>
    %dma_start3A_271 = arith.constant 16896 : i32
    %dma_start3A_272 = tpu.memref_slice %arg5[%dma_start3A_271] : memref<25600xi32, #tpu.memory_space<vmem>> -> memref<512xi32, #tpu.memory_space<vmem>>
    %dma_start3A_273 = tpu.memref_slice %arg3[%add3A_267] : memref<819200xi32, #tpu.memory_space<hbm>> -> memref<512xi32, #tpu.memory_space<hbm>>
    tpu.enqueue_dma source(%dma_start3A_273 : memref<512xi32, #tpu.memory_space<hbm>>) target(%dma_start3A_272 : memref<512xi32, #tpu.memory_space<vmem>>) target_semaphore(%arg7 : memref<!tpu.dma_semaphore, #tpu.memory_space<semaphore_mem>>)
    %add3A_274 = arith.constant 557056 : i32
    %add3A_275 = arith.addi %add3A_274, %mul3A_2 : i32
    %dma_start3A_276 = arith.constant 17408 : i32
    %dma_start3A_277 = tpu.memref_slice %arg5[%dma_start3A_276] : memref<25600xi32, #tpu.memory_space<vmem>> -> memref<512xi32, #tpu.memory_space<vmem>>
    %dma_start3A_278 = tpu.memref_slice %arg3[%add3A_275] : memref<819200xi32, #tpu.memory_space<hbm>> -> memref<512xi32, #tpu.memory_space<hbm>>
    %dma_start3A_279 = arith.constant 17408 : i32
    %dma_start3A_280 = tpu.memref_slice %arg5[%dma_start3A_279] : memref<25600xi32, #tpu.memory_space<vmem>> -> memref<512xi32, #tpu.memory_space<vmem>>
    %dma_start3A_281 = tpu.memref_slice %arg3[%add3A_275] : memref<819200xi32, #tpu.memory_space<hbm>> -> memref<512xi32, #tpu.memory_space<hbm>>
    tpu.enqueue_dma source(%dma_start3A_281 : memref<512xi32, #tpu.memory_space<hbm>>) target(%dma_start3A_280 : memref<512xi32, #tpu.memory_space<vmem>>) target_semaphore(%arg7 : memref<!tpu.dma_semaphore, #tpu.memory_space<semaphore_mem>>)
    %add3A_282 = arith.constant 573440 : i32
    %add3A_283 = arith.addi %add3A_282, %mul3A_2 : i32
    %dma_start3A_284 = arith.constant 17920 : i32
    %dma_start3A_285 = tpu.memref_slice %arg5[%dma_start3A_284] : memref<25600xi32, #tpu.memory_space<vmem>> -> memref<512xi32, #tpu.memory_space<vmem>>
    %dma_start3A_286 = tpu.memref_slice %arg3[%add3A_283] : memref<819200xi32, #tpu.memory_space<hbm>> -> memref<512xi32, #tpu.memory_space<hbm>>
    %dma_start3A_287 = arith.constant 17920 : i32
    %dma_start3A_288 = tpu.memref_slice %arg5[%dma_start3A_287] : memref<25600xi32, #tpu.memory_space<vmem>> -> memref<512xi32, #tpu.memory_space<vmem>>
    %dma_start3A_289 = tpu.memref_slice %arg3[%add3A_283] : memref<819200xi32, #tpu.memory_space<hbm>> -> memref<512xi32, #tpu.memory_space<hbm>>
    tpu.enqueue_dma source(%dma_start3A_289 : memref<512xi32, #tpu.memory_space<hbm>>) target(%dma_start3A_288 : memref<512xi32, #tpu.memory_space<vmem>>) target_semaphore(%arg7 : memref<!tpu.dma_semaphore, #tpu.memory_space<semaphore_mem>>)
    %add3A_290 = arith.constant 589824 : i32
    %add3A_291 = arith.addi %add3A_290, %mul3A_2 : i32
    %dma_start3A_292 = arith.constant 18432 : i32
    %dma_start3A_293 = tpu.memref_slice %arg5[%dma_start3A_292] : memref<25600xi32, #tpu.memory_space<vmem>> -> memref<512xi32, #tpu.memory_space<vmem>>
    %dma_start3A_294 = tpu.memref_slice %arg3[%add3A_291] : memref<819200xi32, #tpu.memory_space<hbm>> -> memref<512xi32, #tpu.memory_space<hbm>>
    %dma_start3A_295 = arith.constant 18432 : i32
    %dma_start3A_296 = tpu.memref_slice %arg5[%dma_start3A_295] : memref<25600xi32, #tpu.memory_space<vmem>> -> memref<512xi32, #tpu.memory_space<vmem>>
    %dma_start3A_297 = tpu.memref_slice %arg3[%add3A_291] : memref<819200xi32, #tpu.memory_space<hbm>> -> memref<512xi32, #tpu.memory_space<hbm>>
    tpu.enqueue_dma source(%dma_start3A_297 : memref<512xi32, #tpu.memory_space<hbm>>) target(%dma_start3A_296 : memref<512xi32, #tpu.memory_space<vmem>>) target_semaphore(%arg7 : memref<!tpu.dma_semaphore, #tpu.memory_space<semaphore_mem>>)
    %add3A_298 = arith.constant 606208 : i32
    %add3A_299 = arith.addi %add3A_298, %mul3A_2 : i32
    %dma_start3A_300 = arith.constant 18944 : i32
    %dma_start3A_301 = tpu.memref_slice %arg5[%dma_start3A_300] : memref<25600xi32, #tpu.memory_space<vmem>> -> memref<512xi32, #tpu.memory_space<vmem>>
    %dma_start3A_302 = tpu.memref_slice %arg3[%add3A_299] : memref<819200xi32, #tpu.memory_space<hbm>> -> memref<512xi32, #tpu.memory_space<hbm>>
    %dma_start3A_303 = arith.constant 18944 : i32
    %dma_start3A_304 = tpu.memref_slice %arg5[%dma_start3A_303] : memref<25600xi32, #tpu.memory_space<vmem>> -> memref<512xi32, #tpu.memory_space<vmem>>
    %dma_start3A_305 = tpu.memref_slice %arg3[%add3A_299] : memref<819200xi32, #tpu.memory_space<hbm>> -> memref<512xi32, #tpu.memory_space<hbm>>
    tpu.enqueue_dma source(%dma_start3A_305 : memref<512xi32, #tpu.memory_space<hbm>>) target(%dma_start3A_304 : memref<512xi32, #tpu.memory_space<vmem>>) target_semaphore(%arg7 : memref<!tpu.dma_semaphore, #tpu.memory_space<semaphore_mem>>)
    %add3A_306 = arith.constant 622592 : i32
    %add3A_307 = arith.addi %add3A_306, %mul3A_2 : i32
    %dma_start3A_308 = arith.constant 19456 : i32
    %dma_start3A_309 = tpu.memref_slice %arg5[%dma_start3A_308] : memref<25600xi32, #tpu.memory_space<vmem>> -> memref<512xi32, #tpu.memory_space<vmem>>
    %dma_start3A_310 = tpu.memref_slice %arg3[%add3A_307] : memref<819200xi32, #tpu.memory_space<hbm>> -> memref<512xi32, #tpu.memory_space<hbm>>
    %dma_start3A_311 = arith.constant 19456 : i32
    %dma_start3A_312 = tpu.memref_slice %arg5[%dma_start3A_311] : memref<25600xi32, #tpu.memory_space<vmem>> -> memref<512xi32, #tpu.memory_space<vmem>>
    %dma_start3A_313 = tpu.memref_slice %arg3[%add3A_307] : memref<819200xi32, #tpu.memory_space<hbm>> -> memref<512xi32, #tpu.memory_space<hbm>>
    tpu.enqueue_dma source(%dma_start3A_313 : memref<512xi32, #tpu.memory_space<hbm>>) target(%dma_start3A_312 : memref<512xi32, #tpu.memory_space<vmem>>) target_semaphore(%arg7 : memref<!tpu.dma_semaphore, #tpu.memory_space<semaphore_mem>>)
    %add3A_314 = arith.constant 638976 : i32
    %add3A_315 = arith.addi %add3A_314, %mul3A_2 : i32
    %dma_start3A_316 = arith.constant 19968 : i32
    %dma_start3A_317 = tpu.memref_slice %arg5[%dma_start3A_316] : memref<25600xi32, #tpu.memory_space<vmem>> -> memref<512xi32, #tpu.memory_space<vmem>>
    %dma_start3A_318 = tpu.memref_slice %arg3[%add3A_315] : memref<819200xi32, #tpu.memory_space<hbm>> -> memref<512xi32, #tpu.memory_space<hbm>>
    %dma_start3A_319 = arith.constant 19968 : i32
    %dma_start3A_320 = tpu.memref_slice %arg5[%dma_start3A_319] : memref<25600xi32, #tpu.memory_space<vmem>> -> memref<512xi32, #tpu.memory_space<vmem>>
    %dma_start3A_321 = tpu.memref_slice %arg3[%add3A_315] : memref<819200xi32, #tpu.memory_space<hbm>> -> memref<512xi32, #tpu.memory_space<hbm>>
    tpu.enqueue_dma source(%dma_start3A_321 : memref<512xi32, #tpu.memory_space<hbm>>) target(%dma_start3A_320 : memref<512xi32, #tpu.memory_space<vmem>>) target_semaphore(%arg7 : memref<!tpu.dma_semaphore, #tpu.memory_space<semaphore_mem>>)
    %add3A_322 = arith.constant 655360 : i32
    %add3A_323 = arith.addi %add3A_322, %mul3A_2 : i32
    %dma_start3A_324 = arith.constant 20480 : i32
    %dma_start3A_325 = tpu.memref_slice %arg5[%dma_start3A_324] : memref<25600xi32, #tpu.memory_space<vmem>> -> memref<512xi32, #tpu.memory_space<vmem>>
    %dma_start3A_326 = tpu.memref_slice %arg3[%add3A_323] : memref<819200xi32, #tpu.memory_space<hbm>> -> memref<512xi32, #tpu.memory_space<hbm>>
    %dma_start3A_327 = arith.constant 20480 : i32
    %dma_start3A_328 = tpu.memref_slice %arg5[%dma_start3A_327] : memref<25600xi32, #tpu.memory_space<vmem>> -> memref<512xi32, #tpu.memory_space<vmem>>
    %dma_start3A_329 = tpu.memref_slice %arg3[%add3A_323] : memref<819200xi32, #tpu.memory_space<hbm>> -> memref<512xi32, #tpu.memory_space<hbm>>
    tpu.enqueue_dma source(%dma_start3A_329 : memref<512xi32, #tpu.memory_space<hbm>>) target(%dma_start3A_328 : memref<512xi32, #tpu.memory_space<vmem>>) target_semaphore(%arg7 : memref<!tpu.dma_semaphore, #tpu.memory_space<semaphore_mem>>)
    %add3A_330 = arith.constant 671744 : i32
    %add3A_331 = arith.addi %add3A_330, %mul3A_2 : i32
    %dma_start3A_332 = arith.constant 20992 : i32
    %dma_start3A_333 = tpu.memref_slice %arg5[%dma_start3A_332] : memref<25600xi32, #tpu.memory_space<vmem>> -> memref<512xi32, #tpu.memory_space<vmem>>
    %dma_start3A_334 = tpu.memref_slice %arg3[%add3A_331] : memref<819200xi32, #tpu.memory_space<hbm>> -> memref<512xi32, #tpu.memory_space<hbm>>
    %dma_start3A_335 = arith.constant 20992 : i32
    %dma_start3A_336 = tpu.memref_slice %arg5[%dma_start3A_335] : memref<25600xi32, #tpu.memory_space<vmem>> -> memref<512xi32, #tpu.memory_space<vmem>>
    %dma_start3A_337 = tpu.memref_slice %arg3[%add3A_331] : memref<819200xi32, #tpu.memory_space<hbm>> -> memref<512xi32, #tpu.memory_space<hbm>>
    tpu.enqueue_dma source(%dma_start3A_337 : memref<512xi32, #tpu.memory_space<hbm>>) target(%dma_start3A_336 : memref<512xi32, #tpu.memory_space<vmem>>) target_semaphore(%arg7 : memref<!tpu.dma_semaphore, #tpu.memory_space<semaphore_mem>>)
    %add3A_338 = arith.constant 688128 : i32
    %add3A_339 = arith.addi %add3A_338, %mul3A_2 : i32
    %dma_start3A_340 = arith.constant 21504 : i32
    %dma_start3A_341 = tpu.memref_slice %arg5[%dma_start3A_340] : memref<25600xi32, #tpu.memory_space<vmem>> -> memref<512xi32, #tpu.memory_space<vmem>>
    %dma_start3A_342 = tpu.memref_slice %arg3[%add3A_339] : memref<819200xi32, #tpu.memory_space<hbm>> -> memref<512xi32, #tpu.memory_space<hbm>>
    %dma_start3A_343 = arith.constant 21504 : i32
    %dma_start3A_344 = tpu.memref_slice %arg5[%dma_start3A_343] : memref<25600xi32, #tpu.memory_space<vmem>> -> memref<512xi32, #tpu.memory_space<vmem>>
    %dma_start3A_345 = tpu.memref_slice %arg3[%add3A_339] : memref<819200xi32, #tpu.memory_space<hbm>> -> memref<512xi32, #tpu.memory_space<hbm>>
    tpu.enqueue_dma source(%dma_start3A_345 : memref<512xi32, #tpu.memory_space<hbm>>) target(%dma_start3A_344 : memref<512xi32, #tpu.memory_space<vmem>>) target_semaphore(%arg7 : memref<!tpu.dma_semaphore, #tpu.memory_space<semaphore_mem>>)
    %add3A_346 = arith.constant 704512 : i32
    %add3A_347 = arith.addi %add3A_346, %mul3A_2 : i32
    %dma_start3A_348 = arith.constant 22016 : i32
    %dma_start3A_349 = tpu.memref_slice %arg5[%dma_start3A_348] : memref<25600xi32, #tpu.memory_space<vmem>> -> memref<512xi32, #tpu.memory_space<vmem>>
    %dma_start3A_350 = tpu.memref_slice %arg3[%add3A_347] : memref<819200xi32, #tpu.memory_space<hbm>> -> memref<512xi32, #tpu.memory_space<hbm>>
    %dma_start3A_351 = arith.constant 22016 : i32
    %dma_start3A_352 = tpu.memref_slice %arg5[%dma_start3A_351] : memref<25600xi32, #tpu.memory_space<vmem>> -> memref<512xi32, #tpu.memory_space<vmem>>
    %dma_start3A_353 = tpu.memref_slice %arg3[%add3A_347] : memref<819200xi32, #tpu.memory_space<hbm>> -> memref<512xi32, #tpu.memory_space<hbm>>
    tpu.enqueue_dma source(%dma_start3A_353 : memref<512xi32, #tpu.memory_space<hbm>>) target(%dma_start3A_352 : memref<512xi32, #tpu.memory_space<vmem>>) target_semaphore(%arg7 : memref<!tpu.dma_semaphore, #tpu.memory_space<semaphore_mem>>)
    %add3A_354 = arith.constant 720896 : i32
    %add3A_355 = arith.addi %add3A_354, %mul3A_2 : i32
    %dma_start3A_356 = arith.constant 22528 : i32
    %dma_start3A_357 = tpu.memref_slice %arg5[%dma_start3A_356] : memref<25600xi32, #tpu.memory_space<vmem>> -> memref<512xi32, #tpu.memory_space<vmem>>
    %dma_start3A_358 = tpu.memref_slice %arg3[%add3A_355] : memref<819200xi32, #tpu.memory_space<hbm>> -> memref<512xi32, #tpu.memory_space<hbm>>
    %dma_start3A_359 = arith.constant 22528 : i32
    %dma_start3A_360 = tpu.memref_slice %arg5[%dma_start3A_359] : memref<25600xi32, #tpu.memory_space<vmem>> -> memref<512xi32, #tpu.memory_space<vmem>>
    %dma_start3A_361 = tpu.memref_slice %arg3[%add3A_355] : memref<819200xi32, #tpu.memory_space<hbm>> -> memref<512xi32, #tpu.memory_space<hbm>>
    tpu.enqueue_dma source(%dma_start3A_361 : memref<512xi32, #tpu.memory_space<hbm>>) target(%dma_start3A_360 : memref<512xi32, #tpu.memory_space<vmem>>) target_semaphore(%arg7 : memref<!tpu.dma_semaphore, #tpu.memory_space<semaphore_mem>>)
    %add3A_362 = arith.constant 737280 : i32
    %add3A_363 = arith.addi %add3A_362, %mul3A_2 : i32
    %dma_start3A_364 = arith.constant 23040 : i32
    %dma_start3A_365 = tpu.memref_slice %arg5[%dma_start3A_364] : memref<25600xi32, #tpu.memory_space<vmem>> -> memref<512xi32, #tpu.memory_space<vmem>>
    %dma_start3A_366 = tpu.memref_slice %arg3[%add3A_363] : memref<819200xi32, #tpu.memory_space<hbm>> -> memref<512xi32, #tpu.memory_space<hbm>>
    %dma_start3A_367 = arith.constant 23040 : i32
    %dma_start3A_368 = tpu.memref_slice %arg5[%dma_start3A_367] : memref<25600xi32, #tpu.memory_space<vmem>> -> memref<512xi32, #tpu.memory_space<vmem>>
    %dma_start3A_369 = tpu.memref_slice %arg3[%add3A_363] : memref<819200xi32, #tpu.memory_space<hbm>> -> memref<512xi32, #tpu.memory_space<hbm>>
    tpu.enqueue_dma source(%dma_start3A_369 : memref<512xi32, #tpu.memory_space<hbm>>) target(%dma_start3A_368 : memref<512xi32, #tpu.memory_space<vmem>>) target_semaphore(%arg7 : memref<!tpu.dma_semaphore, #tpu.memory_space<semaphore_mem>>)
    %add3A_370 = arith.constant 753664 : i32
    %add3A_371 = arith.addi %add3A_370, %mul3A_2 : i32
    %dma_start3A_372 = arith.constant 23552 : i32
    %dma_start3A_373 = tpu.memref_slice %arg5[%dma_start3A_372] : memref<25600xi32, #tpu.memory_space<vmem>> -> memref<512xi32, #tpu.memory_space<vmem>>
    %dma_start3A_374 = tpu.memref_slice %arg3[%add3A_371] : memref<819200xi32, #tpu.memory_space<hbm>> -> memref<512xi32, #tpu.memory_space<hbm>>
    %dma_start3A_375 = arith.constant 23552 : i32
    %dma_start3A_376 = tpu.memref_slice %arg5[%dma_start3A_375] : memref<25600xi32, #tpu.memory_space<vmem>> -> memref<512xi32, #tpu.memory_space<vmem>>
    %dma_start3A_377 = tpu.memref_slice %arg3[%add3A_371] : memref<819200xi32, #tpu.memory_space<hbm>> -> memref<512xi32, #tpu.memory_space<hbm>>
    tpu.enqueue_dma source(%dma_start3A_377 : memref<512xi32, #tpu.memory_space<hbm>>) target(%dma_start3A_376 : memref<512xi32, #tpu.memory_space<vmem>>) target_semaphore(%arg7 : memref<!tpu.dma_semaphore, #tpu.memory_space<semaphore_mem>>)
    %add3A_378 = arith.constant 770048 : i32
    %add3A_379 = arith.addi %add3A_378, %mul3A_2 : i32
    %dma_start3A_380 = arith.constant 24064 : i32
    %dma_start3A_381 = tpu.memref_slice %arg5[%dma_start3A_380] : memref<25600xi32, #tpu.memory_space<vmem>> -> memref<512xi32, #tpu.memory_space<vmem>>
    %dma_start3A_382 = tpu.memref_slice %arg3[%add3A_379] : memref<819200xi32, #tpu.memory_space<hbm>> -> memref<512xi32, #tpu.memory_space<hbm>>
    %dma_start3A_383 = arith.constant 24064 : i32
    %dma_start3A_384 = tpu.memref_slice %arg5[%dma_start3A_383] : memref<25600xi32, #tpu.memory_space<vmem>> -> memref<512xi32, #tpu.memory_space<vmem>>
    %dma_start3A_385 = tpu.memref_slice %arg3[%add3A_379] : memref<819200xi32, #tpu.memory_space<hbm>> -> memref<512xi32, #tpu.memory_space<hbm>>
    tpu.enqueue_dma source(%dma_start3A_385 : memref<512xi32, #tpu.memory_space<hbm>>) target(%dma_start3A_384 : memref<512xi32, #tpu.memory_space<vmem>>) target_semaphore(%arg7 : memref<!tpu.dma_semaphore, #tpu.memory_space<semaphore_mem>>)
    %add3A_386 = arith.constant 786432 : i32
    %add3A_387 = arith.addi %add3A_386, %mul3A_2 : i32
    %dma_start3A_388 = arith.constant 24576 : i32
    %dma_start3A_389 = tpu.memref_slice %arg5[%dma_start3A_388] : memref<25600xi32, #tpu.memory_space<vmem>> -> memref<512xi32, #tpu.memory_space<vmem>>
    %dma_start3A_390 = tpu.memref_slice %arg3[%add3A_387] : memref<819200xi32, #tpu.memory_space<hbm>> -> memref<512xi32, #tpu.memory_space<hbm>>
    %dma_start3A_391 = arith.constant 24576 : i32
    %dma_start3A_392 = tpu.memref_slice %arg5[%dma_start3A_391] : memref<25600xi32, #tpu.memory_space<vmem>> -> memref<512xi32, #tpu.memory_space<vmem>>
    %dma_start3A_393 = tpu.memref_slice %arg3[%add3A_387] : memref<819200xi32, #tpu.memory_space<hbm>> -> memref<512xi32, #tpu.memory_space<hbm>>
    tpu.enqueue_dma source(%dma_start3A_393 : memref<512xi32, #tpu.memory_space<hbm>>) target(%dma_start3A_392 : memref<512xi32, #tpu.memory_space<vmem>>) target_semaphore(%arg7 : memref<!tpu.dma_semaphore, #tpu.memory_space<semaphore_mem>>)
    %add3A_394 = arith.constant 802816 : i32
    %add3A_395 = arith.addi %add3A_394, %mul3A_2 : i32
    %dma_start3A_396 = arith.constant 25088 : i32
    %dma_start3A_397 = tpu.memref_slice %arg5[%dma_start3A_396] : memref<25600xi32, #tpu.memory_space<vmem>> -> memref<512xi32, #tpu.memory_space<vmem>>
    %dma_start3A_398 = tpu.memref_slice %arg3[%add3A_395] : memref<819200xi32, #tpu.memory_space<hbm>> -> memref<512xi32, #tpu.memory_space<hbm>>
    %dma_start3A_399 = arith.constant 25088 : i32
    %dma_start3A_400 = tpu.memref_slice %arg5[%dma_start3A_399] : memref<25600xi32, #tpu.memory_space<vmem>> -> memref<512xi32, #tpu.memory_space<vmem>>
    %dma_start3A_401 = tpu.memref_slice %arg3[%add3A_395] : memref<819200xi32, #tpu.memory_space<hbm>> -> memref<512xi32, #tpu.memory_space<hbm>>
    tpu.enqueue_dma source(%dma_start3A_401 : memref<512xi32, #tpu.memory_space<hbm>>) target(%dma_start3A_400 : memref<512xi32, #tpu.memory_space<vmem>>) target_semaphore(%arg7 : memref<!tpu.dma_semaphore, #tpu.memory_space<semaphore_mem>>)
    %dma_wait3A = arith.constant 0 : i32
    %dma_wait3A_402 = tpu.memref_slice %arg5[%dma_wait3A] : memref<25600xi32, #tpu.memory_space<vmem>> -> memref<512xi32, #tpu.memory_space<vmem>>
    %dma_wait3A_403 = tpu.memref_slice %arg3[%add3A_4] : memref<819200xi32, #tpu.memory_space<hbm>> -> memref<512xi32, #tpu.memory_space<hbm>>
    %dma_wait3A_404 = arith.constant 0 : i32
    %dma_wait3A_405 = tpu.memref_slice %arg5[%dma_wait3A_404] : memref<25600xi32, #tpu.memory_space<vmem>> -> memref<512xi32, #tpu.memory_space<vmem>>
    %dma_wait3A_406 = tpu.memref_slice %arg3[%add3A_4] : memref<819200xi32, #tpu.memory_space<hbm>> -> memref<512xi32, #tpu.memory_space<hbm>>
    tpu.wait_dma2 semaphore(%arg7 : memref<!tpu.dma_semaphore, #tpu.memory_space<semaphore_mem>>) src(%dma_wait3A_406 : memref<512xi32, #tpu.memory_space<hbm>>) dst(%dma_wait3A_405 : memref<512xi32, #tpu.memory_space<vmem>>)
    %dma_wait3A_407 = arith.constant 512 : i32
    %dma_wait3A_408 = tpu.memref_slice %arg5[%dma_wait3A_407] : memref<25600xi32, #tpu.memory_space<vmem>> -> memref<512xi32, #tpu.memory_space<vmem>>
    %dma_wait3A_409 = tpu.memref_slice %arg3[%add3A_11] : memref<819200xi32, #tpu.memory_space<hbm>> -> memref<512xi32, #tpu.memory_space<hbm>>
    %dma_wait3A_410 = arith.constant 512 : i32
    %dma_wait3A_411 = tpu.memref_slice %arg5[%dma_wait3A_410] : memref<25600xi32, #tpu.memory_space<vmem>> -> memref<512xi32, #tpu.memory_space<vmem>>
    %dma_wait3A_412 = tpu.memref_slice %arg3[%add3A_11] : memref<819200xi32, #tpu.memory_space<hbm>> -> memref<512xi32, #tpu.memory_space<hbm>>
    tpu.wait_dma2 semaphore(%arg7 : memref<!tpu.dma_semaphore, #tpu.memory_space<semaphore_mem>>) src(%dma_wait3A_412 : memref<512xi32, #tpu.memory_space<hbm>>) dst(%dma_wait3A_411 : memref<512xi32, #tpu.memory_space<vmem>>)
    %dma_wait3A_413 = arith.constant 1024 : i32
    %dma_wait3A_414 = tpu.memref_slice %arg5[%dma_wait3A_413] : memref<25600xi32, #tpu.memory_space<vmem>> -> memref<512xi32, #tpu.memory_space<vmem>>
    %dma_wait3A_415 = tpu.memref_slice %arg3[%add3A_19] : memref<819200xi32, #tpu.memory_space<hbm>> -> memref<512xi32, #tpu.memory_space<hbm>>
    %dma_wait3A_416 = arith.constant 1024 : i32
    %dma_wait3A_417 = tpu.memref_slice %arg5[%dma_wait3A_416] : memref<25600xi32, #tpu.memory_space<vmem>> -> memref<512xi32, #tpu.memory_space<vmem>>
    %dma_wait3A_418 = tpu.memref_slice %arg3[%add3A_19] : memref<819200xi32, #tpu.memory_space<hbm>> -> memref<512xi32, #tpu.memory_space<hbm>>
    tpu.wait_dma2 semaphore(%arg7 : memref<!tpu.dma_semaphore, #tpu.memory_space<semaphore_mem>>) src(%dma_wait3A_418 : memref<512xi32, #tpu.memory_space<hbm>>) dst(%dma_wait3A_417 : memref<512xi32, #tpu.memory_space<vmem>>)
    %dma_wait3A_419 = arith.constant 1536 : i32
    %dma_wait3A_420 = tpu.memref_slice %arg5[%dma_wait3A_419] : memref<25600xi32, #tpu.memory_space<vmem>> -> memref<512xi32, #tpu.memory_space<vmem>>
    %dma_wait3A_421 = tpu.memref_slice %arg3[%add3A_27] : memref<819200xi32, #tpu.memory_space<hbm>> -> memref<512xi32, #tpu.memory_space<hbm>>
    %dma_wait3A_422 = arith.constant 1536 : i32
    %dma_wait3A_423 = tpu.memref_slice %arg5[%dma_wait3A_422] : memref<25600xi32, #tpu.memory_space<vmem>> -> memref<512xi32, #tpu.memory_space<vmem>>
    %dma_wait3A_424 = tpu.memref_slice %arg3[%add3A_27] : memref<819200xi32, #tpu.memory_space<hbm>> -> memref<512xi32, #tpu.memory_space<hbm>>
    tpu.wait_dma2 semaphore(%arg7 : memref<!tpu.dma_semaphore, #tpu.memory_space<semaphore_mem>>) src(%dma_wait3A_424 : memref<512xi32, #tpu.memory_space<hbm>>) dst(%dma_wait3A_423 : memref<512xi32, #tpu.memory_space<vmem>>)
    %dma_wait3A_425 = arith.constant 2048 : i32
    %dma_wait3A_426 = tpu.memref_slice %arg5[%dma_wait3A_425] : memref<25600xi32, #tpu.memory_space<vmem>> -> memref<512xi32, #tpu.memory_space<vmem>>
    %dma_wait3A_427 = tpu.memref_slice %arg3[%add3A_35] : memref<819200xi32, #tpu.memory_space<hbm>> -> memref<512xi32, #tpu.memory_space<hbm>>
    %dma_wait3A_428 = arith.constant 2048 : i32
    %dma_wait3A_429 = tpu.memref_slice %arg5[%dma_wait3A_428] : memref<25600xi32, #tpu.memory_space<vmem>> -> memref<512xi32, #tpu.memory_space<vmem>>
    %dma_wait3A_430 = tpu.memref_slice %arg3[%add3A_35] : memref<819200xi32, #tpu.memory_space<hbm>> -> memref<512xi32, #tpu.memory_space<hbm>>
    tpu.wait_dma2 semaphore(%arg7 : memref<!tpu.dma_semaphore, #tpu.memory_space<semaphore_mem>>) src(%dma_wait3A_430 : memref<512xi32, #tpu.memory_space<hbm>>) dst(%dma_wait3A_429 : memref<512xi32, #tpu.memory_space<vmem>>)
    %dma_wait3A_431 = arith.constant 2560 : i32
    %dma_wait3A_432 = tpu.memref_slice %arg5[%dma_wait3A_431] : memref<25600xi32, #tpu.memory_space<vmem>> -> memref<512xi32, #tpu.memory_space<vmem>>
    %dma_wait3A_433 = tpu.memref_slice %arg3[%add3A_43] : memref<819200xi32, #tpu.memory_space<hbm>> -> memref<512xi32, #tpu.memory_space<hbm>>
    %dma_wait3A_434 = arith.constant 2560 : i32
    %dma_wait3A_435 = tpu.memref_slice %arg5[%dma_wait3A_434] : memref<25600xi32, #tpu.memory_space<vmem>> -> memref<512xi32, #tpu.memory_space<vmem>>
    %dma_wait3A_436 = tpu.memref_slice %arg3[%add3A_43] : memref<819200xi32, #tpu.memory_space<hbm>> -> memref<512xi32, #tpu.memory_space<hbm>>
    tpu.wait_dma2 semaphore(%arg7 : memref<!tpu.dma_semaphore, #tpu.memory_space<semaphore_mem>>) src(%dma_wait3A_436 : memref<512xi32, #tpu.memory_space<hbm>>) dst(%dma_wait3A_435 : memref<512xi32, #tpu.memory_space<vmem>>)
    %dma_wait3A_437 = arith.constant 3072 : i32
    %dma_wait3A_438 = tpu.memref_slice %arg5[%dma_wait3A_437] : memref<25600xi32, #tpu.memory_space<vmem>> -> memref<512xi32, #tpu.memory_space<vmem>>
    %dma_wait3A_439 = tpu.memref_slice %arg3[%add3A_51] : memref<819200xi32, #tpu.memory_space<hbm>> -> memref<512xi32, #tpu.memory_space<hbm>>
    %dma_wait3A_440 = arith.constant 3072 : i32
    %dma_wait3A_441 = tpu.memref_slice %arg5[%dma_wait3A_440] : memref<25600xi32, #tpu.memory_space<vmem>> -> memref<512xi32, #tpu.memory_space<vmem>>
    %dma_wait3A_442 = tpu.memref_slice %arg3[%add3A_51] : memref<819200xi32, #tpu.memory_space<hbm>> -> memref<512xi32, #tpu.memory_space<hbm>>
    tpu.wait_dma2 semaphore(%arg7 : memref<!tpu.dma_semaphore, #tpu.memory_space<semaphore_mem>>) src(%dma_wait3A_442 : memref<512xi32, #tpu.memory_space<hbm>>) dst(%dma_wait3A_441 : memref<512xi32, #tpu.memory_space<vmem>>)
    %dma_wait3A_443 = arith.constant 3584 : i32
    %dma_wait3A_444 = tpu.memref_slice %arg5[%dma_wait3A_443] : memref<25600xi32, #tpu.memory_space<vmem>> -> memref<512xi32, #tpu.memory_space<vmem>>
    %dma_wait3A_445 = tpu.memref_slice %arg3[%add3A_59] : memref<819200xi32, #tpu.memory_space<hbm>> -> memref<512xi32, #tpu.memory_space<hbm>>
    %dma_wait3A_446 = arith.constant 3584 : i32
    %dma_wait3A_447 = tpu.memref_slice %arg5[%dma_wait3A_446] : memref<25600xi32, #tpu.memory_space<vmem>> -> memref<512xi32, #tpu.memory_space<vmem>>
    %dma_wait3A_448 = tpu.memref_slice %arg3[%add3A_59] : memref<819200xi32, #tpu.memory_space<hbm>> -> memref<512xi32, #tpu.memory_space<hbm>>
    tpu.wait_dma2 semaphore(%arg7 : memref<!tpu.dma_semaphore, #tpu.memory_space<semaphore_mem>>) src(%dma_wait3A_448 : memref<512xi32, #tpu.memory_space<hbm>>) dst(%dma_wait3A_447 : memref<512xi32, #tpu.memory_space<vmem>>)
    %dma_wait3A_449 = arith.constant 4096 : i32
    %dma_wait3A_450 = tpu.memref_slice %arg5[%dma_wait3A_449] : memref<25600xi32, #tpu.memory_space<vmem>> -> memref<512xi32, #tpu.memory_space<vmem>>
    %dma_wait3A_451 = tpu.memref_slice %arg3[%add3A_67] : memref<819200xi32, #tpu.memory_space<hbm>> -> memref<512xi32, #tpu.memory_space<hbm>>
    %dma_wait3A_452 = arith.constant 4096 : i32
    %dma_wait3A_453 = tpu.memref_slice %arg5[%dma_wait3A_452] : memref<25600xi32, #tpu.memory_space<vmem>> -> memref<512xi32, #tpu.memory_space<vmem>>
    %dma_wait3A_454 = tpu.memref_slice %arg3[%add3A_67] : memref<819200xi32, #tpu.memory_space<hbm>> -> memref<512xi32, #tpu.memory_space<hbm>>
    tpu.wait_dma2 semaphore(%arg7 : memref<!tpu.dma_semaphore, #tpu.memory_space<semaphore_mem>>) src(%dma_wait3A_454 : memref<512xi32, #tpu.memory_space<hbm>>) dst(%dma_wait3A_453 : memref<512xi32, #tpu.memory_space<vmem>>)
    %dma_wait3A_455 = arith.constant 4608 : i32
    %dma_wait3A_456 = tpu.memref_slice %arg5[%dma_wait3A_455] : memref<25600xi32, #tpu.memory_space<vmem>> -> memref<512xi32, #tpu.memory_space<vmem>>
    %dma_wait3A_457 = tpu.memref_slice %arg3[%add3A_75] : memref<819200xi32, #tpu.memory_space<hbm>> -> memref<512xi32, #tpu.memory_space<hbm>>
    %dma_wait3A_458 = arith.constant 4608 : i32
    %dma_wait3A_459 = tpu.memref_slice %arg5[%dma_wait3A_458] : memref<25600xi32, #tpu.memory_space<vmem>> -> memref<512xi32, #tpu.memory_space<vmem>>
    %dma_wait3A_460 = tpu.memref_slice %arg3[%add3A_75] : memref<819200xi32, #tpu.memory_space<hbm>> -> memref<512xi32, #tpu.memory_space<hbm>>
    tpu.wait_dma2 semaphore(%arg7 : memref<!tpu.dma_semaphore, #tpu.memory_space<semaphore_mem>>) src(%dma_wait3A_460 : memref<512xi32, #tpu.memory_space<hbm>>) dst(%dma_wait3A_459 : memref<512xi32, #tpu.memory_space<vmem>>)
    %dma_wait3A_461 = arith.constant 5120 : i32
    %dma_wait3A_462 = tpu.memref_slice %arg5[%dma_wait3A_461] : memref<25600xi32, #tpu.memory_space<vmem>> -> memref<512xi32, #tpu.memory_space<vmem>>
    %dma_wait3A_463 = tpu.memref_slice %arg3[%add3A_83] : memref<819200xi32, #tpu.memory_space<hbm>> -> memref<512xi32, #tpu.memory_space<hbm>>
    %dma_wait3A_464 = arith.constant 5120 : i32
    %dma_wait3A_465 = tpu.memref_slice %arg5[%dma_wait3A_464] : memref<25600xi32, #tpu.memory_space<vmem>> -> memref<512xi32, #tpu.memory_space<vmem>>
    %dma_wait3A_466 = tpu.memref_slice %arg3[%add3A_83] : memref<819200xi32, #tpu.memory_space<hbm>> -> memref<512xi32, #tpu.memory_space<hbm>>
    tpu.wait_dma2 semaphore(%arg7 : memref<!tpu.dma_semaphore, #tpu.memory_space<semaphore_mem>>) src(%dma_wait3A_466 : memref<512xi32, #tpu.memory_space<hbm>>) dst(%dma_wait3A_465 : memref<512xi32, #tpu.memory_space<vmem>>)
    %dma_wait3A_467 = arith.constant 5632 : i32
    %dma_wait3A_468 = tpu.memref_slice %arg5[%dma_wait3A_467] : memref<25600xi32, #tpu.memory_space<vmem>> -> memref<512xi32, #tpu.memory_space<vmem>>
    %dma_wait3A_469 = tpu.memref_slice %arg3[%add3A_91] : memref<819200xi32, #tpu.memory_space<hbm>> -> memref<512xi32, #tpu.memory_space<hbm>>
    %dma_wait3A_470 = arith.constant 5632 : i32
    %dma_wait3A_471 = tpu.memref_slice %arg5[%dma_wait3A_470] : memref<25600xi32, #tpu.memory_space<vmem>> -> memref<512xi32, #tpu.memory_space<vmem>>
    %dma_wait3A_472 = tpu.memref_slice %arg3[%add3A_91] : memref<819200xi32, #tpu.memory_space<hbm>> -> memref<512xi32, #tpu.memory_space<hbm>>
    tpu.wait_dma2 semaphore(%arg7 : memref<!tpu.dma_semaphore, #tpu.memory_space<semaphore_mem>>) src(%dma_wait3A_472 : memref<512xi32, #tpu.memory_space<hbm>>) dst(%dma_wait3A_471 : memref<512xi32, #tpu.memory_space<vmem>>)
    %dma_wait3A_473 = arith.constant 6144 : i32
    %dma_wait3A_474 = tpu.memref_slice %arg5[%dma_wait3A_473] : memref<25600xi32, #tpu.memory_space<vmem>> -> memref<512xi32, #tpu.memory_space<vmem>>
    %dma_wait3A_475 = tpu.memref_slice %arg3[%add3A_99] : memref<819200xi32, #tpu.memory_space<hbm>> -> memref<512xi32, #tpu.memory_space<hbm>>
    %dma_wait3A_476 = arith.constant 6144 : i32
    %dma_wait3A_477 = tpu.memref_slice %arg5[%dma_wait3A_476] : memref<25600xi32, #tpu.memory_space<vmem>> -> memref<512xi32, #tpu.memory_space<vmem>>
    %dma_wait3A_478 = tpu.memref_slice %arg3[%add3A_99] : memref<819200xi32, #tpu.memory_space<hbm>> -> memref<512xi32, #tpu.memory_space<hbm>>
    tpu.wait_dma2 semaphore(%arg7 : memref<!tpu.dma_semaphore, #tpu.memory_space<semaphore_mem>>) src(%dma_wait3A_478 : memref<512xi32, #tpu.memory_space<hbm>>) dst(%dma_wait3A_477 : memref<512xi32, #tpu.memory_space<vmem>>)
    %dma_wait3A_479 = arith.constant 6656 : i32
    %dma_wait3A_480 = tpu.memref_slice %arg5[%dma_wait3A_479] : memref<25600xi32, #tpu.memory_space<vmem>> -> memref<512xi32, #tpu.memory_space<vmem>>
    %dma_wait3A_481 = tpu.memref_slice %arg3[%add3A_107] : memref<819200xi32, #tpu.memory_space<hbm>> -> memref<512xi32, #tpu.memory_space<hbm>>
    %dma_wait3A_482 = arith.constant 6656 : i32
    %dma_wait3A_483 = tpu.memref_slice %arg5[%dma_wait3A_482] : memref<25600xi32, #tpu.memory_space<vmem>> -> memref<512xi32, #tpu.memory_space<vmem>>
    %dma_wait3A_484 = tpu.memref_slice %arg3[%add3A_107] : memref<819200xi32, #tpu.memory_space<hbm>> -> memref<512xi32, #tpu.memory_space<hbm>>
    tpu.wait_dma2 semaphore(%arg7 : memref<!tpu.dma_semaphore, #tpu.memory_space<semaphore_mem>>) src(%dma_wait3A_484 : memref<512xi32, #tpu.memory_space<hbm>>) dst(%dma_wait3A_483 : memref<512xi32, #tpu.memory_space<vmem>>)
    %dma_wait3A_485 = arith.constant 7168 : i32
    %dma_wait3A_486 = tpu.memref_slice %arg5[%dma_wait3A_485] : memref<25600xi32, #tpu.memory_space<vmem>> -> memref<512xi32, #tpu.memory_space<vmem>>
    %dma_wait3A_487 = tpu.memref_slice %arg3[%add3A_115] : memref<819200xi32, #tpu.memory_space<hbm>> -> memref<512xi32, #tpu.memory_space<hbm>>
    %dma_wait3A_488 = arith.constant 7168 : i32
    %dma_wait3A_489 = tpu.memref_slice %arg5[%dma_wait3A_488] : memref<25600xi32, #tpu.memory_space<vmem>> -> memref<512xi32, #tpu.memory_space<vmem>>
    %dma_wait3A_490 = tpu.memref_slice %arg3[%add3A_115] : memref<819200xi32, #tpu.memory_space<hbm>> -> memref<512xi32, #tpu.memory_space<hbm>>
    tpu.wait_dma2 semaphore(%arg7 : memref<!tpu.dma_semaphore, #tpu.memory_space<semaphore_mem>>) src(%dma_wait3A_490 : memref<512xi32, #tpu.memory_space<hbm>>) dst(%dma_wait3A_489 : memref<512xi32, #tpu.memory_space<vmem>>)
    %dma_wait3A_491 = arith.constant 7680 : i32
    %dma_wait3A_492 = tpu.memref_slice %arg5[%dma_wait3A_491] : memref<25600xi32, #tpu.memory_space<vmem>> -> memref<512xi32, #tpu.memory_space<vmem>>
    %dma_wait3A_493 = tpu.memref_slice %arg3[%add3A_123] : memref<819200xi32, #tpu.memory_space<hbm>> -> memref<512xi32, #tpu.memory_space<hbm>>
    %dma_wait3A_494 = arith.constant 7680 : i32
    %dma_wait3A_495 = tpu.memref_slice %arg5[%dma_wait3A_494] : memref<25600xi32, #tpu.memory_space<vmem>> -> memref<512xi32, #tpu.memory_space<vmem>>
    %dma_wait3A_496 = tpu.memref_slice %arg3[%add3A_123] : memref<819200xi32, #tpu.memory_space<hbm>> -> memref<512xi32, #tpu.memory_space<hbm>>
    tpu.wait_dma2 semaphore(%arg7 : memref<!tpu.dma_semaphore, #tpu.memory_space<semaphore_mem>>) src(%dma_wait3A_496 : memref<512xi32, #tpu.memory_space<hbm>>) dst(%dma_wait3A_495 : memref<512xi32, #tpu.memory_space<vmem>>)
    %dma_wait3A_497 = arith.constant 8192 : i32
    %dma_wait3A_498 = tpu.memref_slice %arg5[%dma_wait3A_497] : memref<25600xi32, #tpu.memory_space<vmem>> -> memref<512xi32, #tpu.memory_space<vmem>>
    %dma_wait3A_499 = tpu.memref_slice %arg3[%add3A_131] : memref<819200xi32, #tpu.memory_space<hbm>> -> memref<512xi32, #tpu.memory_space<hbm>>
    %dma_wait3A_500 = arith.constant 8192 : i32
    %dma_wait3A_501 = tpu.memref_slice %arg5[%dma_wait3A_500] : memref<25600xi32, #tpu.memory_space<vmem>> -> memref<512xi32, #tpu.memory_space<vmem>>
    %dma_wait3A_502 = tpu.memref_slice %arg3[%add3A_131] : memref<819200xi32, #tpu.memory_space<hbm>> -> memref<512xi32, #tpu.memory_space<hbm>>
    tpu.wait_dma2 semaphore(%arg7 : memref<!tpu.dma_semaphore, #tpu.memory_space<semaphore_mem>>) src(%dma_wait3A_502 : memref<512xi32, #tpu.memory_space<hbm>>) dst(%dma_wait3A_501 : memref<512xi32, #tpu.memory_space<vmem>>)
    %dma_wait3A_503 = arith.constant 8704 : i32
    %dma_wait3A_504 = tpu.memref_slice %arg5[%dma_wait3A_503] : memref<25600xi32, #tpu.memory_space<vmem>> -> memref<512xi32, #tpu.memory_space<vmem>>
    %dma_wait3A_505 = tpu.memref_slice %arg3[%add3A_139] : memref<819200xi32, #tpu.memory_space<hbm>> -> memref<512xi32, #tpu.memory_space<hbm>>
    %dma_wait3A_506 = arith.constant 8704 : i32
    %dma_wait3A_507 = tpu.memref_slice %arg5[%dma_wait3A_506] : memref<25600xi32, #tpu.memory_space<vmem>> -> memref<512xi32, #tpu.memory_space<vmem>>
    %dma_wait3A_508 = tpu.memref_slice %arg3[%add3A_139] : memref<819200xi32, #tpu.memory_space<hbm>> -> memref<512xi32, #tpu.memory_space<hbm>>
    tpu.wait_dma2 semaphore(%arg7 : memref<!tpu.dma_semaphore, #tpu.memory_space<semaphore_mem>>) src(%dma_wait3A_508 : memref<512xi32, #tpu.memory_space<hbm>>) dst(%dma_wait3A_507 : memref<512xi32, #tpu.memory_space<vmem>>)
    %dma_wait3A_509 = arith.constant 9216 : i32
    %dma_wait3A_510 = tpu.memref_slice %arg5[%dma_wait3A_509] : memref<25600xi32, #tpu.memory_space<vmem>> -> memref<512xi32, #tpu.memory_space<vmem>>
    %dma_wait3A_511 = tpu.memref_slice %arg3[%add3A_147] : memref<819200xi32, #tpu.memory_space<hbm>> -> memref<512xi32, #tpu.memory_space<hbm>>
    %dma_wait3A_512 = arith.constant 9216 : i32
    %dma_wait3A_513 = tpu.memref_slice %arg5[%dma_wait3A_512] : memref<25600xi32, #tpu.memory_space<vmem>> -> memref<512xi32, #tpu.memory_space<vmem>>
    %dma_wait3A_514 = tpu.memref_slice %arg3[%add3A_147] : memref<819200xi32, #tpu.memory_space<hbm>> -> memref<512xi32, #tpu.memory_space<hbm>>
    tpu.wait_dma2 semaphore(%arg7 : memref<!tpu.dma_semaphore, #tpu.memory_space<semaphore_mem>>) src(%dma_wait3A_514 : memref<512xi32, #tpu.memory_space<hbm>>) dst(%dma_wait3A_513 : memref<512xi32, #tpu.memory_space<vmem>>)
    %dma_wait3A_515 = arith.constant 9728 : i32
    %dma_wait3A_516 = tpu.memref_slice %arg5[%dma_wait3A_515] : memref<25600xi32, #tpu.memory_space<vmem>> -> memref<512xi32, #tpu.memory_space<vmem>>
    %dma_wait3A_517 = tpu.memref_slice %arg3[%add3A_155] : memref<819200xi32, #tpu.memory_space<hbm>> -> memref<512xi32, #tpu.memory_space<hbm>>
    %dma_wait3A_518 = arith.constant 9728 : i32
    %dma_wait3A_519 = tpu.memref_slice %arg5[%dma_wait3A_518] : memref<25600xi32, #tpu.memory_space<vmem>> -> memref<512xi32, #tpu.memory_space<vmem>>
    %dma_wait3A_520 = tpu.memref_slice %arg3[%add3A_155] : memref<819200xi32, #tpu.memory_space<hbm>> -> memref<512xi32, #tpu.memory_space<hbm>>
    tpu.wait_dma2 semaphore(%arg7 : memref<!tpu.dma_semaphore, #tpu.memory_space<semaphore_mem>>) src(%dma_wait3A_520 : memref<512xi32, #tpu.memory_space<hbm>>) dst(%dma_wait3A_519 : memref<512xi32, #tpu.memory_space<vmem>>)
    %dma_wait3A_521 = arith.constant 10240 : i32
    %dma_wait3A_522 = tpu.memref_slice %arg5[%dma_wait3A_521] : memref<25600xi32, #tpu.memory_space<vmem>> -> memref<512xi32, #tpu.memory_space<vmem>>
    %dma_wait3A_523 = tpu.memref_slice %arg3[%add3A_163] : memref<819200xi32, #tpu.memory_space<hbm>> -> memref<512xi32, #tpu.memory_space<hbm>>
    %dma_wait3A_524 = arith.constant 10240 : i32
    %dma_wait3A_525 = tpu.memref_slice %arg5[%dma_wait3A_524] : memref<25600xi32, #tpu.memory_space<vmem>> -> memref<512xi32, #tpu.memory_space<vmem>>
    %dma_wait3A_526 = tpu.memref_slice %arg3[%add3A_163] : memref<819200xi32, #tpu.memory_space<hbm>> -> memref<512xi32, #tpu.memory_space<hbm>>
    tpu.wait_dma2 semaphore(%arg7 : memref<!tpu.dma_semaphore, #tpu.memory_space<semaphore_mem>>) src(%dma_wait3A_526 : memref<512xi32, #tpu.memory_space<hbm>>) dst(%dma_wait3A_525 : memref<512xi32, #tpu.memory_space<vmem>>)
    %dma_wait3A_527 = arith.constant 10752 : i32
    %dma_wait3A_528 = tpu.memref_slice %arg5[%dma_wait3A_527] : memref<25600xi32, #tpu.memory_space<vmem>> -> memref<512xi32, #tpu.memory_space<vmem>>
    %dma_wait3A_529 = tpu.memref_slice %arg3[%add3A_171] : memref<819200xi32, #tpu.memory_space<hbm>> -> memref<512xi32, #tpu.memory_space<hbm>>
    %dma_wait3A_530 = arith.constant 10752 : i32
    %dma_wait3A_531 = tpu.memref_slice %arg5[%dma_wait3A_530] : memref<25600xi32, #tpu.memory_space<vmem>> -> memref<512xi32, #tpu.memory_space<vmem>>
    %dma_wait3A_532 = tpu.memref_slice %arg3[%add3A_171] : memref<819200xi32, #tpu.memory_space<hbm>> -> memref<512xi32, #tpu.memory_space<hbm>>
    tpu.wait_dma2 semaphore(%arg7 : memref<!tpu.dma_semaphore, #tpu.memory_space<semaphore_mem>>) src(%dma_wait3A_532 : memref<512xi32, #tpu.memory_space<hbm>>) dst(%dma_wait3A_531 : memref<512xi32, #tpu.memory_space<vmem>>)
    %dma_wait3A_533 = arith.constant 11264 : i32
    %dma_wait3A_534 = tpu.memref_slice %arg5[%dma_wait3A_533] : memref<25600xi32, #tpu.memory_space<vmem>> -> memref<512xi32, #tpu.memory_space<vmem>>
    %dma_wait3A_535 = tpu.memref_slice %arg3[%add3A_179] : memref<819200xi32, #tpu.memory_space<hbm>> -> memref<512xi32, #tpu.memory_space<hbm>>
    %dma_wait3A_536 = arith.constant 11264 : i32
    %dma_wait3A_537 = tpu.memref_slice %arg5[%dma_wait3A_536] : memref<25600xi32, #tpu.memory_space<vmem>> -> memref<512xi32, #tpu.memory_space<vmem>>
    %dma_wait3A_538 = tpu.memref_slice %arg3[%add3A_179] : memref<819200xi32, #tpu.memory_space<hbm>> -> memref<512xi32, #tpu.memory_space<hbm>>
    tpu.wait_dma2 semaphore(%arg7 : memref<!tpu.dma_semaphore, #tpu.memory_space<semaphore_mem>>) src(%dma_wait3A_538 : memref<512xi32, #tpu.memory_space<hbm>>) dst(%dma_wait3A_537 : memref<512xi32, #tpu.memory_space<vmem>>)
    %dma_wait3A_539 = arith.constant 11776 : i32
    %dma_wait3A_540 = tpu.memref_slice %arg5[%dma_wait3A_539] : memref<25600xi32, #tpu.memory_space<vmem>> -> memref<512xi32, #tpu.memory_space<vmem>>
    %dma_wait3A_541 = tpu.memref_slice %arg3[%add3A_187] : memref<819200xi32, #tpu.memory_space<hbm>> -> memref<512xi32, #tpu.memory_space<hbm>>
    %dma_wait3A_542 = arith.constant 11776 : i32
    %dma_wait3A_543 = tpu.memref_slice %arg5[%dma_wait3A_542] : memref<25600xi32, #tpu.memory_space<vmem>> -> memref<512xi32, #tpu.memory_space<vmem>>
    %dma_wait3A_544 = tpu.memref_slice %arg3[%add3A_187] : memref<819200xi32, #tpu.memory_space<hbm>> -> memref<512xi32, #tpu.memory_space<hbm>>
    tpu.wait_dma2 semaphore(%arg7 : memref<!tpu.dma_semaphore, #tpu.memory_space<semaphore_mem>>) src(%dma_wait3A_544 : memref<512xi32, #tpu.memory_space<hbm>>) dst(%dma_wait3A_543 : memref<512xi32, #tpu.memory_space<vmem>>)
    %dma_wait3A_545 = arith.constant 12288 : i32
    %dma_wait3A_546 = tpu.memref_slice %arg5[%dma_wait3A_545] : memref<25600xi32, #tpu.memory_space<vmem>> -> memref<512xi32, #tpu.memory_space<vmem>>
    %dma_wait3A_547 = tpu.memref_slice %arg3[%add3A_195] : memref<819200xi32, #tpu.memory_space<hbm>> -> memref<512xi32, #tpu.memory_space<hbm>>
    %dma_wait3A_548 = arith.constant 12288 : i32
    %dma_wait3A_549 = tpu.memref_slice %arg5[%dma_wait3A_548] : memref<25600xi32, #tpu.memory_space<vmem>> -> memref<512xi32, #tpu.memory_space<vmem>>
    %dma_wait3A_550 = tpu.memref_slice %arg3[%add3A_195] : memref<819200xi32, #tpu.memory_space<hbm>> -> memref<512xi32, #tpu.memory_space<hbm>>
    tpu.wait_dma2 semaphore(%arg7 : memref<!tpu.dma_semaphore, #tpu.memory_space<semaphore_mem>>) src(%dma_wait3A_550 : memref<512xi32, #tpu.memory_space<hbm>>) dst(%dma_wait3A_549 : memref<512xi32, #tpu.memory_space<vmem>>)
    %dma_wait3A_551 = arith.constant 12800 : i32
    %dma_wait3A_552 = tpu.memref_slice %arg5[%dma_wait3A_551] : memref<25600xi32, #tpu.memory_space<vmem>> -> memref<512xi32, #tpu.memory_space<vmem>>
    %dma_wait3A_553 = tpu.memref_slice %arg3[%add3A_203] : memref<819200xi32, #tpu.memory_space<hbm>> -> memref<512xi32, #tpu.memory_space<hbm>>
    %dma_wait3A_554 = arith.constant 12800 : i32
    %dma_wait3A_555 = tpu.memref_slice %arg5[%dma_wait3A_554] : memref<25600xi32, #tpu.memory_space<vmem>> -> memref<512xi32, #tpu.memory_space<vmem>>
    %dma_wait3A_556 = tpu.memref_slice %arg3[%add3A_203] : memref<819200xi32, #tpu.memory_space<hbm>> -> memref<512xi32, #tpu.memory_space<hbm>>
    tpu.wait_dma2 semaphore(%arg7 : memref<!tpu.dma_semaphore, #tpu.memory_space<semaphore_mem>>) src(%dma_wait3A_556 : memref<512xi32, #tpu.memory_space<hbm>>) dst(%dma_wait3A_555 : memref<512xi32, #tpu.memory_space<vmem>>)
    %dma_wait3A_557 = arith.constant 13312 : i32
    %dma_wait3A_558 = tpu.memref_slice %arg5[%dma_wait3A_557] : memref<25600xi32, #tpu.memory_space<vmem>> -> memref<512xi32, #tpu.memory_space<vmem>>
    %dma_wait3A_559 = tpu.memref_slice %arg3[%add3A_211] : memref<819200xi32, #tpu.memory_space<hbm>> -> memref<512xi32, #tpu.memory_space<hbm>>
    %dma_wait3A_560 = arith.constant 13312 : i32
    %dma_wait3A_561 = tpu.memref_slice %arg5[%dma_wait3A_560] : memref<25600xi32, #tpu.memory_space<vmem>> -> memref<512xi32, #tpu.memory_space<vmem>>
    %dma_wait3A_562 = tpu.memref_slice %arg3[%add3A_211] : memref<819200xi32, #tpu.memory_space<hbm>> -> memref<512xi32, #tpu.memory_space<hbm>>
    tpu.wait_dma2 semaphore(%arg7 : memref<!tpu.dma_semaphore, #tpu.memory_space<semaphore_mem>>) src(%dma_wait3A_562 : memref<512xi32, #tpu.memory_space<hbm>>) dst(%dma_wait3A_561 : memref<512xi32, #tpu.memory_space<vmem>>)
    %dma_wait3A_563 = arith.constant 13824 : i32
    %dma_wait3A_564 = tpu.memref_slice %arg5[%dma_wait3A_563] : memref<25600xi32, #tpu.memory_space<vmem>> -> memref<512xi32, #tpu.memory_space<vmem>>
    %dma_wait3A_565 = tpu.memref_slice %arg3[%add3A_219] : memref<819200xi32, #tpu.memory_space<hbm>> -> memref<512xi32, #tpu.memory_space<hbm>>
    %dma_wait3A_566 = arith.constant 13824 : i32
    %dma_wait3A_567 = tpu.memref_slice %arg5[%dma_wait3A_566] : memref<25600xi32, #tpu.memory_space<vmem>> -> memref<512xi32, #tpu.memory_space<vmem>>
    %dma_wait3A_568 = tpu.memref_slice %arg3[%add3A_219] : memref<819200xi32, #tpu.memory_space<hbm>> -> memref<512xi32, #tpu.memory_space<hbm>>
    tpu.wait_dma2 semaphore(%arg7 : memref<!tpu.dma_semaphore, #tpu.memory_space<semaphore_mem>>) src(%dma_wait3A_568 : memref<512xi32, #tpu.memory_space<hbm>>) dst(%dma_wait3A_567 : memref<512xi32, #tpu.memory_space<vmem>>)
    %dma_wait3A_569 = arith.constant 14336 : i32
    %dma_wait3A_570 = tpu.memref_slice %arg5[%dma_wait3A_569] : memref<25600xi32, #tpu.memory_space<vmem>> -> memref<512xi32, #tpu.memory_space<vmem>>
    %dma_wait3A_571 = tpu.memref_slice %arg3[%add3A_227] : memref<819200xi32, #tpu.memory_space<hbm>> -> memref<512xi32, #tpu.memory_space<hbm>>
    %dma_wait3A_572 = arith.constant 14336 : i32
    %dma_wait3A_573 = tpu.memref_slice %arg5[%dma_wait3A_572] : memref<25600xi32, #tpu.memory_space<vmem>> -> memref<512xi32, #tpu.memory_space<vmem>>
    %dma_wait3A_574 = tpu.memref_slice %arg3[%add3A_227] : memref<819200xi32, #tpu.memory_space<hbm>> -> memref<512xi32, #tpu.memory_space<hbm>>
    tpu.wait_dma2 semaphore(%arg7 : memref<!tpu.dma_semaphore, #tpu.memory_space<semaphore_mem>>) src(%dma_wait3A_574 : memref<512xi32, #tpu.memory_space<hbm>>) dst(%dma_wait3A_573 : memref<512xi32, #tpu.memory_space<vmem>>)
    %dma_wait3A_575 = arith.constant 14848 : i32
    %dma_wait3A_576 = tpu.memref_slice %arg5[%dma_wait3A_575] : memref<25600xi32, #tpu.memory_space<vmem>> -> memref<512xi32, #tpu.memory_space<vmem>>
    %dma_wait3A_577 = tpu.memref_slice %arg3[%add3A_235] : memref<819200xi32, #tpu.memory_space<hbm>> -> memref<512xi32, #tpu.memory_space<hbm>>
    %dma_wait3A_578 = arith.constant 14848 : i32
    %dma_wait3A_579 = tpu.memref_slice %arg5[%dma_wait3A_578] : memref<25600xi32, #tpu.memory_space<vmem>> -> memref<512xi32, #tpu.memory_space<vmem>>
    %dma_wait3A_580 = tpu.memref_slice %arg3[%add3A_235] : memref<819200xi32, #tpu.memory_space<hbm>> -> memref<512xi32, #tpu.memory_space<hbm>>
    tpu.wait_dma2 semaphore(%arg7 : memref<!tpu.dma_semaphore, #tpu.memory_space<semaphore_mem>>) src(%dma_wait3A_580 : memref<512xi32, #tpu.memory_space<hbm>>) dst(%dma_wait3A_579 : memref<512xi32, #tpu.memory_space<vmem>>)
    %dma_wait3A_581 = arith.constant 15360 : i32
    %dma_wait3A_582 = tpu.memref_slice %arg5[%dma_wait3A_581] : memref<25600xi32, #tpu.memory_space<vmem>> -> memref<512xi32, #tpu.memory_space<vmem>>
    %dma_wait3A_583 = tpu.memref_slice %arg3[%add3A_243] : memref<819200xi32, #tpu.memory_space<hbm>> -> memref<512xi32, #tpu.memory_space<hbm>>
    %dma_wait3A_584 = arith.constant 15360 : i32
    %dma_wait3A_585 = tpu.memref_slice %arg5[%dma_wait3A_584] : memref<25600xi32, #tpu.memory_space<vmem>> -> memref<512xi32, #tpu.memory_space<vmem>>
    %dma_wait3A_586 = tpu.memref_slice %arg3[%add3A_243] : memref<819200xi32, #tpu.memory_space<hbm>> -> memref<512xi32, #tpu.memory_space<hbm>>
    tpu.wait_dma2 semaphore(%arg7 : memref<!tpu.dma_semaphore, #tpu.memory_space<semaphore_mem>>) src(%dma_wait3A_586 : memref<512xi32, #tpu.memory_space<hbm>>) dst(%dma_wait3A_585 : memref<512xi32, #tpu.memory_space<vmem>>)
    %dma_wait3A_587 = arith.constant 15872 : i32
    %dma_wait3A_588 = tpu.memref_slice %arg5[%dma_wait3A_587] : memref<25600xi32, #tpu.memory_space<vmem>> -> memref<512xi32, #tpu.memory_space<vmem>>
    %dma_wait3A_589 = tpu.memref_slice %arg3[%add3A_251] : memref<819200xi32, #tpu.memory_space<hbm>> -> memref<512xi32, #tpu.memory_space<hbm>>
    %dma_wait3A_590 = arith.constant 15872 : i32
    %dma_wait3A_591 = tpu.memref_slice %arg5[%dma_wait3A_590] : memref<25600xi32, #tpu.memory_space<vmem>> -> memref<512xi32, #tpu.memory_space<vmem>>
    %dma_wait3A_592 = tpu.memref_slice %arg3[%add3A_251] : memref<819200xi32, #tpu.memory_space<hbm>> -> memref<512xi32, #tpu.memory_space<hbm>>
    tpu.wait_dma2 semaphore(%arg7 : memref<!tpu.dma_semaphore, #tpu.memory_space<semaphore_mem>>) src(%dma_wait3A_592 : memref<512xi32, #tpu.memory_space<hbm>>) dst(%dma_wait3A_591 : memref<512xi32, #tpu.memory_space<vmem>>)
    %dma_wait3A_593 = arith.constant 16384 : i32
    %dma_wait3A_594 = tpu.memref_slice %arg5[%dma_wait3A_593] : memref<25600xi32, #tpu.memory_space<vmem>> -> memref<512xi32, #tpu.memory_space<vmem>>
    %dma_wait3A_595 = tpu.memref_slice %arg3[%add3A_259] : memref<819200xi32, #tpu.memory_space<hbm>> -> memref<512xi32, #tpu.memory_space<hbm>>
    %dma_wait3A_596 = arith.constant 16384 : i32
    %dma_wait3A_597 = tpu.memref_slice %arg5[%dma_wait3A_596] : memref<25600xi32, #tpu.memory_space<vmem>> -> memref<512xi32, #tpu.memory_space<vmem>>
    %dma_wait3A_598 = tpu.memref_slice %arg3[%add3A_259] : memref<819200xi32, #tpu.memory_space<hbm>> -> memref<512xi32, #tpu.memory_space<hbm>>
    tpu.wait_dma2 semaphore(%arg7 : memref<!tpu.dma_semaphore, #tpu.memory_space<semaphore_mem>>) src(%dma_wait3A_598 : memref<512xi32, #tpu.memory_space<hbm>>) dst(%dma_wait3A_597 : memref<512xi32, #tpu.memory_space<vmem>>)
    %dma_wait3A_599 = arith.constant 16896 : i32
    %dma_wait3A_600 = tpu.memref_slice %arg5[%dma_wait3A_599] : memref<25600xi32, #tpu.memory_space<vmem>> -> memref<512xi32, #tpu.memory_space<vmem>>
    %dma_wait3A_601 = tpu.memref_slice %arg3[%add3A_267] : memref<819200xi32, #tpu.memory_space<hbm>> -> memref<512xi32, #tpu.memory_space<hbm>>
    %dma_wait3A_602 = arith.constant 16896 : i32
    %dma_wait3A_603 = tpu.memref_slice %arg5[%dma_wait3A_602] : memref<25600xi32, #tpu.memory_space<vmem>> -> memref<512xi32, #tpu.memory_space<vmem>>
    %dma_wait3A_604 = tpu.memref_slice %arg3[%add3A_267] : memref<819200xi32, #tpu.memory_space<hbm>> -> memref<512xi32, #tpu.memory_space<hbm>>
    tpu.wait_dma2 semaphore(%arg7 : memref<!tpu.dma_semaphore, #tpu.memory_space<semaphore_mem>>) src(%dma_wait3A_604 : memref<512xi32, #tpu.memory_space<hbm>>) dst(%dma_wait3A_603 : memref<512xi32, #tpu.memory_space<vmem>>)
    %dma_wait3A_605 = arith.constant 17408 : i32
    %dma_wait3A_606 = tpu.memref_slice %arg5[%dma_wait3A_605] : memref<25600xi32, #tpu.memory_space<vmem>> -> memref<512xi32, #tpu.memory_space<vmem>>
    %dma_wait3A_607 = tpu.memref_slice %arg3[%add3A_275] : memref<819200xi32, #tpu.memory_space<hbm>> -> memref<512xi32, #tpu.memory_space<hbm>>
    %dma_wait3A_608 = arith.constant 17408 : i32
    %dma_wait3A_609 = tpu.memref_slice %arg5[%dma_wait3A_608] : memref<25600xi32, #tpu.memory_space<vmem>> -> memref<512xi32, #tpu.memory_space<vmem>>
    %dma_wait3A_610 = tpu.memref_slice %arg3[%add3A_275] : memref<819200xi32, #tpu.memory_space<hbm>> -> memref<512xi32, #tpu.memory_space<hbm>>
    tpu.wait_dma2 semaphore(%arg7 : memref<!tpu.dma_semaphore, #tpu.memory_space<semaphore_mem>>) src(%dma_wait3A_610 : memref<512xi32, #tpu.memory_space<hbm>>) dst(%dma_wait3A_609 : memref<512xi32, #tpu.memory_space<vmem>>)
    %dma_wait3A_611 = arith.constant 17920 : i32
    %dma_wait3A_612 = tpu.memref_slice %arg5[%dma_wait3A_611] : memref<25600xi32, #tpu.memory_space<vmem>> -> memref<512xi32, #tpu.memory_space<vmem>>
    %dma_wait3A_613 = tpu.memref_slice %arg3[%add3A_283] : memref<819200xi32, #tpu.memory_space<hbm>> -> memref<512xi32, #tpu.memory_space<hbm>>
    %dma_wait3A_614 = arith.constant 17920 : i32
    %dma_wait3A_615 = tpu.memref_slice %arg5[%dma_wait3A_614] : memref<25600xi32, #tpu.memory_space<vmem>> -> memref<512xi32, #tpu.memory_space<vmem>>
    %dma_wait3A_616 = tpu.memref_slice %arg3[%add3A_283] : memref<819200xi32, #tpu.memory_space<hbm>> -> memref<512xi32, #tpu.memory_space<hbm>>
    tpu.wait_dma2 semaphore(%arg7 : memref<!tpu.dma_semaphore, #tpu.memory_space<semaphore_mem>>) src(%dma_wait3A_616 : memref<512xi32, #tpu.memory_space<hbm>>) dst(%dma_wait3A_615 : memref<512xi32, #tpu.memory_space<vmem>>)
    %dma_wait3A_617 = arith.constant 18432 : i32
    %dma_wait3A_618 = tpu.memref_slice %arg5[%dma_wait3A_617] : memref<25600xi32, #tpu.memory_space<vmem>> -> memref<512xi32, #tpu.memory_space<vmem>>
    %dma_wait3A_619 = tpu.memref_slice %arg3[%add3A_291] : memref<819200xi32, #tpu.memory_space<hbm>> -> memref<512xi32, #tpu.memory_space<hbm>>
    %dma_wait3A_620 = arith.constant 18432 : i32
    %dma_wait3A_621 = tpu.memref_slice %arg5[%dma_wait3A_620] : memref<25600xi32, #tpu.memory_space<vmem>> -> memref<512xi32, #tpu.memory_space<vmem>>
    %dma_wait3A_622 = tpu.memref_slice %arg3[%add3A_291] : memref<819200xi32, #tpu.memory_space<hbm>> -> memref<512xi32, #tpu.memory_space<hbm>>
    tpu.wait_dma2 semaphore(%arg7 : memref<!tpu.dma_semaphore, #tpu.memory_space<semaphore_mem>>) src(%dma_wait3A_622 : memref<512xi32, #tpu.memory_space<hbm>>) dst(%dma_wait3A_621 : memref<512xi32, #tpu.memory_space<vmem>>)
    %dma_wait3A_623 = arith.constant 18944 : i32
    %dma_wait3A_624 = tpu.memref_slice %arg5[%dma_wait3A_623] : memref<25600xi32, #tpu.memory_space<vmem>> -> memref<512xi32, #tpu.memory_space<vmem>>
    %dma_wait3A_625 = tpu.memref_slice %arg3[%add3A_299] : memref<819200xi32, #tpu.memory_space<hbm>> -> memref<512xi32, #tpu.memory_space<hbm>>
    %dma_wait3A_626 = arith.constant 18944 : i32
    %dma_wait3A_627 = tpu.memref_slice %arg5[%dma_wait3A_626] : memref<25600xi32, #tpu.memory_space<vmem>> -> memref<512xi32, #tpu.memory_space<vmem>>
    %dma_wait3A_628 = tpu.memref_slice %arg3[%add3A_299] : memref<819200xi32, #tpu.memory_space<hbm>> -> memref<512xi32, #tpu.memory_space<hbm>>
    tpu.wait_dma2 semaphore(%arg7 : memref<!tpu.dma_semaphore, #tpu.memory_space<semaphore_mem>>) src(%dma_wait3A_628 : memref<512xi32, #tpu.memory_space<hbm>>) dst(%dma_wait3A_627 : memref<512xi32, #tpu.memory_space<vmem>>)
    %dma_wait3A_629 = arith.constant 19456 : i32
    %dma_wait3A_630 = tpu.memref_slice %arg5[%dma_wait3A_629] : memref<25600xi32, #tpu.memory_space<vmem>> -> memref<512xi32, #tpu.memory_space<vmem>>
    %dma_wait3A_631 = tpu.memref_slice %arg3[%add3A_307] : memref<819200xi32, #tpu.memory_space<hbm>> -> memref<512xi32, #tpu.memory_space<hbm>>
    %dma_wait3A_632 = arith.constant 19456 : i32
    %dma_wait3A_633 = tpu.memref_slice %arg5[%dma_wait3A_632] : memref<25600xi32, #tpu.memory_space<vmem>> -> memref<512xi32, #tpu.memory_space<vmem>>
    %dma_wait3A_634 = tpu.memref_slice %arg3[%add3A_307] : memref<819200xi32, #tpu.memory_space<hbm>> -> memref<512xi32, #tpu.memory_space<hbm>>
    tpu.wait_dma2 semaphore(%arg7 : memref<!tpu.dma_semaphore, #tpu.memory_space<semaphore_mem>>) src(%dma_wait3A_634 : memref<512xi32, #tpu.memory_space<hbm>>) dst(%dma_wait3A_633 : memref<512xi32, #tpu.memory_space<vmem>>)
    %dma_wait3A_635 = arith.constant 19968 : i32
    %dma_wait3A_636 = tpu.memref_slice %arg5[%dma_wait3A_635] : memref<25600xi32, #tpu.memory_space<vmem>> -> memref<512xi32, #tpu.memory_space<vmem>>
    %dma_wait3A_637 = tpu.memref_slice %arg3[%add3A_315] : memref<819200xi32, #tpu.memory_space<hbm>> -> memref<512xi32, #tpu.memory_space<hbm>>
    %dma_wait3A_638 = arith.constant 19968 : i32
    %dma_wait3A_639 = tpu.memref_slice %arg5[%dma_wait3A_638] : memref<25600xi32, #tpu.memory_space<vmem>> -> memref<512xi32, #tpu.memory_space<vmem>>
    %dma_wait3A_640 = tpu.memref_slice %arg3[%add3A_315] : memref<819200xi32, #tpu.memory_space<hbm>> -> memref<512xi32, #tpu.memory_space<hbm>>
    tpu.wait_dma2 semaphore(%arg7 : memref<!tpu.dma_semaphore, #tpu.memory_space<semaphore_mem>>) src(%dma_wait3A_640 : memref<512xi32, #tpu.memory_space<hbm>>) dst(%dma_wait3A_639 : memref<512xi32, #tpu.memory_space<vmem>>)
    %dma_wait3A_641 = arith.constant 20480 : i32
    %dma_wait3A_642 = tpu.memref_slice %arg5[%dma_wait3A_641] : memref<25600xi32, #tpu.memory_space<vmem>> -> memref<512xi32, #tpu.memory_space<vmem>>
    %dma_wait3A_643 = tpu.memref_slice %arg3[%add3A_323] : memref<819200xi32, #tpu.memory_space<hbm>> -> memref<512xi32, #tpu.memory_space<hbm>>
    %dma_wait3A_644 = arith.constant 20480 : i32
    %dma_wait3A_645 = tpu.memref_slice %arg5[%dma_wait3A_644] : memref<25600xi32, #tpu.memory_space<vmem>> -> memref<512xi32, #tpu.memory_space<vmem>>
    %dma_wait3A_646 = tpu.memref_slice %arg3[%add3A_323] : memref<819200xi32, #tpu.memory_space<hbm>> -> memref<512xi32, #tpu.memory_space<hbm>>
    tpu.wait_dma2 semaphore(%arg7 : memref<!tpu.dma_semaphore, #tpu.memory_space<semaphore_mem>>) src(%dma_wait3A_646 : memref<512xi32, #tpu.memory_space<hbm>>) dst(%dma_wait3A_645 : memref<512xi32, #tpu.memory_space<vmem>>)
    %dma_wait3A_647 = arith.constant 20992 : i32
    %dma_wait3A_648 = tpu.memref_slice %arg5[%dma_wait3A_647] : memref<25600xi32, #tpu.memory_space<vmem>> -> memref<512xi32, #tpu.memory_space<vmem>>
    %dma_wait3A_649 = tpu.memref_slice %arg3[%add3A_331] : memref<819200xi32, #tpu.memory_space<hbm>> -> memref<512xi32, #tpu.memory_space<hbm>>
    %dma_wait3A_650 = arith.constant 20992 : i32
    %dma_wait3A_651 = tpu.memref_slice %arg5[%dma_wait3A_650] : memref<25600xi32, #tpu.memory_space<vmem>> -> memref<512xi32, #tpu.memory_space<vmem>>
    %dma_wait3A_652 = tpu.memref_slice %arg3[%add3A_331] : memref<819200xi32, #tpu.memory_space<hbm>> -> memref<512xi32, #tpu.memory_space<hbm>>
    tpu.wait_dma2 semaphore(%arg7 : memref<!tpu.dma_semaphore, #tpu.memory_space<semaphore_mem>>) src(%dma_wait3A_652 : memref<512xi32, #tpu.memory_space<hbm>>) dst(%dma_wait3A_651 : memref<512xi32, #tpu.memory_space<vmem>>)
    %dma_wait3A_653 = arith.constant 21504 : i32
    %dma_wait3A_654 = tpu.memref_slice %arg5[%dma_wait3A_653] : memref<25600xi32, #tpu.memory_space<vmem>> -> memref<512xi32, #tpu.memory_space<vmem>>
    %dma_wait3A_655 = tpu.memref_slice %arg3[%add3A_339] : memref<819200xi32, #tpu.memory_space<hbm>> -> memref<512xi32, #tpu.memory_space<hbm>>
    %dma_wait3A_656 = arith.constant 21504 : i32
    %dma_wait3A_657 = tpu.memref_slice %arg5[%dma_wait3A_656] : memref<25600xi32, #tpu.memory_space<vmem>> -> memref<512xi32, #tpu.memory_space<vmem>>
    %dma_wait3A_658 = tpu.memref_slice %arg3[%add3A_339] : memref<819200xi32, #tpu.memory_space<hbm>> -> memref<512xi32, #tpu.memory_space<hbm>>
    tpu.wait_dma2 semaphore(%arg7 : memref<!tpu.dma_semaphore, #tpu.memory_space<semaphore_mem>>) src(%dma_wait3A_658 : memref<512xi32, #tpu.memory_space<hbm>>) dst(%dma_wait3A_657 : memref<512xi32, #tpu.memory_space<vmem>>)
    %dma_wait3A_659 = arith.constant 22016 : i32
    %dma_wait3A_660 = tpu.memref_slice %arg5[%dma_wait3A_659] : memref<25600xi32, #tpu.memory_space<vmem>> -> memref<512xi32, #tpu.memory_space<vmem>>
    %dma_wait3A_661 = tpu.memref_slice %arg3[%add3A_347] : memref<819200xi32, #tpu.memory_space<hbm>> -> memref<512xi32, #tpu.memory_space<hbm>>
    %dma_wait3A_662 = arith.constant 22016 : i32
    %dma_wait3A_663 = tpu.memref_slice %arg5[%dma_wait3A_662] : memref<25600xi32, #tpu.memory_space<vmem>> -> memref<512xi32, #tpu.memory_space<vmem>>
    %dma_wait3A_664 = tpu.memref_slice %arg3[%add3A_347] : memref<819200xi32, #tpu.memory_space<hbm>> -> memref<512xi32, #tpu.memory_space<hbm>>
    tpu.wait_dma2 semaphore(%arg7 : memref<!tpu.dma_semaphore, #tpu.memory_space<semaphore_mem>>) src(%dma_wait3A_664 : memref<512xi32, #tpu.memory_space<hbm>>) dst(%dma_wait3A_663 : memref<512xi32, #tpu.memory_space<vmem>>)
    %dma_wait3A_665 = arith.constant 22528 : i32
    %dma_wait3A_666 = tpu.memref_slice %arg5[%dma_wait3A_665] : memref<25600xi32, #tpu.memory_space<vmem>> -> memref<512xi32, #tpu.memory_space<vmem>>
    %dma_wait3A_667 = tpu.memref_slice %arg3[%add3A_355] : memref<819200xi32, #tpu.memory_space<hbm>> -> memref<512xi32, #tpu.memory_space<hbm>>
    %dma_wait3A_668 = arith.constant 22528 : i32
    %dma_wait3A_669 = tpu.memref_slice %arg5[%dma_wait3A_668] : memref<25600xi32, #tpu.memory_space<vmem>> -> memref<512xi32, #tpu.memory_space<vmem>>
    %dma_wait3A_670 = tpu.memref_slice %arg3[%add3A_355] : memref<819200xi32, #tpu.memory_space<hbm>> -> memref<512xi32, #tpu.memory_space<hbm>>
    tpu.wait_dma2 semaphore(%arg7 : memref<!tpu.dma_semaphore, #tpu.memory_space<semaphore_mem>>) src(%dma_wait3A_670 : memref<512xi32, #tpu.memory_space<hbm>>) dst(%dma_wait3A_669 : memref<512xi32, #tpu.memory_space<vmem>>)
    %dma_wait3A_671 = arith.constant 23040 : i32
    %dma_wait3A_672 = tpu.memref_slice %arg5[%dma_wait3A_671] : memref<25600xi32, #tpu.memory_space<vmem>> -> memref<512xi32, #tpu.memory_space<vmem>>
    %dma_wait3A_673 = tpu.memref_slice %arg3[%add3A_363] : memref<819200xi32, #tpu.memory_space<hbm>> -> memref<512xi32, #tpu.memory_space<hbm>>
    %dma_wait3A_674 = arith.constant 23040 : i32
    %dma_wait3A_675 = tpu.memref_slice %arg5[%dma_wait3A_674] : memref<25600xi32, #tpu.memory_space<vmem>> -> memref<512xi32, #tpu.memory_space<vmem>>
    %dma_wait3A_676 = tpu.memref_slice %arg3[%add3A_363] : memref<819200xi32, #tpu.memory_space<hbm>> -> memref<512xi32, #tpu.memory_space<hbm>>
    tpu.wait_dma2 semaphore(%arg7 : memref<!tpu.dma_semaphore, #tpu.memory_space<semaphore_mem>>) src(%dma_wait3A_676 : memref<512xi32, #tpu.memory_space<hbm>>) dst(%dma_wait3A_675 : memref<512xi32, #tpu.memory_space<vmem>>)
    %dma_wait3A_677 = arith.constant 23552 : i32
    %dma_wait3A_678 = tpu.memref_slice %arg5[%dma_wait3A_677] : memref<25600xi32, #tpu.memory_space<vmem>> -> memref<512xi32, #tpu.memory_space<vmem>>
    %dma_wait3A_679 = tpu.memref_slice %arg3[%add3A_371] : memref<819200xi32, #tpu.memory_space<hbm>> -> memref<512xi32, #tpu.memory_space<hbm>>
    %dma_wait3A_680 = arith.constant 23552 : i32
    %dma_wait3A_681 = tpu.memref_slice %arg5[%dma_wait3A_680] : memref<25600xi32, #tpu.memory_space<vmem>> -> memref<512xi32, #tpu.memory_space<vmem>>
    %dma_wait3A_682 = tpu.memref_slice %arg3[%add3A_371] : memref<819200xi32, #tpu.memory_space<hbm>> -> memref<512xi32, #tpu.memory_space<hbm>>
    tpu.wait_dma2 semaphore(%arg7 : memref<!tpu.dma_semaphore, #tpu.memory_space<semaphore_mem>>) src(%dma_wait3A_682 : memref<512xi32, #tpu.memory_space<hbm>>) dst(%dma_wait3A_681 : memref<512xi32, #tpu.memory_space<vmem>>)
    %dma_wait3A_683 = arith.constant 24064 : i32
    %dma_wait3A_684 = tpu.memref_slice %arg5[%dma_wait3A_683] : memref<25600xi32, #tpu.memory_space<vmem>> -> memref<512xi32, #tpu.memory_space<vmem>>
    %dma_wait3A_685 = tpu.memref_slice %arg3[%add3A_379] : memref<819200xi32, #tpu.memory_space<hbm>> -> memref<512xi32, #tpu.memory_space<hbm>>
    %dma_wait3A_686 = arith.constant 24064 : i32
    %dma_wait3A_687 = tpu.memref_slice %arg5[%dma_wait3A_686] : memref<25600xi32, #tpu.memory_space<vmem>> -> memref<512xi32, #tpu.memory_space<vmem>>
    %dma_wait3A_688 = tpu.memref_slice %arg3[%add3A_379] : memref<819200xi32, #tpu.memory_space<hbm>> -> memref<512xi32, #tpu.memory_space<hbm>>
    tpu.wait_dma2 semaphore(%arg7 : memref<!tpu.dma_semaphore, #tpu.memory_space<semaphore_mem>>) src(%dma_wait3A_688 : memref<512xi32, #tpu.memory_space<hbm>>) dst(%dma_wait3A_687 : memref<512xi32, #tpu.memory_space<vmem>>)
    %dma_wait3A_689 = arith.constant 24576 : i32
    %dma_wait3A_690 = tpu.memref_slice %arg5[%dma_wait3A_689] : memref<25600xi32, #tpu.memory_space<vmem>> -> memref<512xi32, #tpu.memory_space<vmem>>
    %dma_wait3A_691 = tpu.memref_slice %arg3[%add3A_387] : memref<819200xi32, #tpu.memory_space<hbm>> -> memref<512xi32, #tpu.memory_space<hbm>>
    %dma_wait3A_692 = arith.constant 24576 : i32
    %dma_wait3A_693 = tpu.memref_slice %arg5[%dma_wait3A_692] : memref<25600xi32, #tpu.memory_space<vmem>> -> memref<512xi32, #tpu.memory_space<vmem>>
    %dma_wait3A_694 = tpu.memref_slice %arg3[%add3A_387] : memref<819200xi32, #tpu.memory_space<hbm>> -> memref<512xi32, #tpu.memory_space<hbm>>
    tpu.wait_dma2 semaphore(%arg7 : memref<!tpu.dma_semaphore, #tpu.memory_space<semaphore_mem>>) src(%dma_wait3A_694 : memref<512xi32, #tpu.memory_space<hbm>>) dst(%dma_wait3A_693 : memref<512xi32, #tpu.memory_space<vmem>>)
    %dma_wait3A_695 = arith.constant 25088 : i32
    %dma_wait3A_696 = tpu.memref_slice %arg5[%dma_wait3A_695] : memref<25600xi32, #tpu.memory_space<vmem>> -> memref<512xi32, #tpu.memory_space<vmem>>
    %dma_wait3A_697 = tpu.memref_slice %arg3[%add3A_395] : memref<819200xi32, #tpu.memory_space<hbm>> -> memref<512xi32, #tpu.memory_space<hbm>>
    %dma_wait3A_698 = arith.constant 25088 : i32
    %dma_wait3A_699 = tpu.memref_slice %arg5[%dma_wait3A_698] : memref<25600xi32, #tpu.memory_space<vmem>> -> memref<512xi32, #tpu.memory_space<vmem>>
    %dma_wait3A_700 = tpu.memref_slice %arg3[%add3A_395] : memref<819200xi32, #tpu.memory_space<hbm>> -> memref<512xi32, #tpu.memory_space<hbm>>
    tpu.wait_dma2 semaphore(%arg7 : memref<!tpu.dma_semaphore, #tpu.memory_space<semaphore_mem>>) src(%dma_wait3A_700 : memref<512xi32, #tpu.memory_space<hbm>>) dst(%dma_wait3A_699 : memref<512xi32, #tpu.memory_space<vmem>>)
    %dma_start3A_701 = arith.constant 0 : i32
    %dma_start3A_702 = tpu.memref_slice %arg2[%dma_start3A_701] : memref<1048576xf32, #tpu.memory_space<hbm>> -> memref<1048576xf32, #tpu.memory_space<hbm>>
    tpu.enqueue_indirect_dma source(%dma_start3A_702 : memref<1048576xf32, #tpu.memory_space<hbm>>) target(%arg6 : memref<25600xf32, #tpu.memory_space<vmem>>) offsets(%arg5 : memref<25600xi32, #tpu.memory_space<vmem>>) semaphore(%arg8 : memref<!tpu.dma_semaphore, #tpu.memory_space<semaphore_mem>>)
    %dma_wait3A_703 = arith.constant 0 : i32
    %dma_wait3A_704 = tpu.memref_slice %arg2[%dma_wait3A_703] : memref<1048576xf32, #tpu.memory_space<hbm>> -> memref<1048576xf32, #tpu.memory_space<hbm>>
    tpu.wait_indirect_dma semaphore(%arg8 : memref<!tpu.dma_semaphore, #tpu.memory_space<semaphore_mem>>) src(%dma_wait3A_704 : memref<1048576xf32, #tpu.memory_space<hbm>>) dst(%arg6 : memref<25600xf32, #tpu.memory_space<vmem>>)
    %add3A_705 = arith.constant 0 : i32
    %add3A_706 = arith.addi %add3A_705, %mul3A_2 : i32
    %dma_start3A_707 = arith.constant 0 : i32
    %dma_start3A_708 = tpu.memref_slice %arg6[%dma_start3A_707] : memref<25600xf32, #tpu.memory_space<vmem>> -> memref<512xf32, #tpu.memory_space<vmem>>
    %dma_start3A_709 = tpu.memref_slice %arg4[%add3A_706] : memref<819200xf32, #tpu.memory_space<hbm>> -> memref<512xf32, #tpu.memory_space<hbm>>
    %dma_start3A_710 = tpu.memref_slice %arg4[%add3A_706] : memref<819200xf32, #tpu.memory_space<hbm>> -> memref<512xf32, #tpu.memory_space<hbm>>
    %dma_start3A_711 = arith.constant 0 : i32
    %dma_start3A_712 = tpu.memref_slice %arg6[%dma_start3A_711] : memref<25600xf32, #tpu.memory_space<vmem>> -> memref<512xf32, #tpu.memory_space<vmem>>
    tpu.enqueue_dma source(%dma_start3A_712 : memref<512xf32, #tpu.memory_space<vmem>>) target(%dma_start3A_710 : memref<512xf32, #tpu.memory_space<hbm>>) target_semaphore(%arg9 : memref<!tpu.dma_semaphore, #tpu.memory_space<semaphore_mem>>)
    %add3A_713 = arith.constant 16384 : i32
    %add3A_714 = arith.addi %add3A_713, %mul3A_2 : i32
    %dma_start3A_715 = arith.constant 512 : i32
    %dma_start3A_716 = tpu.memref_slice %arg6[%dma_start3A_715] : memref<25600xf32, #tpu.memory_space<vmem>> -> memref<512xf32, #tpu.memory_space<vmem>>
    %dma_start3A_717 = tpu.memref_slice %arg4[%add3A_714] : memref<819200xf32, #tpu.memory_space<hbm>> -> memref<512xf32, #tpu.memory_space<hbm>>
    %dma_start3A_718 = tpu.memref_slice %arg4[%add3A_714] : memref<819200xf32, #tpu.memory_space<hbm>> -> memref<512xf32, #tpu.memory_space<hbm>>
    %dma_start3A_719 = arith.constant 512 : i32
    %dma_start3A_720 = tpu.memref_slice %arg6[%dma_start3A_719] : memref<25600xf32, #tpu.memory_space<vmem>> -> memref<512xf32, #tpu.memory_space<vmem>>
    tpu.enqueue_dma source(%dma_start3A_720 : memref<512xf32, #tpu.memory_space<vmem>>) target(%dma_start3A_718 : memref<512xf32, #tpu.memory_space<hbm>>) target_semaphore(%arg9 : memref<!tpu.dma_semaphore, #tpu.memory_space<semaphore_mem>>)
    %add3A_721 = arith.constant 32768 : i32
    %add3A_722 = arith.addi %add3A_721, %mul3A_2 : i32
    %dma_start3A_723 = arith.constant 1024 : i32
    %dma_start3A_724 = tpu.memref_slice %arg6[%dma_start3A_723] : memref<25600xf32, #tpu.memory_space<vmem>> -> memref<512xf32, #tpu.memory_space<vmem>>
    %dma_start3A_725 = tpu.memref_slice %arg4[%add3A_722] : memref<819200xf32, #tpu.memory_space<hbm>> -> memref<512xf32, #tpu.memory_space<hbm>>
    %dma_start3A_726 = tpu.memref_slice %arg4[%add3A_722] : memref<819200xf32, #tpu.memory_space<hbm>> -> memref<512xf32, #tpu.memory_space<hbm>>
    %dma_start3A_727 = arith.constant 1024 : i32
    %dma_start3A_728 = tpu.memref_slice %arg6[%dma_start3A_727] : memref<25600xf32, #tpu.memory_space<vmem>> -> memref<512xf32, #tpu.memory_space<vmem>>
    tpu.enqueue_dma source(%dma_start3A_728 : memref<512xf32, #tpu.memory_space<vmem>>) target(%dma_start3A_726 : memref<512xf32, #tpu.memory_space<hbm>>) target_semaphore(%arg9 : memref<!tpu.dma_semaphore, #tpu.memory_space<semaphore_mem>>)
    %add3A_729 = arith.constant 49152 : i32
    %add3A_730 = arith.addi %add3A_729, %mul3A_2 : i32
    %dma_start3A_731 = arith.constant 1536 : i32
    %dma_start3A_732 = tpu.memref_slice %arg6[%dma_start3A_731] : memref<25600xf32, #tpu.memory_space<vmem>> -> memref<512xf32, #tpu.memory_space<vmem>>
    %dma_start3A_733 = tpu.memref_slice %arg4[%add3A_730] : memref<819200xf32, #tpu.memory_space<hbm>> -> memref<512xf32, #tpu.memory_space<hbm>>
    %dma_start3A_734 = tpu.memref_slice %arg4[%add3A_730] : memref<819200xf32, #tpu.memory_space<hbm>> -> memref<512xf32, #tpu.memory_space<hbm>>
    %dma_start3A_735 = arith.constant 1536 : i32
    %dma_start3A_736 = tpu.memref_slice %arg6[%dma_start3A_735] : memref<25600xf32, #tpu.memory_space<vmem>> -> memref<512xf32, #tpu.memory_space<vmem>>
    tpu.enqueue_dma source(%dma_start3A_736 : memref<512xf32, #tpu.memory_space<vmem>>) target(%dma_start3A_734 : memref<512xf32, #tpu.memory_space<hbm>>) target_semaphore(%arg9 : memref<!tpu.dma_semaphore, #tpu.memory_space<semaphore_mem>>)
    %add3A_737 = arith.constant 65536 : i32
    %add3A_738 = arith.addi %add3A_737, %mul3A_2 : i32
    %dma_start3A_739 = arith.constant 2048 : i32
    %dma_start3A_740 = tpu.memref_slice %arg6[%dma_start3A_739] : memref<25600xf32, #tpu.memory_space<vmem>> -> memref<512xf32, #tpu.memory_space<vmem>>
    %dma_start3A_741 = tpu.memref_slice %arg4[%add3A_738] : memref<819200xf32, #tpu.memory_space<hbm>> -> memref<512xf32, #tpu.memory_space<hbm>>
    %dma_start3A_742 = tpu.memref_slice %arg4[%add3A_738] : memref<819200xf32, #tpu.memory_space<hbm>> -> memref<512xf32, #tpu.memory_space<hbm>>
    %dma_start3A_743 = arith.constant 2048 : i32
    %dma_start3A_744 = tpu.memref_slice %arg6[%dma_start3A_743] : memref<25600xf32, #tpu.memory_space<vmem>> -> memref<512xf32, #tpu.memory_space<vmem>>
    tpu.enqueue_dma source(%dma_start3A_744 : memref<512xf32, #tpu.memory_space<vmem>>) target(%dma_start3A_742 : memref<512xf32, #tpu.memory_space<hbm>>) target_semaphore(%arg9 : memref<!tpu.dma_semaphore, #tpu.memory_space<semaphore_mem>>)
    %add3A_745 = arith.constant 81920 : i32
    %add3A_746 = arith.addi %add3A_745, %mul3A_2 : i32
    %dma_start3A_747 = arith.constant 2560 : i32
    %dma_start3A_748 = tpu.memref_slice %arg6[%dma_start3A_747] : memref<25600xf32, #tpu.memory_space<vmem>> -> memref<512xf32, #tpu.memory_space<vmem>>
    %dma_start3A_749 = tpu.memref_slice %arg4[%add3A_746] : memref<819200xf32, #tpu.memory_space<hbm>> -> memref<512xf32, #tpu.memory_space<hbm>>
    %dma_start3A_750 = tpu.memref_slice %arg4[%add3A_746] : memref<819200xf32, #tpu.memory_space<hbm>> -> memref<512xf32, #tpu.memory_space<hbm>>
    %dma_start3A_751 = arith.constant 2560 : i32
    %dma_start3A_752 = tpu.memref_slice %arg6[%dma_start3A_751] : memref<25600xf32, #tpu.memory_space<vmem>> -> memref<512xf32, #tpu.memory_space<vmem>>
    tpu.enqueue_dma source(%dma_start3A_752 : memref<512xf32, #tpu.memory_space<vmem>>) target(%dma_start3A_750 : memref<512xf32, #tpu.memory_space<hbm>>) target_semaphore(%arg9 : memref<!tpu.dma_semaphore, #tpu.memory_space<semaphore_mem>>)
    %add3A_753 = arith.constant 98304 : i32
    %add3A_754 = arith.addi %add3A_753, %mul3A_2 : i32
    %dma_start3A_755 = arith.constant 3072 : i32
    %dma_start3A_756 = tpu.memref_slice %arg6[%dma_start3A_755] : memref<25600xf32, #tpu.memory_space<vmem>> -> memref<512xf32, #tpu.memory_space<vmem>>
    %dma_start3A_757 = tpu.memref_slice %arg4[%add3A_754] : memref<819200xf32, #tpu.memory_space<hbm>> -> memref<512xf32, #tpu.memory_space<hbm>>
    %dma_start3A_758 = tpu.memref_slice %arg4[%add3A_754] : memref<819200xf32, #tpu.memory_space<hbm>> -> memref<512xf32, #tpu.memory_space<hbm>>
    %dma_start3A_759 = arith.constant 3072 : i32
    %dma_start3A_760 = tpu.memref_slice %arg6[%dma_start3A_759] : memref<25600xf32, #tpu.memory_space<vmem>> -> memref<512xf32, #tpu.memory_space<vmem>>
    tpu.enqueue_dma source(%dma_start3A_760 : memref<512xf32, #tpu.memory_space<vmem>>) target(%dma_start3A_758 : memref<512xf32, #tpu.memory_space<hbm>>) target_semaphore(%arg9 : memref<!tpu.dma_semaphore, #tpu.memory_space<semaphore_mem>>)
    %add3A_761 = arith.constant 114688 : i32
    %add3A_762 = arith.addi %add3A_761, %mul3A_2 : i32
    %dma_start3A_763 = arith.constant 3584 : i32
    %dma_start3A_764 = tpu.memref_slice %arg6[%dma_start3A_763] : memref<25600xf32, #tpu.memory_space<vmem>> -> memref<512xf32, #tpu.memory_space<vmem>>
    %dma_start3A_765 = tpu.memref_slice %arg4[%add3A_762] : memref<819200xf32, #tpu.memory_space<hbm>> -> memref<512xf32, #tpu.memory_space<hbm>>
    %dma_start3A_766 = tpu.memref_slice %arg4[%add3A_762] : memref<819200xf32, #tpu.memory_space<hbm>> -> memref<512xf32, #tpu.memory_space<hbm>>
    %dma_start3A_767 = arith.constant 3584 : i32
    %dma_start3A_768 = tpu.memref_slice %arg6[%dma_start3A_767] : memref<25600xf32, #tpu.memory_space<vmem>> -> memref<512xf32, #tpu.memory_space<vmem>>
    tpu.enqueue_dma source(%dma_start3A_768 : memref<512xf32, #tpu.memory_space<vmem>>) target(%dma_start3A_766 : memref<512xf32, #tpu.memory_space<hbm>>) target_semaphore(%arg9 : memref<!tpu.dma_semaphore, #tpu.memory_space<semaphore_mem>>)
    %add3A_769 = arith.constant 131072 : i32
    %add3A_770 = arith.addi %add3A_769, %mul3A_2 : i32
    %dma_start3A_771 = arith.constant 4096 : i32
    %dma_start3A_772 = tpu.memref_slice %arg6[%dma_start3A_771] : memref<25600xf32, #tpu.memory_space<vmem>> -> memref<512xf32, #tpu.memory_space<vmem>>
    %dma_start3A_773 = tpu.memref_slice %arg4[%add3A_770] : memref<819200xf32, #tpu.memory_space<hbm>> -> memref<512xf32, #tpu.memory_space<hbm>>
    %dma_start3A_774 = tpu.memref_slice %arg4[%add3A_770] : memref<819200xf32, #tpu.memory_space<hbm>> -> memref<512xf32, #tpu.memory_space<hbm>>
    %dma_start3A_775 = arith.constant 4096 : i32
    %dma_start3A_776 = tpu.memref_slice %arg6[%dma_start3A_775] : memref<25600xf32, #tpu.memory_space<vmem>> -> memref<512xf32, #tpu.memory_space<vmem>>
    tpu.enqueue_dma source(%dma_start3A_776 : memref<512xf32, #tpu.memory_space<vmem>>) target(%dma_start3A_774 : memref<512xf32, #tpu.memory_space<hbm>>) target_semaphore(%arg9 : memref<!tpu.dma_semaphore, #tpu.memory_space<semaphore_mem>>)
    %add3A_777 = arith.constant 147456 : i32
    %add3A_778 = arith.addi %add3A_777, %mul3A_2 : i32
    %dma_start3A_779 = arith.constant 4608 : i32
    %dma_start3A_780 = tpu.memref_slice %arg6[%dma_start3A_779] : memref<25600xf32, #tpu.memory_space<vmem>> -> memref<512xf32, #tpu.memory_space<vmem>>
    %dma_start3A_781 = tpu.memref_slice %arg4[%add3A_778] : memref<819200xf32, #tpu.memory_space<hbm>> -> memref<512xf32, #tpu.memory_space<hbm>>
    %dma_start3A_782 = tpu.memref_slice %arg4[%add3A_778] : memref<819200xf32, #tpu.memory_space<hbm>> -> memref<512xf32, #tpu.memory_space<hbm>>
    %dma_start3A_783 = arith.constant 4608 : i32
    %dma_start3A_784 = tpu.memref_slice %arg6[%dma_start3A_783] : memref<25600xf32, #tpu.memory_space<vmem>> -> memref<512xf32, #tpu.memory_space<vmem>>
    tpu.enqueue_dma source(%dma_start3A_784 : memref<512xf32, #tpu.memory_space<vmem>>) target(%dma_start3A_782 : memref<512xf32, #tpu.memory_space<hbm>>) target_semaphore(%arg9 : memref<!tpu.dma_semaphore, #tpu.memory_space<semaphore_mem>>)
    %add3A_785 = arith.constant 163840 : i32
    %add3A_786 = arith.addi %add3A_785, %mul3A_2 : i32
    %dma_start3A_787 = arith.constant 5120 : i32
    %dma_start3A_788 = tpu.memref_slice %arg6[%dma_start3A_787] : memref<25600xf32, #tpu.memory_space<vmem>> -> memref<512xf32, #tpu.memory_space<vmem>>
    %dma_start3A_789 = tpu.memref_slice %arg4[%add3A_786] : memref<819200xf32, #tpu.memory_space<hbm>> -> memref<512xf32, #tpu.memory_space<hbm>>
    %dma_start3A_790 = tpu.memref_slice %arg4[%add3A_786] : memref<819200xf32, #tpu.memory_space<hbm>> -> memref<512xf32, #tpu.memory_space<hbm>>
    %dma_start3A_791 = arith.constant 5120 : i32
    %dma_start3A_792 = tpu.memref_slice %arg6[%dma_start3A_791] : memref<25600xf32, #tpu.memory_space<vmem>> -> memref<512xf32, #tpu.memory_space<vmem>>
    tpu.enqueue_dma source(%dma_start3A_792 : memref<512xf32, #tpu.memory_space<vmem>>) target(%dma_start3A_790 : memref<512xf32, #tpu.memory_space<hbm>>) target_semaphore(%arg9 : memref<!tpu.dma_semaphore, #tpu.memory_space<semaphore_mem>>)
    %add3A_793 = arith.constant 180224 : i32
    %add3A_794 = arith.addi %add3A_793, %mul3A_2 : i32
    %dma_start3A_795 = arith.constant 5632 : i32
    %dma_start3A_796 = tpu.memref_slice %arg6[%dma_start3A_795] : memref<25600xf32, #tpu.memory_space<vmem>> -> memref<512xf32, #tpu.memory_space<vmem>>
    %dma_start3A_797 = tpu.memref_slice %arg4[%add3A_794] : memref<819200xf32, #tpu.memory_space<hbm>> -> memref<512xf32, #tpu.memory_space<hbm>>
    %dma_start3A_798 = tpu.memref_slice %arg4[%add3A_794] : memref<819200xf32, #tpu.memory_space<hbm>> -> memref<512xf32, #tpu.memory_space<hbm>>
    %dma_start3A_799 = arith.constant 5632 : i32
    %dma_start3A_800 = tpu.memref_slice %arg6[%dma_start3A_799] : memref<25600xf32, #tpu.memory_space<vmem>> -> memref<512xf32, #tpu.memory_space<vmem>>
    tpu.enqueue_dma source(%dma_start3A_800 : memref<512xf32, #tpu.memory_space<vmem>>) target(%dma_start3A_798 : memref<512xf32, #tpu.memory_space<hbm>>) target_semaphore(%arg9 : memref<!tpu.dma_semaphore, #tpu.memory_space<semaphore_mem>>)
    %add3A_801 = arith.constant 196608 : i32
    %add3A_802 = arith.addi %add3A_801, %mul3A_2 : i32
    %dma_start3A_803 = arith.constant 6144 : i32
    %dma_start3A_804 = tpu.memref_slice %arg6[%dma_start3A_803] : memref<25600xf32, #tpu.memory_space<vmem>> -> memref<512xf32, #tpu.memory_space<vmem>>
    %dma_start3A_805 = tpu.memref_slice %arg4[%add3A_802] : memref<819200xf32, #tpu.memory_space<hbm>> -> memref<512xf32, #tpu.memory_space<hbm>>
    %dma_start3A_806 = tpu.memref_slice %arg4[%add3A_802] : memref<819200xf32, #tpu.memory_space<hbm>> -> memref<512xf32, #tpu.memory_space<hbm>>
    %dma_start3A_807 = arith.constant 6144 : i32
    %dma_start3A_808 = tpu.memref_slice %arg6[%dma_start3A_807] : memref<25600xf32, #tpu.memory_space<vmem>> -> memref<512xf32, #tpu.memory_space<vmem>>
    tpu.enqueue_dma source(%dma_start3A_808 : memref<512xf32, #tpu.memory_space<vmem>>) target(%dma_start3A_806 : memref<512xf32, #tpu.memory_space<hbm>>) target_semaphore(%arg9 : memref<!tpu.dma_semaphore, #tpu.memory_space<semaphore_mem>>)
    %add3A_809 = arith.constant 212992 : i32
    %add3A_810 = arith.addi %add3A_809, %mul3A_2 : i32
    %dma_start3A_811 = arith.constant 6656 : i32
    %dma_start3A_812 = tpu.memref_slice %arg6[%dma_start3A_811] : memref<25600xf32, #tpu.memory_space<vmem>> -> memref<512xf32, #tpu.memory_space<vmem>>
    %dma_start3A_813 = tpu.memref_slice %arg4[%add3A_810] : memref<819200xf32, #tpu.memory_space<hbm>> -> memref<512xf32, #tpu.memory_space<hbm>>
    %dma_start3A_814 = tpu.memref_slice %arg4[%add3A_810] : memref<819200xf32, #tpu.memory_space<hbm>> -> memref<512xf32, #tpu.memory_space<hbm>>
    %dma_start3A_815 = arith.constant 6656 : i32
    %dma_start3A_816 = tpu.memref_slice %arg6[%dma_start3A_815] : memref<25600xf32, #tpu.memory_space<vmem>> -> memref<512xf32, #tpu.memory_space<vmem>>
    tpu.enqueue_dma source(%dma_start3A_816 : memref<512xf32, #tpu.memory_space<vmem>>) target(%dma_start3A_814 : memref<512xf32, #tpu.memory_space<hbm>>) target_semaphore(%arg9 : memref<!tpu.dma_semaphore, #tpu.memory_space<semaphore_mem>>)
    %add3A_817 = arith.constant 229376 : i32
    %add3A_818 = arith.addi %add3A_817, %mul3A_2 : i32
    %dma_start3A_819 = arith.constant 7168 : i32
    %dma_start3A_820 = tpu.memref_slice %arg6[%dma_start3A_819] : memref<25600xf32, #tpu.memory_space<vmem>> -> memref<512xf32, #tpu.memory_space<vmem>>
    %dma_start3A_821 = tpu.memref_slice %arg4[%add3A_818] : memref<819200xf32, #tpu.memory_space<hbm>> -> memref<512xf32, #tpu.memory_space<hbm>>
    %dma_start3A_822 = tpu.memref_slice %arg4[%add3A_818] : memref<819200xf32, #tpu.memory_space<hbm>> -> memref<512xf32, #tpu.memory_space<hbm>>
    %dma_start3A_823 = arith.constant 7168 : i32
    %dma_start3A_824 = tpu.memref_slice %arg6[%dma_start3A_823] : memref<25600xf32, #tpu.memory_space<vmem>> -> memref<512xf32, #tpu.memory_space<vmem>>
    tpu.enqueue_dma source(%dma_start3A_824 : memref<512xf32, #tpu.memory_space<vmem>>) target(%dma_start3A_822 : memref<512xf32, #tpu.memory_space<hbm>>) target_semaphore(%arg9 : memref<!tpu.dma_semaphore, #tpu.memory_space<semaphore_mem>>)
    %add3A_825 = arith.constant 245760 : i32
    %add3A_826 = arith.addi %add3A_825, %mul3A_2 : i32
    %dma_start3A_827 = arith.constant 7680 : i32
    %dma_start3A_828 = tpu.memref_slice %arg6[%dma_start3A_827] : memref<25600xf32, #tpu.memory_space<vmem>> -> memref<512xf32, #tpu.memory_space<vmem>>
    %dma_start3A_829 = tpu.memref_slice %arg4[%add3A_826] : memref<819200xf32, #tpu.memory_space<hbm>> -> memref<512xf32, #tpu.memory_space<hbm>>
    %dma_start3A_830 = tpu.memref_slice %arg4[%add3A_826] : memref<819200xf32, #tpu.memory_space<hbm>> -> memref<512xf32, #tpu.memory_space<hbm>>
    %dma_start3A_831 = arith.constant 7680 : i32
    %dma_start3A_832 = tpu.memref_slice %arg6[%dma_start3A_831] : memref<25600xf32, #tpu.memory_space<vmem>> -> memref<512xf32, #tpu.memory_space<vmem>>
    tpu.enqueue_dma source(%dma_start3A_832 : memref<512xf32, #tpu.memory_space<vmem>>) target(%dma_start3A_830 : memref<512xf32, #tpu.memory_space<hbm>>) target_semaphore(%arg9 : memref<!tpu.dma_semaphore, #tpu.memory_space<semaphore_mem>>)
    %add3A_833 = arith.constant 262144 : i32
    %add3A_834 = arith.addi %add3A_833, %mul3A_2 : i32
    %dma_start3A_835 = arith.constant 8192 : i32
    %dma_start3A_836 = tpu.memref_slice %arg6[%dma_start3A_835] : memref<25600xf32, #tpu.memory_space<vmem>> -> memref<512xf32, #tpu.memory_space<vmem>>
    %dma_start3A_837 = tpu.memref_slice %arg4[%add3A_834] : memref<819200xf32, #tpu.memory_space<hbm>> -> memref<512xf32, #tpu.memory_space<hbm>>
    %dma_start3A_838 = tpu.memref_slice %arg4[%add3A_834] : memref<819200xf32, #tpu.memory_space<hbm>> -> memref<512xf32, #tpu.memory_space<hbm>>
    %dma_start3A_839 = arith.constant 8192 : i32
    %dma_start3A_840 = tpu.memref_slice %arg6[%dma_start3A_839] : memref<25600xf32, #tpu.memory_space<vmem>> -> memref<512xf32, #tpu.memory_space<vmem>>
    tpu.enqueue_dma source(%dma_start3A_840 : memref<512xf32, #tpu.memory_space<vmem>>) target(%dma_start3A_838 : memref<512xf32, #tpu.memory_space<hbm>>) target_semaphore(%arg9 : memref<!tpu.dma_semaphore, #tpu.memory_space<semaphore_mem>>)
    %add3A_841 = arith.constant 278528 : i32
    %add3A_842 = arith.addi %add3A_841, %mul3A_2 : i32
    %dma_start3A_843 = arith.constant 8704 : i32
    %dma_start3A_844 = tpu.memref_slice %arg6[%dma_start3A_843] : memref<25600xf32, #tpu.memory_space<vmem>> -> memref<512xf32, #tpu.memory_space<vmem>>
    %dma_start3A_845 = tpu.memref_slice %arg4[%add3A_842] : memref<819200xf32, #tpu.memory_space<hbm>> -> memref<512xf32, #tpu.memory_space<hbm>>
    %dma_start3A_846 = tpu.memref_slice %arg4[%add3A_842] : memref<819200xf32, #tpu.memory_space<hbm>> -> memref<512xf32, #tpu.memory_space<hbm>>
    %dma_start3A_847 = arith.constant 8704 : i32
    %dma_start3A_848 = tpu.memref_slice %arg6[%dma_start3A_847] : memref<25600xf32, #tpu.memory_space<vmem>> -> memref<512xf32, #tpu.memory_space<vmem>>
    tpu.enqueue_dma source(%dma_start3A_848 : memref<512xf32, #tpu.memory_space<vmem>>) target(%dma_start3A_846 : memref<512xf32, #tpu.memory_space<hbm>>) target_semaphore(%arg9 : memref<!tpu.dma_semaphore, #tpu.memory_space<semaphore_mem>>)
    %add3A_849 = arith.constant 294912 : i32
    %add3A_850 = arith.addi %add3A_849, %mul3A_2 : i32
    %dma_start3A_851 = arith.constant 9216 : i32
    %dma_start3A_852 = tpu.memref_slice %arg6[%dma_start3A_851] : memref<25600xf32, #tpu.memory_space<vmem>> -> memref<512xf32, #tpu.memory_space<vmem>>
    %dma_start3A_853 = tpu.memref_slice %arg4[%add3A_850] : memref<819200xf32, #tpu.memory_space<hbm>> -> memref<512xf32, #tpu.memory_space<hbm>>
    %dma_start3A_854 = tpu.memref_slice %arg4[%add3A_850] : memref<819200xf32, #tpu.memory_space<hbm>> -> memref<512xf32, #tpu.memory_space<hbm>>
    %dma_start3A_855 = arith.constant 9216 : i32
    %dma_start3A_856 = tpu.memref_slice %arg6[%dma_start3A_855] : memref<25600xf32, #tpu.memory_space<vmem>> -> memref<512xf32, #tpu.memory_space<vmem>>
    tpu.enqueue_dma source(%dma_start3A_856 : memref<512xf32, #tpu.memory_space<vmem>>) target(%dma_start3A_854 : memref<512xf32, #tpu.memory_space<hbm>>) target_semaphore(%arg9 : memref<!tpu.dma_semaphore, #tpu.memory_space<semaphore_mem>>)
    %add3A_857 = arith.constant 311296 : i32
    %add3A_858 = arith.addi %add3A_857, %mul3A_2 : i32
    %dma_start3A_859 = arith.constant 9728 : i32
    %dma_start3A_860 = tpu.memref_slice %arg6[%dma_start3A_859] : memref<25600xf32, #tpu.memory_space<vmem>> -> memref<512xf32, #tpu.memory_space<vmem>>
    %dma_start3A_861 = tpu.memref_slice %arg4[%add3A_858] : memref<819200xf32, #tpu.memory_space<hbm>> -> memref<512xf32, #tpu.memory_space<hbm>>
    %dma_start3A_862 = tpu.memref_slice %arg4[%add3A_858] : memref<819200xf32, #tpu.memory_space<hbm>> -> memref<512xf32, #tpu.memory_space<hbm>>
    %dma_start3A_863 = arith.constant 9728 : i32
    %dma_start3A_864 = tpu.memref_slice %arg6[%dma_start3A_863] : memref<25600xf32, #tpu.memory_space<vmem>> -> memref<512xf32, #tpu.memory_space<vmem>>
    tpu.enqueue_dma source(%dma_start3A_864 : memref<512xf32, #tpu.memory_space<vmem>>) target(%dma_start3A_862 : memref<512xf32, #tpu.memory_space<hbm>>) target_semaphore(%arg9 : memref<!tpu.dma_semaphore, #tpu.memory_space<semaphore_mem>>)
    %add3A_865 = arith.constant 327680 : i32
    %add3A_866 = arith.addi %add3A_865, %mul3A_2 : i32
    %dma_start3A_867 = arith.constant 10240 : i32
    %dma_start3A_868 = tpu.memref_slice %arg6[%dma_start3A_867] : memref<25600xf32, #tpu.memory_space<vmem>> -> memref<512xf32, #tpu.memory_space<vmem>>
    %dma_start3A_869 = tpu.memref_slice %arg4[%add3A_866] : memref<819200xf32, #tpu.memory_space<hbm>> -> memref<512xf32, #tpu.memory_space<hbm>>
    %dma_start3A_870 = tpu.memref_slice %arg4[%add3A_866] : memref<819200xf32, #tpu.memory_space<hbm>> -> memref<512xf32, #tpu.memory_space<hbm>>
    %dma_start3A_871 = arith.constant 10240 : i32
    %dma_start3A_872 = tpu.memref_slice %arg6[%dma_start3A_871] : memref<25600xf32, #tpu.memory_space<vmem>> -> memref<512xf32, #tpu.memory_space<vmem>>
    tpu.enqueue_dma source(%dma_start3A_872 : memref<512xf32, #tpu.memory_space<vmem>>) target(%dma_start3A_870 : memref<512xf32, #tpu.memory_space<hbm>>) target_semaphore(%arg9 : memref<!tpu.dma_semaphore, #tpu.memory_space<semaphore_mem>>)
    %add3A_873 = arith.constant 344064 : i32
    %add3A_874 = arith.addi %add3A_873, %mul3A_2 : i32
    %dma_start3A_875 = arith.constant 10752 : i32
    %dma_start3A_876 = tpu.memref_slice %arg6[%dma_start3A_875] : memref<25600xf32, #tpu.memory_space<vmem>> -> memref<512xf32, #tpu.memory_space<vmem>>
    %dma_start3A_877 = tpu.memref_slice %arg4[%add3A_874] : memref<819200xf32, #tpu.memory_space<hbm>> -> memref<512xf32, #tpu.memory_space<hbm>>
    %dma_start3A_878 = tpu.memref_slice %arg4[%add3A_874] : memref<819200xf32, #tpu.memory_space<hbm>> -> memref<512xf32, #tpu.memory_space<hbm>>
    %dma_start3A_879 = arith.constant 10752 : i32
    %dma_start3A_880 = tpu.memref_slice %arg6[%dma_start3A_879] : memref<25600xf32, #tpu.memory_space<vmem>> -> memref<512xf32, #tpu.memory_space<vmem>>
    tpu.enqueue_dma source(%dma_start3A_880 : memref<512xf32, #tpu.memory_space<vmem>>) target(%dma_start3A_878 : memref<512xf32, #tpu.memory_space<hbm>>) target_semaphore(%arg9 : memref<!tpu.dma_semaphore, #tpu.memory_space<semaphore_mem>>)
    %add3A_881 = arith.constant 360448 : i32
    %add3A_882 = arith.addi %add3A_881, %mul3A_2 : i32
    %dma_start3A_883 = arith.constant 11264 : i32
    %dma_start3A_884 = tpu.memref_slice %arg6[%dma_start3A_883] : memref<25600xf32, #tpu.memory_space<vmem>> -> memref<512xf32, #tpu.memory_space<vmem>>
    %dma_start3A_885 = tpu.memref_slice %arg4[%add3A_882] : memref<819200xf32, #tpu.memory_space<hbm>> -> memref<512xf32, #tpu.memory_space<hbm>>
    %dma_start3A_886 = tpu.memref_slice %arg4[%add3A_882] : memref<819200xf32, #tpu.memory_space<hbm>> -> memref<512xf32, #tpu.memory_space<hbm>>
    %dma_start3A_887 = arith.constant 11264 : i32
    %dma_start3A_888 = tpu.memref_slice %arg6[%dma_start3A_887] : memref<25600xf32, #tpu.memory_space<vmem>> -> memref<512xf32, #tpu.memory_space<vmem>>
    tpu.enqueue_dma source(%dma_start3A_888 : memref<512xf32, #tpu.memory_space<vmem>>) target(%dma_start3A_886 : memref<512xf32, #tpu.memory_space<hbm>>) target_semaphore(%arg9 : memref<!tpu.dma_semaphore, #tpu.memory_space<semaphore_mem>>)
    %add3A_889 = arith.constant 376832 : i32
    %add3A_890 = arith.addi %add3A_889, %mul3A_2 : i32
    %dma_start3A_891 = arith.constant 11776 : i32
    %dma_start3A_892 = tpu.memref_slice %arg6[%dma_start3A_891] : memref<25600xf32, #tpu.memory_space<vmem>> -> memref<512xf32, #tpu.memory_space<vmem>>
    %dma_start3A_893 = tpu.memref_slice %arg4[%add3A_890] : memref<819200xf32, #tpu.memory_space<hbm>> -> memref<512xf32, #tpu.memory_space<hbm>>
    %dma_start3A_894 = tpu.memref_slice %arg4[%add3A_890] : memref<819200xf32, #tpu.memory_space<hbm>> -> memref<512xf32, #tpu.memory_space<hbm>>
    %dma_start3A_895 = arith.constant 11776 : i32
    %dma_start3A_896 = tpu.memref_slice %arg6[%dma_start3A_895] : memref<25600xf32, #tpu.memory_space<vmem>> -> memref<512xf32, #tpu.memory_space<vmem>>
    tpu.enqueue_dma source(%dma_start3A_896 : memref<512xf32, #tpu.memory_space<vmem>>) target(%dma_start3A_894 : memref<512xf32, #tpu.memory_space<hbm>>) target_semaphore(%arg9 : memref<!tpu.dma_semaphore, #tpu.memory_space<semaphore_mem>>)
    %add3A_897 = arith.constant 393216 : i32
    %add3A_898 = arith.addi %add3A_897, %mul3A_2 : i32
    %dma_start3A_899 = arith.constant 12288 : i32
    %dma_start3A_900 = tpu.memref_slice %arg6[%dma_start3A_899] : memref<25600xf32, #tpu.memory_space<vmem>> -> memref<512xf32, #tpu.memory_space<vmem>>
    %dma_start3A_901 = tpu.memref_slice %arg4[%add3A_898] : memref<819200xf32, #tpu.memory_space<hbm>> -> memref<512xf32, #tpu.memory_space<hbm>>
    %dma_start3A_902 = tpu.memref_slice %arg4[%add3A_898] : memref<819200xf32, #tpu.memory_space<hbm>> -> memref<512xf32, #tpu.memory_space<hbm>>
    %dma_start3A_903 = arith.constant 12288 : i32
    %dma_start3A_904 = tpu.memref_slice %arg6[%dma_start3A_903] : memref<25600xf32, #tpu.memory_space<vmem>> -> memref<512xf32, #tpu.memory_space<vmem>>
    tpu.enqueue_dma source(%dma_start3A_904 : memref<512xf32, #tpu.memory_space<vmem>>) target(%dma_start3A_902 : memref<512xf32, #tpu.memory_space<hbm>>) target_semaphore(%arg9 : memref<!tpu.dma_semaphore, #tpu.memory_space<semaphore_mem>>)
    %add3A_905 = arith.constant 409600 : i32
    %add3A_906 = arith.addi %add3A_905, %mul3A_2 : i32
    %dma_start3A_907 = arith.constant 12800 : i32
    %dma_start3A_908 = tpu.memref_slice %arg6[%dma_start3A_907] : memref<25600xf32, #tpu.memory_space<vmem>> -> memref<512xf32, #tpu.memory_space<vmem>>
    %dma_start3A_909 = tpu.memref_slice %arg4[%add3A_906] : memref<819200xf32, #tpu.memory_space<hbm>> -> memref<512xf32, #tpu.memory_space<hbm>>
    %dma_start3A_910 = tpu.memref_slice %arg4[%add3A_906] : memref<819200xf32, #tpu.memory_space<hbm>> -> memref<512xf32, #tpu.memory_space<hbm>>
    %dma_start3A_911 = arith.constant 12800 : i32
    %dma_start3A_912 = tpu.memref_slice %arg6[%dma_start3A_911] : memref<25600xf32, #tpu.memory_space<vmem>> -> memref<512xf32, #tpu.memory_space<vmem>>
    tpu.enqueue_dma source(%dma_start3A_912 : memref<512xf32, #tpu.memory_space<vmem>>) target(%dma_start3A_910 : memref<512xf32, #tpu.memory_space<hbm>>) target_semaphore(%arg9 : memref<!tpu.dma_semaphore, #tpu.memory_space<semaphore_mem>>)
    %add3A_913 = arith.constant 425984 : i32
    %add3A_914 = arith.addi %add3A_913, %mul3A_2 : i32
    %dma_start3A_915 = arith.constant 13312 : i32
    %dma_start3A_916 = tpu.memref_slice %arg6[%dma_start3A_915] : memref<25600xf32, #tpu.memory_space<vmem>> -> memref<512xf32, #tpu.memory_space<vmem>>
    %dma_start3A_917 = tpu.memref_slice %arg4[%add3A_914] : memref<819200xf32, #tpu.memory_space<hbm>> -> memref<512xf32, #tpu.memory_space<hbm>>
    %dma_start3A_918 = tpu.memref_slice %arg4[%add3A_914] : memref<819200xf32, #tpu.memory_space<hbm>> -> memref<512xf32, #tpu.memory_space<hbm>>
    %dma_start3A_919 = arith.constant 13312 : i32
    %dma_start3A_920 = tpu.memref_slice %arg6[%dma_start3A_919] : memref<25600xf32, #tpu.memory_space<vmem>> -> memref<512xf32, #tpu.memory_space<vmem>>
    tpu.enqueue_dma source(%dma_start3A_920 : memref<512xf32, #tpu.memory_space<vmem>>) target(%dma_start3A_918 : memref<512xf32, #tpu.memory_space<hbm>>) target_semaphore(%arg9 : memref<!tpu.dma_semaphore, #tpu.memory_space<semaphore_mem>>)
    %add3A_921 = arith.constant 442368 : i32
    %add3A_922 = arith.addi %add3A_921, %mul3A_2 : i32
    %dma_start3A_923 = arith.constant 13824 : i32
    %dma_start3A_924 = tpu.memref_slice %arg6[%dma_start3A_923] : memref<25600xf32, #tpu.memory_space<vmem>> -> memref<512xf32, #tpu.memory_space<vmem>>
    %dma_start3A_925 = tpu.memref_slice %arg4[%add3A_922] : memref<819200xf32, #tpu.memory_space<hbm>> -> memref<512xf32, #tpu.memory_space<hbm>>
    %dma_start3A_926 = tpu.memref_slice %arg4[%add3A_922] : memref<819200xf32, #tpu.memory_space<hbm>> -> memref<512xf32, #tpu.memory_space<hbm>>
    %dma_start3A_927 = arith.constant 13824 : i32
    %dma_start3A_928 = tpu.memref_slice %arg6[%dma_start3A_927] : memref<25600xf32, #tpu.memory_space<vmem>> -> memref<512xf32, #tpu.memory_space<vmem>>
    tpu.enqueue_dma source(%dma_start3A_928 : memref<512xf32, #tpu.memory_space<vmem>>) target(%dma_start3A_926 : memref<512xf32, #tpu.memory_space<hbm>>) target_semaphore(%arg9 : memref<!tpu.dma_semaphore, #tpu.memory_space<semaphore_mem>>)
    %add3A_929 = arith.constant 458752 : i32
    %add3A_930 = arith.addi %add3A_929, %mul3A_2 : i32
    %dma_start3A_931 = arith.constant 14336 : i32
    %dma_start3A_932 = tpu.memref_slice %arg6[%dma_start3A_931] : memref<25600xf32, #tpu.memory_space<vmem>> -> memref<512xf32, #tpu.memory_space<vmem>>
    %dma_start3A_933 = tpu.memref_slice %arg4[%add3A_930] : memref<819200xf32, #tpu.memory_space<hbm>> -> memref<512xf32, #tpu.memory_space<hbm>>
    %dma_start3A_934 = tpu.memref_slice %arg4[%add3A_930] : memref<819200xf32, #tpu.memory_space<hbm>> -> memref<512xf32, #tpu.memory_space<hbm>>
    %dma_start3A_935 = arith.constant 14336 : i32
    %dma_start3A_936 = tpu.memref_slice %arg6[%dma_start3A_935] : memref<25600xf32, #tpu.memory_space<vmem>> -> memref<512xf32, #tpu.memory_space<vmem>>
    tpu.enqueue_dma source(%dma_start3A_936 : memref<512xf32, #tpu.memory_space<vmem>>) target(%dma_start3A_934 : memref<512xf32, #tpu.memory_space<hbm>>) target_semaphore(%arg9 : memref<!tpu.dma_semaphore, #tpu.memory_space<semaphore_mem>>)
    %add3A_937 = arith.constant 475136 : i32
    %add3A_938 = arith.addi %add3A_937, %mul3A_2 : i32
    %dma_start3A_939 = arith.constant 14848 : i32
    %dma_start3A_940 = tpu.memref_slice %arg6[%dma_start3A_939] : memref<25600xf32, #tpu.memory_space<vmem>> -> memref<512xf32, #tpu.memory_space<vmem>>
    %dma_start3A_941 = tpu.memref_slice %arg4[%add3A_938] : memref<819200xf32, #tpu.memory_space<hbm>> -> memref<512xf32, #tpu.memory_space<hbm>>
    %dma_start3A_942 = tpu.memref_slice %arg4[%add3A_938] : memref<819200xf32, #tpu.memory_space<hbm>> -> memref<512xf32, #tpu.memory_space<hbm>>
    %dma_start3A_943 = arith.constant 14848 : i32
    %dma_start3A_944 = tpu.memref_slice %arg6[%dma_start3A_943] : memref<25600xf32, #tpu.memory_space<vmem>> -> memref<512xf32, #tpu.memory_space<vmem>>
    tpu.enqueue_dma source(%dma_start3A_944 : memref<512xf32, #tpu.memory_space<vmem>>) target(%dma_start3A_942 : memref<512xf32, #tpu.memory_space<hbm>>) target_semaphore(%arg9 : memref<!tpu.dma_semaphore, #tpu.memory_space<semaphore_mem>>)
    %add3A_945 = arith.constant 491520 : i32
    %add3A_946 = arith.addi %add3A_945, %mul3A_2 : i32
    %dma_start3A_947 = arith.constant 15360 : i32
    %dma_start3A_948 = tpu.memref_slice %arg6[%dma_start3A_947] : memref<25600xf32, #tpu.memory_space<vmem>> -> memref<512xf32, #tpu.memory_space<vmem>>
    %dma_start3A_949 = tpu.memref_slice %arg4[%add3A_946] : memref<819200xf32, #tpu.memory_space<hbm>> -> memref<512xf32, #tpu.memory_space<hbm>>
    %dma_start3A_950 = tpu.memref_slice %arg4[%add3A_946] : memref<819200xf32, #tpu.memory_space<hbm>> -> memref<512xf32, #tpu.memory_space<hbm>>
    %dma_start3A_951 = arith.constant 15360 : i32
    %dma_start3A_952 = tpu.memref_slice %arg6[%dma_start3A_951] : memref<25600xf32, #tpu.memory_space<vmem>> -> memref<512xf32, #tpu.memory_space<vmem>>
    tpu.enqueue_dma source(%dma_start3A_952 : memref<512xf32, #tpu.memory_space<vmem>>) target(%dma_start3A_950 : memref<512xf32, #tpu.memory_space<hbm>>) target_semaphore(%arg9 : memref<!tpu.dma_semaphore, #tpu.memory_space<semaphore_mem>>)
    %add3A_953 = arith.constant 507904 : i32
    %add3A_954 = arith.addi %add3A_953, %mul3A_2 : i32
    %dma_start3A_955 = arith.constant 15872 : i32
    %dma_start3A_956 = tpu.memref_slice %arg6[%dma_start3A_955] : memref<25600xf32, #tpu.memory_space<vmem>> -> memref<512xf32, #tpu.memory_space<vmem>>
    %dma_start3A_957 = tpu.memref_slice %arg4[%add3A_954] : memref<819200xf32, #tpu.memory_space<hbm>> -> memref<512xf32, #tpu.memory_space<hbm>>
    %dma_start3A_958 = tpu.memref_slice %arg4[%add3A_954] : memref<819200xf32, #tpu.memory_space<hbm>> -> memref<512xf32, #tpu.memory_space<hbm>>
    %dma_start3A_959 = arith.constant 15872 : i32
    %dma_start3A_960 = tpu.memref_slice %arg6[%dma_start3A_959] : memref<25600xf32, #tpu.memory_space<vmem>> -> memref<512xf32, #tpu.memory_space<vmem>>
    tpu.enqueue_dma source(%dma_start3A_960 : memref<512xf32, #tpu.memory_space<vmem>>) target(%dma_start3A_958 : memref<512xf32, #tpu.memory_space<hbm>>) target_semaphore(%arg9 : memref<!tpu.dma_semaphore, #tpu.memory_space<semaphore_mem>>)
    %add3A_961 = arith.constant 524288 : i32
    %add3A_962 = arith.addi %add3A_961, %mul3A_2 : i32
    %dma_start3A_963 = arith.constant 16384 : i32
    %dma_start3A_964 = tpu.memref_slice %arg6[%dma_start3A_963] : memref<25600xf32, #tpu.memory_space<vmem>> -> memref<512xf32, #tpu.memory_space<vmem>>
    %dma_start3A_965 = tpu.memref_slice %arg4[%add3A_962] : memref<819200xf32, #tpu.memory_space<hbm>> -> memref<512xf32, #tpu.memory_space<hbm>>
    %dma_start3A_966 = tpu.memref_slice %arg4[%add3A_962] : memref<819200xf32, #tpu.memory_space<hbm>> -> memref<512xf32, #tpu.memory_space<hbm>>
    %dma_start3A_967 = arith.constant 16384 : i32
    %dma_start3A_968 = tpu.memref_slice %arg6[%dma_start3A_967] : memref<25600xf32, #tpu.memory_space<vmem>> -> memref<512xf32, #tpu.memory_space<vmem>>
    tpu.enqueue_dma source(%dma_start3A_968 : memref<512xf32, #tpu.memory_space<vmem>>) target(%dma_start3A_966 : memref<512xf32, #tpu.memory_space<hbm>>) target_semaphore(%arg9 : memref<!tpu.dma_semaphore, #tpu.memory_space<semaphore_mem>>)
    %add3A_969 = arith.constant 540672 : i32
    %add3A_970 = arith.addi %add3A_969, %mul3A_2 : i32
    %dma_start3A_971 = arith.constant 16896 : i32
    %dma_start3A_972 = tpu.memref_slice %arg6[%dma_start3A_971] : memref<25600xf32, #tpu.memory_space<vmem>> -> memref<512xf32, #tpu.memory_space<vmem>>
    %dma_start3A_973 = tpu.memref_slice %arg4[%add3A_970] : memref<819200xf32, #tpu.memory_space<hbm>> -> memref<512xf32, #tpu.memory_space<hbm>>
    %dma_start3A_974 = tpu.memref_slice %arg4[%add3A_970] : memref<819200xf32, #tpu.memory_space<hbm>> -> memref<512xf32, #tpu.memory_space<hbm>>
    %dma_start3A_975 = arith.constant 16896 : i32
    %dma_start3A_976 = tpu.memref_slice %arg6[%dma_start3A_975] : memref<25600xf32, #tpu.memory_space<vmem>> -> memref<512xf32, #tpu.memory_space<vmem>>
    tpu.enqueue_dma source(%dma_start3A_976 : memref<512xf32, #tpu.memory_space<vmem>>) target(%dma_start3A_974 : memref<512xf32, #tpu.memory_space<hbm>>) target_semaphore(%arg9 : memref<!tpu.dma_semaphore, #tpu.memory_space<semaphore_mem>>)
    %add3A_977 = arith.constant 557056 : i32
    %add3A_978 = arith.addi %add3A_977, %mul3A_2 : i32
    %dma_start3A_979 = arith.constant 17408 : i32
    %dma_start3A_980 = tpu.memref_slice %arg6[%dma_start3A_979] : memref<25600xf32, #tpu.memory_space<vmem>> -> memref<512xf32, #tpu.memory_space<vmem>>
    %dma_start3A_981 = tpu.memref_slice %arg4[%add3A_978] : memref<819200xf32, #tpu.memory_space<hbm>> -> memref<512xf32, #tpu.memory_space<hbm>>
    %dma_start3A_982 = tpu.memref_slice %arg4[%add3A_978] : memref<819200xf32, #tpu.memory_space<hbm>> -> memref<512xf32, #tpu.memory_space<hbm>>
    %dma_start3A_983 = arith.constant 17408 : i32
    %dma_start3A_984 = tpu.memref_slice %arg6[%dma_start3A_983] : memref<25600xf32, #tpu.memory_space<vmem>> -> memref<512xf32, #tpu.memory_space<vmem>>
    tpu.enqueue_dma source(%dma_start3A_984 : memref<512xf32, #tpu.memory_space<vmem>>) target(%dma_start3A_982 : memref<512xf32, #tpu.memory_space<hbm>>) target_semaphore(%arg9 : memref<!tpu.dma_semaphore, #tpu.memory_space<semaphore_mem>>)
    %add3A_985 = arith.constant 573440 : i32
    %add3A_986 = arith.addi %add3A_985, %mul3A_2 : i32
    %dma_start3A_987 = arith.constant 17920 : i32
    %dma_start3A_988 = tpu.memref_slice %arg6[%dma_start3A_987] : memref<25600xf32, #tpu.memory_space<vmem>> -> memref<512xf32, #tpu.memory_space<vmem>>
    %dma_start3A_989 = tpu.memref_slice %arg4[%add3A_986] : memref<819200xf32, #tpu.memory_space<hbm>> -> memref<512xf32, #tpu.memory_space<hbm>>
    %dma_start3A_990 = tpu.memref_slice %arg4[%add3A_986] : memref<819200xf32, #tpu.memory_space<hbm>> -> memref<512xf32, #tpu.memory_space<hbm>>
    %dma_start3A_991 = arith.constant 17920 : i32
    %dma_start3A_992 = tpu.memref_slice %arg6[%dma_start3A_991] : memref<25600xf32, #tpu.memory_space<vmem>> -> memref<512xf32, #tpu.memory_space<vmem>>
    tpu.enqueue_dma source(%dma_start3A_992 : memref<512xf32, #tpu.memory_space<vmem>>) target(%dma_start3A_990 : memref<512xf32, #tpu.memory_space<hbm>>) target_semaphore(%arg9 : memref<!tpu.dma_semaphore, #tpu.memory_space<semaphore_mem>>)
    %add3A_993 = arith.constant 589824 : i32
    %add3A_994 = arith.addi %add3A_993, %mul3A_2 : i32
    %dma_start3A_995 = arith.constant 18432 : i32
    %dma_start3A_996 = tpu.memref_slice %arg6[%dma_start3A_995] : memref<25600xf32, #tpu.memory_space<vmem>> -> memref<512xf32, #tpu.memory_space<vmem>>
    %dma_start3A_997 = tpu.memref_slice %arg4[%add3A_994] : memref<819200xf32, #tpu.memory_space<hbm>> -> memref<512xf32, #tpu.memory_space<hbm>>
    %dma_start3A_998 = tpu.memref_slice %arg4[%add3A_994] : memref<819200xf32, #tpu.memory_space<hbm>> -> memref<512xf32, #tpu.memory_space<hbm>>
    %dma_start3A_999 = arith.constant 18432 : i32
    %dma_start3A_1000 = tpu.memref_slice %arg6[%dma_start3A_999] : memref<25600xf32, #tpu.memory_space<vmem>> -> memref<512xf32, #tpu.memory_space<vmem>>
    tpu.enqueue_dma source(%dma_start3A_1000 : memref<512xf32, #tpu.memory_space<vmem>>) target(%dma_start3A_998 : memref<512xf32, #tpu.memory_space<hbm>>) target_semaphore(%arg9 : memref<!tpu.dma_semaphore, #tpu.memory_space<semaphore_mem>>)
    %add3A_1001 = arith.constant 606208 : i32
    %add3A_1002 = arith.addi %add3A_1001, %mul3A_2 : i32
    %dma_start3A_1003 = arith.constant 18944 : i32
    %dma_start3A_1004 = tpu.memref_slice %arg6[%dma_start3A_1003] : memref<25600xf32, #tpu.memory_space<vmem>> -> memref<512xf32, #tpu.memory_space<vmem>>
    %dma_start3A_1005 = tpu.memref_slice %arg4[%add3A_1002] : memref<819200xf32, #tpu.memory_space<hbm>> -> memref<512xf32, #tpu.memory_space<hbm>>
    %dma_start3A_1006 = tpu.memref_slice %arg4[%add3A_1002] : memref<819200xf32, #tpu.memory_space<hbm>> -> memref<512xf32, #tpu.memory_space<hbm>>
    %dma_start3A_1007 = arith.constant 18944 : i32
    %dma_start3A_1008 = tpu.memref_slice %arg6[%dma_start3A_1007] : memref<25600xf32, #tpu.memory_space<vmem>> -> memref<512xf32, #tpu.memory_space<vmem>>
    tpu.enqueue_dma source(%dma_start3A_1008 : memref<512xf32, #tpu.memory_space<vmem>>) target(%dma_start3A_1006 : memref<512xf32, #tpu.memory_space<hbm>>) target_semaphore(%arg9 : memref<!tpu.dma_semaphore, #tpu.memory_space<semaphore_mem>>)
    %add3A_1009 = arith.constant 622592 : i32
    %add3A_1010 = arith.addi %add3A_1009, %mul3A_2 : i32
    %dma_start3A_1011 = arith.constant 19456 : i32
    %dma_start3A_1012 = tpu.memref_slice %arg6[%dma_start3A_1011] : memref<25600xf32, #tpu.memory_space<vmem>> -> memref<512xf32, #tpu.memory_space<vmem>>
    %dma_start3A_1013 = tpu.memref_slice %arg4[%add3A_1010] : memref<819200xf32, #tpu.memory_space<hbm>> -> memref<512xf32, #tpu.memory_space<hbm>>
    %dma_start3A_1014 = tpu.memref_slice %arg4[%add3A_1010] : memref<819200xf32, #tpu.memory_space<hbm>> -> memref<512xf32, #tpu.memory_space<hbm>>
    %dma_start3A_1015 = arith.constant 19456 : i32
    %dma_start3A_1016 = tpu.memref_slice %arg6[%dma_start3A_1015] : memref<25600xf32, #tpu.memory_space<vmem>> -> memref<512xf32, #tpu.memory_space<vmem>>
    tpu.enqueue_dma source(%dma_start3A_1016 : memref<512xf32, #tpu.memory_space<vmem>>) target(%dma_start3A_1014 : memref<512xf32, #tpu.memory_space<hbm>>) target_semaphore(%arg9 : memref<!tpu.dma_semaphore, #tpu.memory_space<semaphore_mem>>)
    %add3A_1017 = arith.constant 638976 : i32
    %add3A_1018 = arith.addi %add3A_1017, %mul3A_2 : i32
    %dma_start3A_1019 = arith.constant 19968 : i32
    %dma_start3A_1020 = tpu.memref_slice %arg6[%dma_start3A_1019] : memref<25600xf32, #tpu.memory_space<vmem>> -> memref<512xf32, #tpu.memory_space<vmem>>
    %dma_start3A_1021 = tpu.memref_slice %arg4[%add3A_1018] : memref<819200xf32, #tpu.memory_space<hbm>> -> memref<512xf32, #tpu.memory_space<hbm>>
    %dma_start3A_1022 = tpu.memref_slice %arg4[%add3A_1018] : memref<819200xf32, #tpu.memory_space<hbm>> -> memref<512xf32, #tpu.memory_space<hbm>>
    %dma_start3A_1023 = arith.constant 19968 : i32
    %dma_start3A_1024 = tpu.memref_slice %arg6[%dma_start3A_1023] : memref<25600xf32, #tpu.memory_space<vmem>> -> memref<512xf32, #tpu.memory_space<vmem>>
    tpu.enqueue_dma source(%dma_start3A_1024 : memref<512xf32, #tpu.memory_space<vmem>>) target(%dma_start3A_1022 : memref<512xf32, #tpu.memory_space<hbm>>) target_semaphore(%arg9 : memref<!tpu.dma_semaphore, #tpu.memory_space<semaphore_mem>>)
    %add3A_1025 = arith.constant 655360 : i32
    %add3A_1026 = arith.addi %add3A_1025, %mul3A_2 : i32
    %dma_start3A_1027 = arith.constant 20480 : i32
    %dma_start3A_1028 = tpu.memref_slice %arg6[%dma_start3A_1027] : memref<25600xf32, #tpu.memory_space<vmem>> -> memref<512xf32, #tpu.memory_space<vmem>>
    %dma_start3A_1029 = tpu.memref_slice %arg4[%add3A_1026] : memref<819200xf32, #tpu.memory_space<hbm>> -> memref<512xf32, #tpu.memory_space<hbm>>
    %dma_start3A_1030 = tpu.memref_slice %arg4[%add3A_1026] : memref<819200xf32, #tpu.memory_space<hbm>> -> memref<512xf32, #tpu.memory_space<hbm>>
    %dma_start3A_1031 = arith.constant 20480 : i32
    %dma_start3A_1032 = tpu.memref_slice %arg6[%dma_start3A_1031] : memref<25600xf32, #tpu.memory_space<vmem>> -> memref<512xf32, #tpu.memory_space<vmem>>
    tpu.enqueue_dma source(%dma_start3A_1032 : memref<512xf32, #tpu.memory_space<vmem>>) target(%dma_start3A_1030 : memref<512xf32, #tpu.memory_space<hbm>>) target_semaphore(%arg9 : memref<!tpu.dma_semaphore, #tpu.memory_space<semaphore_mem>>)
    %add3A_1033 = arith.constant 671744 : i32
    %add3A_1034 = arith.addi %add3A_1033, %mul3A_2 : i32
    %dma_start3A_1035 = arith.constant 20992 : i32
    %dma_start3A_1036 = tpu.memref_slice %arg6[%dma_start3A_1035] : memref<25600xf32, #tpu.memory_space<vmem>> -> memref<512xf32, #tpu.memory_space<vmem>>
    %dma_start3A_1037 = tpu.memref_slice %arg4[%add3A_1034] : memref<819200xf32, #tpu.memory_space<hbm>> -> memref<512xf32, #tpu.memory_space<hbm>>
    %dma_start3A_1038 = tpu.memref_slice %arg4[%add3A_1034] : memref<819200xf32, #tpu.memory_space<hbm>> -> memref<512xf32, #tpu.memory_space<hbm>>
    %dma_start3A_1039 = arith.constant 20992 : i32
    %dma_start3A_1040 = tpu.memref_slice %arg6[%dma_start3A_1039] : memref<25600xf32, #tpu.memory_space<vmem>> -> memref<512xf32, #tpu.memory_space<vmem>>
    tpu.enqueue_dma source(%dma_start3A_1040 : memref<512xf32, #tpu.memory_space<vmem>>) target(%dma_start3A_1038 : memref<512xf32, #tpu.memory_space<hbm>>) target_semaphore(%arg9 : memref<!tpu.dma_semaphore, #tpu.memory_space<semaphore_mem>>)
    %add3A_1041 = arith.constant 688128 : i32
    %add3A_1042 = arith.addi %add3A_1041, %mul3A_2 : i32
    %dma_start3A_1043 = arith.constant 21504 : i32
    %dma_start3A_1044 = tpu.memref_slice %arg6[%dma_start3A_1043] : memref<25600xf32, #tpu.memory_space<vmem>> -> memref<512xf32, #tpu.memory_space<vmem>>
    %dma_start3A_1045 = tpu.memref_slice %arg4[%add3A_1042] : memref<819200xf32, #tpu.memory_space<hbm>> -> memref<512xf32, #tpu.memory_space<hbm>>
    %dma_start3A_1046 = tpu.memref_slice %arg4[%add3A_1042] : memref<819200xf32, #tpu.memory_space<hbm>> -> memref<512xf32, #tpu.memory_space<hbm>>
    %dma_start3A_1047 = arith.constant 21504 : i32
    %dma_start3A_1048 = tpu.memref_slice %arg6[%dma_start3A_1047] : memref<25600xf32, #tpu.memory_space<vmem>> -> memref<512xf32, #tpu.memory_space<vmem>>
    tpu.enqueue_dma source(%dma_start3A_1048 : memref<512xf32, #tpu.memory_space<vmem>>) target(%dma_start3A_1046 : memref<512xf32, #tpu.memory_space<hbm>>) target_semaphore(%arg9 : memref<!tpu.dma_semaphore, #tpu.memory_space<semaphore_mem>>)
    %add3A_1049 = arith.constant 704512 : i32
    %add3A_1050 = arith.addi %add3A_1049, %mul3A_2 : i32
    %dma_start3A_1051 = arith.constant 22016 : i32
    %dma_start3A_1052 = tpu.memref_slice %arg6[%dma_start3A_1051] : memref<25600xf32, #tpu.memory_space<vmem>> -> memref<512xf32, #tpu.memory_space<vmem>>
    %dma_start3A_1053 = tpu.memref_slice %arg4[%add3A_1050] : memref<819200xf32, #tpu.memory_space<hbm>> -> memref<512xf32, #tpu.memory_space<hbm>>
    %dma_start3A_1054 = tpu.memref_slice %arg4[%add3A_1050] : memref<819200xf32, #tpu.memory_space<hbm>> -> memref<512xf32, #tpu.memory_space<hbm>>
    %dma_start3A_1055 = arith.constant 22016 : i32
    %dma_start3A_1056 = tpu.memref_slice %arg6[%dma_start3A_1055] : memref<25600xf32, #tpu.memory_space<vmem>> -> memref<512xf32, #tpu.memory_space<vmem>>
    tpu.enqueue_dma source(%dma_start3A_1056 : memref<512xf32, #tpu.memory_space<vmem>>) target(%dma_start3A_1054 : memref<512xf32, #tpu.memory_space<hbm>>) target_semaphore(%arg9 : memref<!tpu.dma_semaphore, #tpu.memory_space<semaphore_mem>>)
    %add3A_1057 = arith.constant 720896 : i32
    %add3A_1058 = arith.addi %add3A_1057, %mul3A_2 : i32
    %dma_start3A_1059 = arith.constant 22528 : i32
    %dma_start3A_1060 = tpu.memref_slice %arg6[%dma_start3A_1059] : memref<25600xf32, #tpu.memory_space<vmem>> -> memref<512xf32, #tpu.memory_space<vmem>>
    %dma_start3A_1061 = tpu.memref_slice %arg4[%add3A_1058] : memref<819200xf32, #tpu.memory_space<hbm>> -> memref<512xf32, #tpu.memory_space<hbm>>
    %dma_start3A_1062 = tpu.memref_slice %arg4[%add3A_1058] : memref<819200xf32, #tpu.memory_space<hbm>> -> memref<512xf32, #tpu.memory_space<hbm>>
    %dma_start3A_1063 = arith.constant 22528 : i32
    %dma_start3A_1064 = tpu.memref_slice %arg6[%dma_start3A_1063] : memref<25600xf32, #tpu.memory_space<vmem>> -> memref<512xf32, #tpu.memory_space<vmem>>
    tpu.enqueue_dma source(%dma_start3A_1064 : memref<512xf32, #tpu.memory_space<vmem>>) target(%dma_start3A_1062 : memref<512xf32, #tpu.memory_space<hbm>>) target_semaphore(%arg9 : memref<!tpu.dma_semaphore, #tpu.memory_space<semaphore_mem>>)
    %add3A_1065 = arith.constant 737280 : i32
    %add3A_1066 = arith.addi %add3A_1065, %mul3A_2 : i32
    %dma_start3A_1067 = arith.constant 23040 : i32
    %dma_start3A_1068 = tpu.memref_slice %arg6[%dma_start3A_1067] : memref<25600xf32, #tpu.memory_space<vmem>> -> memref<512xf32, #tpu.memory_space<vmem>>
    %dma_start3A_1069 = tpu.memref_slice %arg4[%add3A_1066] : memref<819200xf32, #tpu.memory_space<hbm>> -> memref<512xf32, #tpu.memory_space<hbm>>
    %dma_start3A_1070 = tpu.memref_slice %arg4[%add3A_1066] : memref<819200xf32, #tpu.memory_space<hbm>> -> memref<512xf32, #tpu.memory_space<hbm>>
    %dma_start3A_1071 = arith.constant 23040 : i32
    %dma_start3A_1072 = tpu.memref_slice %arg6[%dma_start3A_1071] : memref<25600xf32, #tpu.memory_space<vmem>> -> memref<512xf32, #tpu.memory_space<vmem>>
    tpu.enqueue_dma source(%dma_start3A_1072 : memref<512xf32, #tpu.memory_space<vmem>>) target(%dma_start3A_1070 : memref<512xf32, #tpu.memory_space<hbm>>) target_semaphore(%arg9 : memref<!tpu.dma_semaphore, #tpu.memory_space<semaphore_mem>>)
    %add3A_1073 = arith.constant 753664 : i32
    %add3A_1074 = arith.addi %add3A_1073, %mul3A_2 : i32
    %dma_start3A_1075 = arith.constant 23552 : i32
    %dma_start3A_1076 = tpu.memref_slice %arg6[%dma_start3A_1075] : memref<25600xf32, #tpu.memory_space<vmem>> -> memref<512xf32, #tpu.memory_space<vmem>>
    %dma_start3A_1077 = tpu.memref_slice %arg4[%add3A_1074] : memref<819200xf32, #tpu.memory_space<hbm>> -> memref<512xf32, #tpu.memory_space<hbm>>
    %dma_start3A_1078 = tpu.memref_slice %arg4[%add3A_1074] : memref<819200xf32, #tpu.memory_space<hbm>> -> memref<512xf32, #tpu.memory_space<hbm>>
    %dma_start3A_1079 = arith.constant 23552 : i32
    %dma_start3A_1080 = tpu.memref_slice %arg6[%dma_start3A_1079] : memref<25600xf32, #tpu.memory_space<vmem>> -> memref<512xf32, #tpu.memory_space<vmem>>
    tpu.enqueue_dma source(%dma_start3A_1080 : memref<512xf32, #tpu.memory_space<vmem>>) target(%dma_start3A_1078 : memref<512xf32, #tpu.memory_space<hbm>>) target_semaphore(%arg9 : memref<!tpu.dma_semaphore, #tpu.memory_space<semaphore_mem>>)
    %add3A_1081 = arith.constant 770048 : i32
    %add3A_1082 = arith.addi %add3A_1081, %mul3A_2 : i32
    %dma_start3A_1083 = arith.constant 24064 : i32
    %dma_start3A_1084 = tpu.memref_slice %arg6[%dma_start3A_1083] : memref<25600xf32, #tpu.memory_space<vmem>> -> memref<512xf32, #tpu.memory_space<vmem>>
    %dma_start3A_1085 = tpu.memref_slice %arg4[%add3A_1082] : memref<819200xf32, #tpu.memory_space<hbm>> -> memref<512xf32, #tpu.memory_space<hbm>>
    %dma_start3A_1086 = tpu.memref_slice %arg4[%add3A_1082] : memref<819200xf32, #tpu.memory_space<hbm>> -> memref<512xf32, #tpu.memory_space<hbm>>
    %dma_start3A_1087 = arith.constant 24064 : i32
    %dma_start3A_1088 = tpu.memref_slice %arg6[%dma_start3A_1087] : memref<25600xf32, #tpu.memory_space<vmem>> -> memref<512xf32, #tpu.memory_space<vmem>>
    tpu.enqueue_dma source(%dma_start3A_1088 : memref<512xf32, #tpu.memory_space<vmem>>) target(%dma_start3A_1086 : memref<512xf32, #tpu.memory_space<hbm>>) target_semaphore(%arg9 : memref<!tpu.dma_semaphore, #tpu.memory_space<semaphore_mem>>)
    %add3A_1089 = arith.constant 786432 : i32
    %add3A_1090 = arith.addi %add3A_1089, %mul3A_2 : i32
    %dma_start3A_1091 = arith.constant 24576 : i32
    %dma_start3A_1092 = tpu.memref_slice %arg6[%dma_start3A_1091] : memref<25600xf32, #tpu.memory_space<vmem>> -> memref<512xf32, #tpu.memory_space<vmem>>
    %dma_start3A_1093 = tpu.memref_slice %arg4[%add3A_1090] : memref<819200xf32, #tpu.memory_space<hbm>> -> memref<512xf32, #tpu.memory_space<hbm>>
    %dma_start3A_1094 = tpu.memref_slice %arg4[%add3A_1090] : memref<819200xf32, #tpu.memory_space<hbm>> -> memref<512xf32, #tpu.memory_space<hbm>>
    %dma_start3A_1095 = arith.constant 24576 : i32
    %dma_start3A_1096 = tpu.memref_slice %arg6[%dma_start3A_1095] : memref<25600xf32, #tpu.memory_space<vmem>> -> memref<512xf32, #tpu.memory_space<vmem>>
    tpu.enqueue_dma source(%dma_start3A_1096 : memref<512xf32, #tpu.memory_space<vmem>>) target(%dma_start3A_1094 : memref<512xf32, #tpu.memory_space<hbm>>) target_semaphore(%arg9 : memref<!tpu.dma_semaphore, #tpu.memory_space<semaphore_mem>>)
    %add3A_1097 = arith.constant 802816 : i32
    %add3A_1098 = arith.addi %add3A_1097, %mul3A_2 : i32
    %dma_start3A_1099 = arith.constant 25088 : i32
    %dma_start3A_1100 = tpu.memref_slice %arg6[%dma_start3A_1099] : memref<25600xf32, #tpu.memory_space<vmem>> -> memref<512xf32, #tpu.memory_space<vmem>>
    %dma_start3A_1101 = tpu.memref_slice %arg4[%add3A_1098] : memref<819200xf32, #tpu.memory_space<hbm>> -> memref<512xf32, #tpu.memory_space<hbm>>
    %dma_start3A_1102 = tpu.memref_slice %arg4[%add3A_1098] : memref<819200xf32, #tpu.memory_space<hbm>> -> memref<512xf32, #tpu.memory_space<hbm>>
    %dma_start3A_1103 = arith.constant 25088 : i32
    %dma_start3A_1104 = tpu.memref_slice %arg6[%dma_start3A_1103] : memref<25600xf32, #tpu.memory_space<vmem>> -> memref<512xf32, #tpu.memory_space<vmem>>
    tpu.enqueue_dma source(%dma_start3A_1104 : memref<512xf32, #tpu.memory_space<vmem>>) target(%dma_start3A_1102 : memref<512xf32, #tpu.memory_space<hbm>>) target_semaphore(%arg9 : memref<!tpu.dma_semaphore, #tpu.memory_space<semaphore_mem>>)
    %dma_wait3A_1105 = arith.constant 0 : i32
    %dma_wait3A_1106 = tpu.memref_slice %arg6[%dma_wait3A_1105] : memref<25600xf32, #tpu.memory_space<vmem>> -> memref<512xf32, #tpu.memory_space<vmem>>
    %dma_wait3A_1107 = tpu.memref_slice %arg4[%add3A_706] : memref<819200xf32, #tpu.memory_space<hbm>> -> memref<512xf32, #tpu.memory_space<hbm>>
    %dma_wait3A_1108 = tpu.memref_slice %arg4[%add3A_706] : memref<819200xf32, #tpu.memory_space<hbm>> -> memref<512xf32, #tpu.memory_space<hbm>>
    %dma_wait3A_1109 = arith.constant 0 : i32
    %dma_wait3A_1110 = tpu.memref_slice %arg6[%dma_wait3A_1109] : memref<25600xf32, #tpu.memory_space<vmem>> -> memref<512xf32, #tpu.memory_space<vmem>>
    tpu.wait_dma2 semaphore(%arg9 : memref<!tpu.dma_semaphore, #tpu.memory_space<semaphore_mem>>) src(%dma_wait3A_1110 : memref<512xf32, #tpu.memory_space<vmem>>) dst(%dma_wait3A_1108 : memref<512xf32, #tpu.memory_space<hbm>>)
    %dma_wait3A_1111 = arith.constant 512 : i32
    %dma_wait3A_1112 = tpu.memref_slice %arg6[%dma_wait3A_1111] : memref<25600xf32, #tpu.memory_space<vmem>> -> memref<512xf32, #tpu.memory_space<vmem>>
    %dma_wait3A_1113 = tpu.memref_slice %arg4[%add3A_714] : memref<819200xf32, #tpu.memory_space<hbm>> -> memref<512xf32, #tpu.memory_space<hbm>>
    %dma_wait3A_1114 = tpu.memref_slice %arg4[%add3A_714] : memref<819200xf32, #tpu.memory_space<hbm>> -> memref<512xf32, #tpu.memory_space<hbm>>
    %dma_wait3A_1115 = arith.constant 512 : i32
    %dma_wait3A_1116 = tpu.memref_slice %arg6[%dma_wait3A_1115] : memref<25600xf32, #tpu.memory_space<vmem>> -> memref<512xf32, #tpu.memory_space<vmem>>
    tpu.wait_dma2 semaphore(%arg9 : memref<!tpu.dma_semaphore, #tpu.memory_space<semaphore_mem>>) src(%dma_wait3A_1116 : memref<512xf32, #tpu.memory_space<vmem>>) dst(%dma_wait3A_1114 : memref<512xf32, #tpu.memory_space<hbm>>)
    %dma_wait3A_1117 = arith.constant 1024 : i32
    %dma_wait3A_1118 = tpu.memref_slice %arg6[%dma_wait3A_1117] : memref<25600xf32, #tpu.memory_space<vmem>> -> memref<512xf32, #tpu.memory_space<vmem>>
    %dma_wait3A_1119 = tpu.memref_slice %arg4[%add3A_722] : memref<819200xf32, #tpu.memory_space<hbm>> -> memref<512xf32, #tpu.memory_space<hbm>>
    %dma_wait3A_1120 = tpu.memref_slice %arg4[%add3A_722] : memref<819200xf32, #tpu.memory_space<hbm>> -> memref<512xf32, #tpu.memory_space<hbm>>
    %dma_wait3A_1121 = arith.constant 1024 : i32
    %dma_wait3A_1122 = tpu.memref_slice %arg6[%dma_wait3A_1121] : memref<25600xf32, #tpu.memory_space<vmem>> -> memref<512xf32, #tpu.memory_space<vmem>>
    tpu.wait_dma2 semaphore(%arg9 : memref<!tpu.dma_semaphore, #tpu.memory_space<semaphore_mem>>) src(%dma_wait3A_1122 : memref<512xf32, #tpu.memory_space<vmem>>) dst(%dma_wait3A_1120 : memref<512xf32, #tpu.memory_space<hbm>>)
    %dma_wait3A_1123 = arith.constant 1536 : i32
    %dma_wait3A_1124 = tpu.memref_slice %arg6[%dma_wait3A_1123] : memref<25600xf32, #tpu.memory_space<vmem>> -> memref<512xf32, #tpu.memory_space<vmem>>
    %dma_wait3A_1125 = tpu.memref_slice %arg4[%add3A_730] : memref<819200xf32, #tpu.memory_space<hbm>> -> memref<512xf32, #tpu.memory_space<hbm>>
    %dma_wait3A_1126 = tpu.memref_slice %arg4[%add3A_730] : memref<819200xf32, #tpu.memory_space<hbm>> -> memref<512xf32, #tpu.memory_space<hbm>>
    %dma_wait3A_1127 = arith.constant 1536 : i32
    %dma_wait3A_1128 = tpu.memref_slice %arg6[%dma_wait3A_1127] : memref<25600xf32, #tpu.memory_space<vmem>> -> memref<512xf32, #tpu.memory_space<vmem>>
    tpu.wait_dma2 semaphore(%arg9 : memref<!tpu.dma_semaphore, #tpu.memory_space<semaphore_mem>>) src(%dma_wait3A_1128 : memref<512xf32, #tpu.memory_space<vmem>>) dst(%dma_wait3A_1126 : memref<512xf32, #tpu.memory_space<hbm>>)
    %dma_wait3A_1129 = arith.constant 2048 : i32
    %dma_wait3A_1130 = tpu.memref_slice %arg6[%dma_wait3A_1129] : memref<25600xf32, #tpu.memory_space<vmem>> -> memref<512xf32, #tpu.memory_space<vmem>>
    %dma_wait3A_1131 = tpu.memref_slice %arg4[%add3A_738] : memref<819200xf32, #tpu.memory_space<hbm>> -> memref<512xf32, #tpu.memory_space<hbm>>
    %dma_wait3A_1132 = tpu.memref_slice %arg4[%add3A_738] : memref<819200xf32, #tpu.memory_space<hbm>> -> memref<512xf32, #tpu.memory_space<hbm>>
    %dma_wait3A_1133 = arith.constant 2048 : i32
    %dma_wait3A_1134 = tpu.memref_slice %arg6[%dma_wait3A_1133] : memref<25600xf32, #tpu.memory_space<vmem>> -> memref<512xf32, #tpu.memory_space<vmem>>
    tpu.wait_dma2 semaphore(%arg9 : memref<!tpu.dma_semaphore, #tpu.memory_space<semaphore_mem>>) src(%dma_wait3A_1134 : memref<512xf32, #tpu.memory_space<vmem>>) dst(%dma_wait3A_1132 : memref<512xf32, #tpu.memory_space<hbm>>)
    %dma_wait3A_1135 = arith.constant 2560 : i32
    %dma_wait3A_1136 = tpu.memref_slice %arg6[%dma_wait3A_1135] : memref<25600xf32, #tpu.memory_space<vmem>> -> memref<512xf32, #tpu.memory_space<vmem>>
    %dma_wait3A_1137 = tpu.memref_slice %arg4[%add3A_746] : memref<819200xf32, #tpu.memory_space<hbm>> -> memref<512xf32, #tpu.memory_space<hbm>>
    %dma_wait3A_1138 = tpu.memref_slice %arg4[%add3A_746] : memref<819200xf32, #tpu.memory_space<hbm>> -> memref<512xf32, #tpu.memory_space<hbm>>
    %dma_wait3A_1139 = arith.constant 2560 : i32
    %dma_wait3A_1140 = tpu.memref_slice %arg6[%dma_wait3A_1139] : memref<25600xf32, #tpu.memory_space<vmem>> -> memref<512xf32, #tpu.memory_space<vmem>>
    tpu.wait_dma2 semaphore(%arg9 : memref<!tpu.dma_semaphore, #tpu.memory_space<semaphore_mem>>) src(%dma_wait3A_1140 : memref<512xf32, #tpu.memory_space<vmem>>) dst(%dma_wait3A_1138 : memref<512xf32, #tpu.memory_space<hbm>>)
    %dma_wait3A_1141 = arith.constant 3072 : i32
    %dma_wait3A_1142 = tpu.memref_slice %arg6[%dma_wait3A_1141] : memref<25600xf32, #tpu.memory_space<vmem>> -> memref<512xf32, #tpu.memory_space<vmem>>
    %dma_wait3A_1143 = tpu.memref_slice %arg4[%add3A_754] : memref<819200xf32, #tpu.memory_space<hbm>> -> memref<512xf32, #tpu.memory_space<hbm>>
    %dma_wait3A_1144 = tpu.memref_slice %arg4[%add3A_754] : memref<819200xf32, #tpu.memory_space<hbm>> -> memref<512xf32, #tpu.memory_space<hbm>>
    %dma_wait3A_1145 = arith.constant 3072 : i32
    %dma_wait3A_1146 = tpu.memref_slice %arg6[%dma_wait3A_1145] : memref<25600xf32, #tpu.memory_space<vmem>> -> memref<512xf32, #tpu.memory_space<vmem>>
    tpu.wait_dma2 semaphore(%arg9 : memref<!tpu.dma_semaphore, #tpu.memory_space<semaphore_mem>>) src(%dma_wait3A_1146 : memref<512xf32, #tpu.memory_space<vmem>>) dst(%dma_wait3A_1144 : memref<512xf32, #tpu.memory_space<hbm>>)
    %dma_wait3A_1147 = arith.constant 3584 : i32
    %dma_wait3A_1148 = tpu.memref_slice %arg6[%dma_wait3A_1147] : memref<25600xf32, #tpu.memory_space<vmem>> -> memref<512xf32, #tpu.memory_space<vmem>>
    %dma_wait3A_1149 = tpu.memref_slice %arg4[%add3A_762] : memref<819200xf32, #tpu.memory_space<hbm>> -> memref<512xf32, #tpu.memory_space<hbm>>
    %dma_wait3A_1150 = tpu.memref_slice %arg4[%add3A_762] : memref<819200xf32, #tpu.memory_space<hbm>> -> memref<512xf32, #tpu.memory_space<hbm>>
    %dma_wait3A_1151 = arith.constant 3584 : i32
    %dma_wait3A_1152 = tpu.memref_slice %arg6[%dma_wait3A_1151] : memref<25600xf32, #tpu.memory_space<vmem>> -> memref<512xf32, #tpu.memory_space<vmem>>
    tpu.wait_dma2 semaphore(%arg9 : memref<!tpu.dma_semaphore, #tpu.memory_space<semaphore_mem>>) src(%dma_wait3A_1152 : memref<512xf32, #tpu.memory_space<vmem>>) dst(%dma_wait3A_1150 : memref<512xf32, #tpu.memory_space<hbm>>)
    %dma_wait3A_1153 = arith.constant 4096 : i32
    %dma_wait3A_1154 = tpu.memref_slice %arg6[%dma_wait3A_1153] : memref<25600xf32, #tpu.memory_space<vmem>> -> memref<512xf32, #tpu.memory_space<vmem>>
    %dma_wait3A_1155 = tpu.memref_slice %arg4[%add3A_770] : memref<819200xf32, #tpu.memory_space<hbm>> -> memref<512xf32, #tpu.memory_space<hbm>>
    %dma_wait3A_1156 = tpu.memref_slice %arg4[%add3A_770] : memref<819200xf32, #tpu.memory_space<hbm>> -> memref<512xf32, #tpu.memory_space<hbm>>
    %dma_wait3A_1157 = arith.constant 4096 : i32
    %dma_wait3A_1158 = tpu.memref_slice %arg6[%dma_wait3A_1157] : memref<25600xf32, #tpu.memory_space<vmem>> -> memref<512xf32, #tpu.memory_space<vmem>>
    tpu.wait_dma2 semaphore(%arg9 : memref<!tpu.dma_semaphore, #tpu.memory_space<semaphore_mem>>) src(%dma_wait3A_1158 : memref<512xf32, #tpu.memory_space<vmem>>) dst(%dma_wait3A_1156 : memref<512xf32, #tpu.memory_space<hbm>>)
    %dma_wait3A_1159 = arith.constant 4608 : i32
    %dma_wait3A_1160 = tpu.memref_slice %arg6[%dma_wait3A_1159] : memref<25600xf32, #tpu.memory_space<vmem>> -> memref<512xf32, #tpu.memory_space<vmem>>
    %dma_wait3A_1161 = tpu.memref_slice %arg4[%add3A_778] : memref<819200xf32, #tpu.memory_space<hbm>> -> memref<512xf32, #tpu.memory_space<hbm>>
    %dma_wait3A_1162 = tpu.memref_slice %arg4[%add3A_778] : memref<819200xf32, #tpu.memory_space<hbm>> -> memref<512xf32, #tpu.memory_space<hbm>>
    %dma_wait3A_1163 = arith.constant 4608 : i32
    %dma_wait3A_1164 = tpu.memref_slice %arg6[%dma_wait3A_1163] : memref<25600xf32, #tpu.memory_space<vmem>> -> memref<512xf32, #tpu.memory_space<vmem>>
    tpu.wait_dma2 semaphore(%arg9 : memref<!tpu.dma_semaphore, #tpu.memory_space<semaphore_mem>>) src(%dma_wait3A_1164 : memref<512xf32, #tpu.memory_space<vmem>>) dst(%dma_wait3A_1162 : memref<512xf32, #tpu.memory_space<hbm>>)
    %dma_wait3A_1165 = arith.constant 5120 : i32
    %dma_wait3A_1166 = tpu.memref_slice %arg6[%dma_wait3A_1165] : memref<25600xf32, #tpu.memory_space<vmem>> -> memref<512xf32, #tpu.memory_space<vmem>>
    %dma_wait3A_1167 = tpu.memref_slice %arg4[%add3A_786] : memref<819200xf32, #tpu.memory_space<hbm>> -> memref<512xf32, #tpu.memory_space<hbm>>
    %dma_wait3A_1168 = tpu.memref_slice %arg4[%add3A_786] : memref<819200xf32, #tpu.memory_space<hbm>> -> memref<512xf32, #tpu.memory_space<hbm>>
    %dma_wait3A_1169 = arith.constant 5120 : i32
    %dma_wait3A_1170 = tpu.memref_slice %arg6[%dma_wait3A_1169] : memref<25600xf32, #tpu.memory_space<vmem>> -> memref<512xf32, #tpu.memory_space<vmem>>
    tpu.wait_dma2 semaphore(%arg9 : memref<!tpu.dma_semaphore, #tpu.memory_space<semaphore_mem>>) src(%dma_wait3A_1170 : memref<512xf32, #tpu.memory_space<vmem>>) dst(%dma_wait3A_1168 : memref<512xf32, #tpu.memory_space<hbm>>)
    %dma_wait3A_1171 = arith.constant 5632 : i32
    %dma_wait3A_1172 = tpu.memref_slice %arg6[%dma_wait3A_1171] : memref<25600xf32, #tpu.memory_space<vmem>> -> memref<512xf32, #tpu.memory_space<vmem>>
    %dma_wait3A_1173 = tpu.memref_slice %arg4[%add3A_794] : memref<819200xf32, #tpu.memory_space<hbm>> -> memref<512xf32, #tpu.memory_space<hbm>>
    %dma_wait3A_1174 = tpu.memref_slice %arg4[%add3A_794] : memref<819200xf32, #tpu.memory_space<hbm>> -> memref<512xf32, #tpu.memory_space<hbm>>
    %dma_wait3A_1175 = arith.constant 5632 : i32
    %dma_wait3A_1176 = tpu.memref_slice %arg6[%dma_wait3A_1175] : memref<25600xf32, #tpu.memory_space<vmem>> -> memref<512xf32, #tpu.memory_space<vmem>>
    tpu.wait_dma2 semaphore(%arg9 : memref<!tpu.dma_semaphore, #tpu.memory_space<semaphore_mem>>) src(%dma_wait3A_1176 : memref<512xf32, #tpu.memory_space<vmem>>) dst(%dma_wait3A_1174 : memref<512xf32, #tpu.memory_space<hbm>>)
    %dma_wait3A_1177 = arith.constant 6144 : i32
    %dma_wait3A_1178 = tpu.memref_slice %arg6[%dma_wait3A_1177] : memref<25600xf32, #tpu.memory_space<vmem>> -> memref<512xf32, #tpu.memory_space<vmem>>
    %dma_wait3A_1179 = tpu.memref_slice %arg4[%add3A_802] : memref<819200xf32, #tpu.memory_space<hbm>> -> memref<512xf32, #tpu.memory_space<hbm>>
    %dma_wait3A_1180 = tpu.memref_slice %arg4[%add3A_802] : memref<819200xf32, #tpu.memory_space<hbm>> -> memref<512xf32, #tpu.memory_space<hbm>>
    %dma_wait3A_1181 = arith.constant 6144 : i32
    %dma_wait3A_1182 = tpu.memref_slice %arg6[%dma_wait3A_1181] : memref<25600xf32, #tpu.memory_space<vmem>> -> memref<512xf32, #tpu.memory_space<vmem>>
    tpu.wait_dma2 semaphore(%arg9 : memref<!tpu.dma_semaphore, #tpu.memory_space<semaphore_mem>>) src(%dma_wait3A_1182 : memref<512xf32, #tpu.memory_space<vmem>>) dst(%dma_wait3A_1180 : memref<512xf32, #tpu.memory_space<hbm>>)
    %dma_wait3A_1183 = arith.constant 6656 : i32
    %dma_wait3A_1184 = tpu.memref_slice %arg6[%dma_wait3A_1183] : memref<25600xf32, #tpu.memory_space<vmem>> -> memref<512xf32, #tpu.memory_space<vmem>>
    %dma_wait3A_1185 = tpu.memref_slice %arg4[%add3A_810] : memref<819200xf32, #tpu.memory_space<hbm>> -> memref<512xf32, #tpu.memory_space<hbm>>
    %dma_wait3A_1186 = tpu.memref_slice %arg4[%add3A_810] : memref<819200xf32, #tpu.memory_space<hbm>> -> memref<512xf32, #tpu.memory_space<hbm>>
    %dma_wait3A_1187 = arith.constant 6656 : i32
    %dma_wait3A_1188 = tpu.memref_slice %arg6[%dma_wait3A_1187] : memref<25600xf32, #tpu.memory_space<vmem>> -> memref<512xf32, #tpu.memory_space<vmem>>
    tpu.wait_dma2 semaphore(%arg9 : memref<!tpu.dma_semaphore, #tpu.memory_space<semaphore_mem>>) src(%dma_wait3A_1188 : memref<512xf32, #tpu.memory_space<vmem>>) dst(%dma_wait3A_1186 : memref<512xf32, #tpu.memory_space<hbm>>)
    %dma_wait3A_1189 = arith.constant 7168 : i32
    %dma_wait3A_1190 = tpu.memref_slice %arg6[%dma_wait3A_1189] : memref<25600xf32, #tpu.memory_space<vmem>> -> memref<512xf32, #tpu.memory_space<vmem>>
    %dma_wait3A_1191 = tpu.memref_slice %arg4[%add3A_818] : memref<819200xf32, #tpu.memory_space<hbm>> -> memref<512xf32, #tpu.memory_space<hbm>>
    %dma_wait3A_1192 = tpu.memref_slice %arg4[%add3A_818] : memref<819200xf32, #tpu.memory_space<hbm>> -> memref<512xf32, #tpu.memory_space<hbm>>
    %dma_wait3A_1193 = arith.constant 7168 : i32
    %dma_wait3A_1194 = tpu.memref_slice %arg6[%dma_wait3A_1193] : memref<25600xf32, #tpu.memory_space<vmem>> -> memref<512xf32, #tpu.memory_space<vmem>>
    tpu.wait_dma2 semaphore(%arg9 : memref<!tpu.dma_semaphore, #tpu.memory_space<semaphore_mem>>) src(%dma_wait3A_1194 : memref<512xf32, #tpu.memory_space<vmem>>) dst(%dma_wait3A_1192 : memref<512xf32, #tpu.memory_space<hbm>>)
    %dma_wait3A_1195 = arith.constant 7680 : i32
    %dma_wait3A_1196 = tpu.memref_slice %arg6[%dma_wait3A_1195] : memref<25600xf32, #tpu.memory_space<vmem>> -> memref<512xf32, #tpu.memory_space<vmem>>
    %dma_wait3A_1197 = tpu.memref_slice %arg4[%add3A_826] : memref<819200xf32, #tpu.memory_space<hbm>> -> memref<512xf32, #tpu.memory_space<hbm>>
    %dma_wait3A_1198 = tpu.memref_slice %arg4[%add3A_826] : memref<819200xf32, #tpu.memory_space<hbm>> -> memref<512xf32, #tpu.memory_space<hbm>>
    %dma_wait3A_1199 = arith.constant 7680 : i32
    %dma_wait3A_1200 = tpu.memref_slice %arg6[%dma_wait3A_1199] : memref<25600xf32, #tpu.memory_space<vmem>> -> memref<512xf32, #tpu.memory_space<vmem>>
    tpu.wait_dma2 semaphore(%arg9 : memref<!tpu.dma_semaphore, #tpu.memory_space<semaphore_mem>>) src(%dma_wait3A_1200 : memref<512xf32, #tpu.memory_space<vmem>>) dst(%dma_wait3A_1198 : memref<512xf32, #tpu.memory_space<hbm>>)
    %dma_wait3A_1201 = arith.constant 8192 : i32
    %dma_wait3A_1202 = tpu.memref_slice %arg6[%dma_wait3A_1201] : memref<25600xf32, #tpu.memory_space<vmem>> -> memref<512xf32, #tpu.memory_space<vmem>>
    %dma_wait3A_1203 = tpu.memref_slice %arg4[%add3A_834] : memref<819200xf32, #tpu.memory_space<hbm>> -> memref<512xf32, #tpu.memory_space<hbm>>
    %dma_wait3A_1204 = tpu.memref_slice %arg4[%add3A_834] : memref<819200xf32, #tpu.memory_space<hbm>> -> memref<512xf32, #tpu.memory_space<hbm>>
    %dma_wait3A_1205 = arith.constant 8192 : i32
    %dma_wait3A_1206 = tpu.memref_slice %arg6[%dma_wait3A_1205] : memref<25600xf32, #tpu.memory_space<vmem>> -> memref<512xf32, #tpu.memory_space<vmem>>
    tpu.wait_dma2 semaphore(%arg9 : memref<!tpu.dma_semaphore, #tpu.memory_space<semaphore_mem>>) src(%dma_wait3A_1206 : memref<512xf32, #tpu.memory_space<vmem>>) dst(%dma_wait3A_1204 : memref<512xf32, #tpu.memory_space<hbm>>)
    %dma_wait3A_1207 = arith.constant 8704 : i32
    %dma_wait3A_1208 = tpu.memref_slice %arg6[%dma_wait3A_1207] : memref<25600xf32, #tpu.memory_space<vmem>> -> memref<512xf32, #tpu.memory_space<vmem>>
    %dma_wait3A_1209 = tpu.memref_slice %arg4[%add3A_842] : memref<819200xf32, #tpu.memory_space<hbm>> -> memref<512xf32, #tpu.memory_space<hbm>>
    %dma_wait3A_1210 = tpu.memref_slice %arg4[%add3A_842] : memref<819200xf32, #tpu.memory_space<hbm>> -> memref<512xf32, #tpu.memory_space<hbm>>
    %dma_wait3A_1211 = arith.constant 8704 : i32
    %dma_wait3A_1212 = tpu.memref_slice %arg6[%dma_wait3A_1211] : memref<25600xf32, #tpu.memory_space<vmem>> -> memref<512xf32, #tpu.memory_space<vmem>>
    tpu.wait_dma2 semaphore(%arg9 : memref<!tpu.dma_semaphore, #tpu.memory_space<semaphore_mem>>) src(%dma_wait3A_1212 : memref<512xf32, #tpu.memory_space<vmem>>) dst(%dma_wait3A_1210 : memref<512xf32, #tpu.memory_space<hbm>>)
    %dma_wait3A_1213 = arith.constant 9216 : i32
    %dma_wait3A_1214 = tpu.memref_slice %arg6[%dma_wait3A_1213] : memref<25600xf32, #tpu.memory_space<vmem>> -> memref<512xf32, #tpu.memory_space<vmem>>
    %dma_wait3A_1215 = tpu.memref_slice %arg4[%add3A_850] : memref<819200xf32, #tpu.memory_space<hbm>> -> memref<512xf32, #tpu.memory_space<hbm>>
    %dma_wait3A_1216 = tpu.memref_slice %arg4[%add3A_850] : memref<819200xf32, #tpu.memory_space<hbm>> -> memref<512xf32, #tpu.memory_space<hbm>>
    %dma_wait3A_1217 = arith.constant 9216 : i32
    %dma_wait3A_1218 = tpu.memref_slice %arg6[%dma_wait3A_1217] : memref<25600xf32, #tpu.memory_space<vmem>> -> memref<512xf32, #tpu.memory_space<vmem>>
    tpu.wait_dma2 semaphore(%arg9 : memref<!tpu.dma_semaphore, #tpu.memory_space<semaphore_mem>>) src(%dma_wait3A_1218 : memref<512xf32, #tpu.memory_space<vmem>>) dst(%dma_wait3A_1216 : memref<512xf32, #tpu.memory_space<hbm>>)
    %dma_wait3A_1219 = arith.constant 9728 : i32
    %dma_wait3A_1220 = tpu.memref_slice %arg6[%dma_wait3A_1219] : memref<25600xf32, #tpu.memory_space<vmem>> -> memref<512xf32, #tpu.memory_space<vmem>>
    %dma_wait3A_1221 = tpu.memref_slice %arg4[%add3A_858] : memref<819200xf32, #tpu.memory_space<hbm>> -> memref<512xf32, #tpu.memory_space<hbm>>
    %dma_wait3A_1222 = tpu.memref_slice %arg4[%add3A_858] : memref<819200xf32, #tpu.memory_space<hbm>> -> memref<512xf32, #tpu.memory_space<hbm>>
    %dma_wait3A_1223 = arith.constant 9728 : i32
    %dma_wait3A_1224 = tpu.memref_slice %arg6[%dma_wait3A_1223] : memref<25600xf32, #tpu.memory_space<vmem>> -> memref<512xf32, #tpu.memory_space<vmem>>
    tpu.wait_dma2 semaphore(%arg9 : memref<!tpu.dma_semaphore, #tpu.memory_space<semaphore_mem>>) src(%dma_wait3A_1224 : memref<512xf32, #tpu.memory_space<vmem>>) dst(%dma_wait3A_1222 : memref<512xf32, #tpu.memory_space<hbm>>)
    %dma_wait3A_1225 = arith.constant 10240 : i32
    %dma_wait3A_1226 = tpu.memref_slice %arg6[%dma_wait3A_1225] : memref<25600xf32, #tpu.memory_space<vmem>> -> memref<512xf32, #tpu.memory_space<vmem>>
    %dma_wait3A_1227 = tpu.memref_slice %arg4[%add3A_866] : memref<819200xf32, #tpu.memory_space<hbm>> -> memref<512xf32, #tpu.memory_space<hbm>>
    %dma_wait3A_1228 = tpu.memref_slice %arg4[%add3A_866] : memref<819200xf32, #tpu.memory_space<hbm>> -> memref<512xf32, #tpu.memory_space<hbm>>
    %dma_wait3A_1229 = arith.constant 10240 : i32
    %dma_wait3A_1230 = tpu.memref_slice %arg6[%dma_wait3A_1229] : memref<25600xf32, #tpu.memory_space<vmem>> -> memref<512xf32, #tpu.memory_space<vmem>>
    tpu.wait_dma2 semaphore(%arg9 : memref<!tpu.dma_semaphore, #tpu.memory_space<semaphore_mem>>) src(%dma_wait3A_1230 : memref<512xf32, #tpu.memory_space<vmem>>) dst(%dma_wait3A_1228 : memref<512xf32, #tpu.memory_space<hbm>>)
    %dma_wait3A_1231 = arith.constant 10752 : i32
    %dma_wait3A_1232 = tpu.memref_slice %arg6[%dma_wait3A_1231] : memref<25600xf32, #tpu.memory_space<vmem>> -> memref<512xf32, #tpu.memory_space<vmem>>
    %dma_wait3A_1233 = tpu.memref_slice %arg4[%add3A_874] : memref<819200xf32, #tpu.memory_space<hbm>> -> memref<512xf32, #tpu.memory_space<hbm>>
    %dma_wait3A_1234 = tpu.memref_slice %arg4[%add3A_874] : memref<819200xf32, #tpu.memory_space<hbm>> -> memref<512xf32, #tpu.memory_space<hbm>>
    %dma_wait3A_1235 = arith.constant 10752 : i32
    %dma_wait3A_1236 = tpu.memref_slice %arg6[%dma_wait3A_1235] : memref<25600xf32, #tpu.memory_space<vmem>> -> memref<512xf32, #tpu.memory_space<vmem>>
    tpu.wait_dma2 semaphore(%arg9 : memref<!tpu.dma_semaphore, #tpu.memory_space<semaphore_mem>>) src(%dma_wait3A_1236 : memref<512xf32, #tpu.memory_space<vmem>>) dst(%dma_wait3A_1234 : memref<512xf32, #tpu.memory_space<hbm>>)
    %dma_wait3A_1237 = arith.constant 11264 : i32
    %dma_wait3A_1238 = tpu.memref_slice %arg6[%dma_wait3A_1237] : memref<25600xf32, #tpu.memory_space<vmem>> -> memref<512xf32, #tpu.memory_space<vmem>>
    %dma_wait3A_1239 = tpu.memref_slice %arg4[%add3A_882] : memref<819200xf32, #tpu.memory_space<hbm>> -> memref<512xf32, #tpu.memory_space<hbm>>
    %dma_wait3A_1240 = tpu.memref_slice %arg4[%add3A_882] : memref<819200xf32, #tpu.memory_space<hbm>> -> memref<512xf32, #tpu.memory_space<hbm>>
    %dma_wait3A_1241 = arith.constant 11264 : i32
    %dma_wait3A_1242 = tpu.memref_slice %arg6[%dma_wait3A_1241] : memref<25600xf32, #tpu.memory_space<vmem>> -> memref<512xf32, #tpu.memory_space<vmem>>
    tpu.wait_dma2 semaphore(%arg9 : memref<!tpu.dma_semaphore, #tpu.memory_space<semaphore_mem>>) src(%dma_wait3A_1242 : memref<512xf32, #tpu.memory_space<vmem>>) dst(%dma_wait3A_1240 : memref<512xf32, #tpu.memory_space<hbm>>)
    %dma_wait3A_1243 = arith.constant 11776 : i32
    %dma_wait3A_1244 = tpu.memref_slice %arg6[%dma_wait3A_1243] : memref<25600xf32, #tpu.memory_space<vmem>> -> memref<512xf32, #tpu.memory_space<vmem>>
    %dma_wait3A_1245 = tpu.memref_slice %arg4[%add3A_890] : memref<819200xf32, #tpu.memory_space<hbm>> -> memref<512xf32, #tpu.memory_space<hbm>>
    %dma_wait3A_1246 = tpu.memref_slice %arg4[%add3A_890] : memref<819200xf32, #tpu.memory_space<hbm>> -> memref<512xf32, #tpu.memory_space<hbm>>
    %dma_wait3A_1247 = arith.constant 11776 : i32
    %dma_wait3A_1248 = tpu.memref_slice %arg6[%dma_wait3A_1247] : memref<25600xf32, #tpu.memory_space<vmem>> -> memref<512xf32, #tpu.memory_space<vmem>>
    tpu.wait_dma2 semaphore(%arg9 : memref<!tpu.dma_semaphore, #tpu.memory_space<semaphore_mem>>) src(%dma_wait3A_1248 : memref<512xf32, #tpu.memory_space<vmem>>) dst(%dma_wait3A_1246 : memref<512xf32, #tpu.memory_space<hbm>>)
    %dma_wait3A_1249 = arith.constant 12288 : i32
    %dma_wait3A_1250 = tpu.memref_slice %arg6[%dma_wait3A_1249] : memref<25600xf32, #tpu.memory_space<vmem>> -> memref<512xf32, #tpu.memory_space<vmem>>
    %dma_wait3A_1251 = tpu.memref_slice %arg4[%add3A_898] : memref<819200xf32, #tpu.memory_space<hbm>> -> memref<512xf32, #tpu.memory_space<hbm>>
    %dma_wait3A_1252 = tpu.memref_slice %arg4[%add3A_898] : memref<819200xf32, #tpu.memory_space<hbm>> -> memref<512xf32, #tpu.memory_space<hbm>>
    %dma_wait3A_1253 = arith.constant 12288 : i32
    %dma_wait3A_1254 = tpu.memref_slice %arg6[%dma_wait3A_1253] : memref<25600xf32, #tpu.memory_space<vmem>> -> memref<512xf32, #tpu.memory_space<vmem>>
    tpu.wait_dma2 semaphore(%arg9 : memref<!tpu.dma_semaphore, #tpu.memory_space<semaphore_mem>>) src(%dma_wait3A_1254 : memref<512xf32, #tpu.memory_space<vmem>>) dst(%dma_wait3A_1252 : memref<512xf32, #tpu.memory_space<hbm>>)
    %dma_wait3A_1255 = arith.constant 12800 : i32
    %dma_wait3A_1256 = tpu.memref_slice %arg6[%dma_wait3A_1255] : memref<25600xf32, #tpu.memory_space<vmem>> -> memref<512xf32, #tpu.memory_space<vmem>>
    %dma_wait3A_1257 = tpu.memref_slice %arg4[%add3A_906] : memref<819200xf32, #tpu.memory_space<hbm>> -> memref<512xf32, #tpu.memory_space<hbm>>
    %dma_wait3A_1258 = tpu.memref_slice %arg4[%add3A_906] : memref<819200xf32, #tpu.memory_space<hbm>> -> memref<512xf32, #tpu.memory_space<hbm>>
    %dma_wait3A_1259 = arith.constant 12800 : i32
    %dma_wait3A_1260 = tpu.memref_slice %arg6[%dma_wait3A_1259] : memref<25600xf32, #tpu.memory_space<vmem>> -> memref<512xf32, #tpu.memory_space<vmem>>
    tpu.wait_dma2 semaphore(%arg9 : memref<!tpu.dma_semaphore, #tpu.memory_space<semaphore_mem>>) src(%dma_wait3A_1260 : memref<512xf32, #tpu.memory_space<vmem>>) dst(%dma_wait3A_1258 : memref<512xf32, #tpu.memory_space<hbm>>)
    %dma_wait3A_1261 = arith.constant 13312 : i32
    %dma_wait3A_1262 = tpu.memref_slice %arg6[%dma_wait3A_1261] : memref<25600xf32, #tpu.memory_space<vmem>> -> memref<512xf32, #tpu.memory_space<vmem>>
    %dma_wait3A_1263 = tpu.memref_slice %arg4[%add3A_914] : memref<819200xf32, #tpu.memory_space<hbm>> -> memref<512xf32, #tpu.memory_space<hbm>>
    %dma_wait3A_1264 = tpu.memref_slice %arg4[%add3A_914] : memref<819200xf32, #tpu.memory_space<hbm>> -> memref<512xf32, #tpu.memory_space<hbm>>
    %dma_wait3A_1265 = arith.constant 13312 : i32
    %dma_wait3A_1266 = tpu.memref_slice %arg6[%dma_wait3A_1265] : memref<25600xf32, #tpu.memory_space<vmem>> -> memref<512xf32, #tpu.memory_space<vmem>>
    tpu.wait_dma2 semaphore(%arg9 : memref<!tpu.dma_semaphore, #tpu.memory_space<semaphore_mem>>) src(%dma_wait3A_1266 : memref<512xf32, #tpu.memory_space<vmem>>) dst(%dma_wait3A_1264 : memref<512xf32, #tpu.memory_space<hbm>>)
    %dma_wait3A_1267 = arith.constant 13824 : i32
    %dma_wait3A_1268 = tpu.memref_slice %arg6[%dma_wait3A_1267] : memref<25600xf32, #tpu.memory_space<vmem>> -> memref<512xf32, #tpu.memory_space<vmem>>
    %dma_wait3A_1269 = tpu.memref_slice %arg4[%add3A_922] : memref<819200xf32, #tpu.memory_space<hbm>> -> memref<512xf32, #tpu.memory_space<hbm>>
    %dma_wait3A_1270 = tpu.memref_slice %arg4[%add3A_922] : memref<819200xf32, #tpu.memory_space<hbm>> -> memref<512xf32, #tpu.memory_space<hbm>>
    %dma_wait3A_1271 = arith.constant 13824 : i32
    %dma_wait3A_1272 = tpu.memref_slice %arg6[%dma_wait3A_1271] : memref<25600xf32, #tpu.memory_space<vmem>> -> memref<512xf32, #tpu.memory_space<vmem>>
    tpu.wait_dma2 semaphore(%arg9 : memref<!tpu.dma_semaphore, #tpu.memory_space<semaphore_mem>>) src(%dma_wait3A_1272 : memref<512xf32, #tpu.memory_space<vmem>>) dst(%dma_wait3A_1270 : memref<512xf32, #tpu.memory_space<hbm>>)
    %dma_wait3A_1273 = arith.constant 14336 : i32
    %dma_wait3A_1274 = tpu.memref_slice %arg6[%dma_wait3A_1273] : memref<25600xf32, #tpu.memory_space<vmem>> -> memref<512xf32, #tpu.memory_space<vmem>>
    %dma_wait3A_1275 = tpu.memref_slice %arg4[%add3A_930] : memref<819200xf32, #tpu.memory_space<hbm>> -> memref<512xf32, #tpu.memory_space<hbm>>
    %dma_wait3A_1276 = tpu.memref_slice %arg4[%add3A_930] : memref<819200xf32, #tpu.memory_space<hbm>> -> memref<512xf32, #tpu.memory_space<hbm>>
    %dma_wait3A_1277 = arith.constant 14336 : i32
    %dma_wait3A_1278 = tpu.memref_slice %arg6[%dma_wait3A_1277] : memref<25600xf32, #tpu.memory_space<vmem>> -> memref<512xf32, #tpu.memory_space<vmem>>
    tpu.wait_dma2 semaphore(%arg9 : memref<!tpu.dma_semaphore, #tpu.memory_space<semaphore_mem>>) src(%dma_wait3A_1278 : memref<512xf32, #tpu.memory_space<vmem>>) dst(%dma_wait3A_1276 : memref<512xf32, #tpu.memory_space<hbm>>)
    %dma_wait3A_1279 = arith.constant 14848 : i32
    %dma_wait3A_1280 = tpu.memref_slice %arg6[%dma_wait3A_1279] : memref<25600xf32, #tpu.memory_space<vmem>> -> memref<512xf32, #tpu.memory_space<vmem>>
    %dma_wait3A_1281 = tpu.memref_slice %arg4[%add3A_938] : memref<819200xf32, #tpu.memory_space<hbm>> -> memref<512xf32, #tpu.memory_space<hbm>>
    %dma_wait3A_1282 = tpu.memref_slice %arg4[%add3A_938] : memref<819200xf32, #tpu.memory_space<hbm>> -> memref<512xf32, #tpu.memory_space<hbm>>
    %dma_wait3A_1283 = arith.constant 14848 : i32
    %dma_wait3A_1284 = tpu.memref_slice %arg6[%dma_wait3A_1283] : memref<25600xf32, #tpu.memory_space<vmem>> -> memref<512xf32, #tpu.memory_space<vmem>>
    tpu.wait_dma2 semaphore(%arg9 : memref<!tpu.dma_semaphore, #tpu.memory_space<semaphore_mem>>) src(%dma_wait3A_1284 : memref<512xf32, #tpu.memory_space<vmem>>) dst(%dma_wait3A_1282 : memref<512xf32, #tpu.memory_space<hbm>>)
    %dma_wait3A_1285 = arith.constant 15360 : i32
    %dma_wait3A_1286 = tpu.memref_slice %arg6[%dma_wait3A_1285] : memref<25600xf32, #tpu.memory_space<vmem>> -> memref<512xf32, #tpu.memory_space<vmem>>
    %dma_wait3A_1287 = tpu.memref_slice %arg4[%add3A_946] : memref<819200xf32, #tpu.memory_space<hbm>> -> memref<512xf32, #tpu.memory_space<hbm>>
    %dma_wait3A_1288 = tpu.memref_slice %arg4[%add3A_946] : memref<819200xf32, #tpu.memory_space<hbm>> -> memref<512xf32, #tpu.memory_space<hbm>>
    %dma_wait3A_1289 = arith.constant 15360 : i32
    %dma_wait3A_1290 = tpu.memref_slice %arg6[%dma_wait3A_1289] : memref<25600xf32, #tpu.memory_space<vmem>> -> memref<512xf32, #tpu.memory_space<vmem>>
    tpu.wait_dma2 semaphore(%arg9 : memref<!tpu.dma_semaphore, #tpu.memory_space<semaphore_mem>>) src(%dma_wait3A_1290 : memref<512xf32, #tpu.memory_space<vmem>>) dst(%dma_wait3A_1288 : memref<512xf32, #tpu.memory_space<hbm>>)
    %dma_wait3A_1291 = arith.constant 15872 : i32
    %dma_wait3A_1292 = tpu.memref_slice %arg6[%dma_wait3A_1291] : memref<25600xf32, #tpu.memory_space<vmem>> -> memref<512xf32, #tpu.memory_space<vmem>>
    %dma_wait3A_1293 = tpu.memref_slice %arg4[%add3A_954] : memref<819200xf32, #tpu.memory_space<hbm>> -> memref<512xf32, #tpu.memory_space<hbm>>
    %dma_wait3A_1294 = tpu.memref_slice %arg4[%add3A_954] : memref<819200xf32, #tpu.memory_space<hbm>> -> memref<512xf32, #tpu.memory_space<hbm>>
    %dma_wait3A_1295 = arith.constant 15872 : i32
    %dma_wait3A_1296 = tpu.memref_slice %arg6[%dma_wait3A_1295] : memref<25600xf32, #tpu.memory_space<vmem>> -> memref<512xf32, #tpu.memory_space<vmem>>
    tpu.wait_dma2 semaphore(%arg9 : memref<!tpu.dma_semaphore, #tpu.memory_space<semaphore_mem>>) src(%dma_wait3A_1296 : memref<512xf32, #tpu.memory_space<vmem>>) dst(%dma_wait3A_1294 : memref<512xf32, #tpu.memory_space<hbm>>)
    %dma_wait3A_1297 = arith.constant 16384 : i32
    %dma_wait3A_1298 = tpu.memref_slice %arg6[%dma_wait3A_1297] : memref<25600xf32, #tpu.memory_space<vmem>> -> memref<512xf32, #tpu.memory_space<vmem>>
    %dma_wait3A_1299 = tpu.memref_slice %arg4[%add3A_962] : memref<819200xf32, #tpu.memory_space<hbm>> -> memref<512xf32, #tpu.memory_space<hbm>>
    %dma_wait3A_1300 = tpu.memref_slice %arg4[%add3A_962] : memref<819200xf32, #tpu.memory_space<hbm>> -> memref<512xf32, #tpu.memory_space<hbm>>
    %dma_wait3A_1301 = arith.constant 16384 : i32
    %dma_wait3A_1302 = tpu.memref_slice %arg6[%dma_wait3A_1301] : memref<25600xf32, #tpu.memory_space<vmem>> -> memref<512xf32, #tpu.memory_space<vmem>>
    tpu.wait_dma2 semaphore(%arg9 : memref<!tpu.dma_semaphore, #tpu.memory_space<semaphore_mem>>) src(%dma_wait3A_1302 : memref<512xf32, #tpu.memory_space<vmem>>) dst(%dma_wait3A_1300 : memref<512xf32, #tpu.memory_space<hbm>>)
    %dma_wait3A_1303 = arith.constant 16896 : i32
    %dma_wait3A_1304 = tpu.memref_slice %arg6[%dma_wait3A_1303] : memref<25600xf32, #tpu.memory_space<vmem>> -> memref<512xf32, #tpu.memory_space<vmem>>
    %dma_wait3A_1305 = tpu.memref_slice %arg4[%add3A_970] : memref<819200xf32, #tpu.memory_space<hbm>> -> memref<512xf32, #tpu.memory_space<hbm>>
    %dma_wait3A_1306 = tpu.memref_slice %arg4[%add3A_970] : memref<819200xf32, #tpu.memory_space<hbm>> -> memref<512xf32, #tpu.memory_space<hbm>>
    %dma_wait3A_1307 = arith.constant 16896 : i32
    %dma_wait3A_1308 = tpu.memref_slice %arg6[%dma_wait3A_1307] : memref<25600xf32, #tpu.memory_space<vmem>> -> memref<512xf32, #tpu.memory_space<vmem>>
    tpu.wait_dma2 semaphore(%arg9 : memref<!tpu.dma_semaphore, #tpu.memory_space<semaphore_mem>>) src(%dma_wait3A_1308 : memref<512xf32, #tpu.memory_space<vmem>>) dst(%dma_wait3A_1306 : memref<512xf32, #tpu.memory_space<hbm>>)
    %dma_wait3A_1309 = arith.constant 17408 : i32
    %dma_wait3A_1310 = tpu.memref_slice %arg6[%dma_wait3A_1309] : memref<25600xf32, #tpu.memory_space<vmem>> -> memref<512xf32, #tpu.memory_space<vmem>>
    %dma_wait3A_1311 = tpu.memref_slice %arg4[%add3A_978] : memref<819200xf32, #tpu.memory_space<hbm>> -> memref<512xf32, #tpu.memory_space<hbm>>
    %dma_wait3A_1312 = tpu.memref_slice %arg4[%add3A_978] : memref<819200xf32, #tpu.memory_space<hbm>> -> memref<512xf32, #tpu.memory_space<hbm>>
    %dma_wait3A_1313 = arith.constant 17408 : i32
    %dma_wait3A_1314 = tpu.memref_slice %arg6[%dma_wait3A_1313] : memref<25600xf32, #tpu.memory_space<vmem>> -> memref<512xf32, #tpu.memory_space<vmem>>
    tpu.wait_dma2 semaphore(%arg9 : memref<!tpu.dma_semaphore, #tpu.memory_space<semaphore_mem>>) src(%dma_wait3A_1314 : memref<512xf32, #tpu.memory_space<vmem>>) dst(%dma_wait3A_1312 : memref<512xf32, #tpu.memory_space<hbm>>)
    %dma_wait3A_1315 = arith.constant 17920 : i32
    %dma_wait3A_1316 = tpu.memref_slice %arg6[%dma_wait3A_1315] : memref<25600xf32, #tpu.memory_space<vmem>> -> memref<512xf32, #tpu.memory_space<vmem>>
    %dma_wait3A_1317 = tpu.memref_slice %arg4[%add3A_986] : memref<819200xf32, #tpu.memory_space<hbm>> -> memref<512xf32, #tpu.memory_space<hbm>>
    %dma_wait3A_1318 = tpu.memref_slice %arg4[%add3A_986] : memref<819200xf32, #tpu.memory_space<hbm>> -> memref<512xf32, #tpu.memory_space<hbm>>
    %dma_wait3A_1319 = arith.constant 17920 : i32
    %dma_wait3A_1320 = tpu.memref_slice %arg6[%dma_wait3A_1319] : memref<25600xf32, #tpu.memory_space<vmem>> -> memref<512xf32, #tpu.memory_space<vmem>>
    tpu.wait_dma2 semaphore(%arg9 : memref<!tpu.dma_semaphore, #tpu.memory_space<semaphore_mem>>) src(%dma_wait3A_1320 : memref<512xf32, #tpu.memory_space<vmem>>) dst(%dma_wait3A_1318 : memref<512xf32, #tpu.memory_space<hbm>>)
    %dma_wait3A_1321 = arith.constant 18432 : i32
    %dma_wait3A_1322 = tpu.memref_slice %arg6[%dma_wait3A_1321] : memref<25600xf32, #tpu.memory_space<vmem>> -> memref<512xf32, #tpu.memory_space<vmem>>
    %dma_wait3A_1323 = tpu.memref_slice %arg4[%add3A_994] : memref<819200xf32, #tpu.memory_space<hbm>> -> memref<512xf32, #tpu.memory_space<hbm>>
    %dma_wait3A_1324 = tpu.memref_slice %arg4[%add3A_994] : memref<819200xf32, #tpu.memory_space<hbm>> -> memref<512xf32, #tpu.memory_space<hbm>>
    %dma_wait3A_1325 = arith.constant 18432 : i32
    %dma_wait3A_1326 = tpu.memref_slice %arg6[%dma_wait3A_1325] : memref<25600xf32, #tpu.memory_space<vmem>> -> memref<512xf32, #tpu.memory_space<vmem>>
    tpu.wait_dma2 semaphore(%arg9 : memref<!tpu.dma_semaphore, #tpu.memory_space<semaphore_mem>>) src(%dma_wait3A_1326 : memref<512xf32, #tpu.memory_space<vmem>>) dst(%dma_wait3A_1324 : memref<512xf32, #tpu.memory_space<hbm>>)
    %dma_wait3A_1327 = arith.constant 18944 : i32
    %dma_wait3A_1328 = tpu.memref_slice %arg6[%dma_wait3A_1327] : memref<25600xf32, #tpu.memory_space<vmem>> -> memref<512xf32, #tpu.memory_space<vmem>>
    %dma_wait3A_1329 = tpu.memref_slice %arg4[%add3A_1002] : memref<819200xf32, #tpu.memory_space<hbm>> -> memref<512xf32, #tpu.memory_space<hbm>>
    %dma_wait3A_1330 = tpu.memref_slice %arg4[%add3A_1002] : memref<819200xf32, #tpu.memory_space<hbm>> -> memref<512xf32, #tpu.memory_space<hbm>>
    %dma_wait3A_1331 = arith.constant 18944 : i32
    %dma_wait3A_1332 = tpu.memref_slice %arg6[%dma_wait3A_1331] : memref<25600xf32, #tpu.memory_space<vmem>> -> memref<512xf32, #tpu.memory_space<vmem>>
    tpu.wait_dma2 semaphore(%arg9 : memref<!tpu.dma_semaphore, #tpu.memory_space<semaphore_mem>>) src(%dma_wait3A_1332 : memref<512xf32, #tpu.memory_space<vmem>>) dst(%dma_wait3A_1330 : memref<512xf32, #tpu.memory_space<hbm>>)
    %dma_wait3A_1333 = arith.constant 19456 : i32
    %dma_wait3A_1334 = tpu.memref_slice %arg6[%dma_wait3A_1333] : memref<25600xf32, #tpu.memory_space<vmem>> -> memref<512xf32, #tpu.memory_space<vmem>>
    %dma_wait3A_1335 = tpu.memref_slice %arg4[%add3A_1010] : memref<819200xf32, #tpu.memory_space<hbm>> -> memref<512xf32, #tpu.memory_space<hbm>>
    %dma_wait3A_1336 = tpu.memref_slice %arg4[%add3A_1010] : memref<819200xf32, #tpu.memory_space<hbm>> -> memref<512xf32, #tpu.memory_space<hbm>>
    %dma_wait3A_1337 = arith.constant 19456 : i32
    %dma_wait3A_1338 = tpu.memref_slice %arg6[%dma_wait3A_1337] : memref<25600xf32, #tpu.memory_space<vmem>> -> memref<512xf32, #tpu.memory_space<vmem>>
    tpu.wait_dma2 semaphore(%arg9 : memref<!tpu.dma_semaphore, #tpu.memory_space<semaphore_mem>>) src(%dma_wait3A_1338 : memref<512xf32, #tpu.memory_space<vmem>>) dst(%dma_wait3A_1336 : memref<512xf32, #tpu.memory_space<hbm>>)
    %dma_wait3A_1339 = arith.constant 19968 : i32
    %dma_wait3A_1340 = tpu.memref_slice %arg6[%dma_wait3A_1339] : memref<25600xf32, #tpu.memory_space<vmem>> -> memref<512xf32, #tpu.memory_space<vmem>>
    %dma_wait3A_1341 = tpu.memref_slice %arg4[%add3A_1018] : memref<819200xf32, #tpu.memory_space<hbm>> -> memref<512xf32, #tpu.memory_space<hbm>>
    %dma_wait3A_1342 = tpu.memref_slice %arg4[%add3A_1018] : memref<819200xf32, #tpu.memory_space<hbm>> -> memref<512xf32, #tpu.memory_space<hbm>>
    %dma_wait3A_1343 = arith.constant 19968 : i32
    %dma_wait3A_1344 = tpu.memref_slice %arg6[%dma_wait3A_1343] : memref<25600xf32, #tpu.memory_space<vmem>> -> memref<512xf32, #tpu.memory_space<vmem>>
    tpu.wait_dma2 semaphore(%arg9 : memref<!tpu.dma_semaphore, #tpu.memory_space<semaphore_mem>>) src(%dma_wait3A_1344 : memref<512xf32, #tpu.memory_space<vmem>>) dst(%dma_wait3A_1342 : memref<512xf32, #tpu.memory_space<hbm>>)
    %dma_wait3A_1345 = arith.constant 20480 : i32
    %dma_wait3A_1346 = tpu.memref_slice %arg6[%dma_wait3A_1345] : memref<25600xf32, #tpu.memory_space<vmem>> -> memref<512xf32, #tpu.memory_space<vmem>>
    %dma_wait3A_1347 = tpu.memref_slice %arg4[%add3A_1026] : memref<819200xf32, #tpu.memory_space<hbm>> -> memref<512xf32, #tpu.memory_space<hbm>>
    %dma_wait3A_1348 = tpu.memref_slice %arg4[%add3A_1026] : memref<819200xf32, #tpu.memory_space<hbm>> -> memref<512xf32, #tpu.memory_space<hbm>>
    %dma_wait3A_1349 = arith.constant 20480 : i32
    %dma_wait3A_1350 = tpu.memref_slice %arg6[%dma_wait3A_1349] : memref<25600xf32, #tpu.memory_space<vmem>> -> memref<512xf32, #tpu.memory_space<vmem>>
    tpu.wait_dma2 semaphore(%arg9 : memref<!tpu.dma_semaphore, #tpu.memory_space<semaphore_mem>>) src(%dma_wait3A_1350 : memref<512xf32, #tpu.memory_space<vmem>>) dst(%dma_wait3A_1348 : memref<512xf32, #tpu.memory_space<hbm>>)
    %dma_wait3A_1351 = arith.constant 20992 : i32
    %dma_wait3A_1352 = tpu.memref_slice %arg6[%dma_wait3A_1351] : memref<25600xf32, #tpu.memory_space<vmem>> -> memref<512xf32, #tpu.memory_space<vmem>>
    %dma_wait3A_1353 = tpu.memref_slice %arg4[%add3A_1034] : memref<819200xf32, #tpu.memory_space<hbm>> -> memref<512xf32, #tpu.memory_space<hbm>>
    %dma_wait3A_1354 = tpu.memref_slice %arg4[%add3A_1034] : memref<819200xf32, #tpu.memory_space<hbm>> -> memref<512xf32, #tpu.memory_space<hbm>>
    %dma_wait3A_1355 = arith.constant 20992 : i32
    %dma_wait3A_1356 = tpu.memref_slice %arg6[%dma_wait3A_1355] : memref<25600xf32, #tpu.memory_space<vmem>> -> memref<512xf32, #tpu.memory_space<vmem>>
    tpu.wait_dma2 semaphore(%arg9 : memref<!tpu.dma_semaphore, #tpu.memory_space<semaphore_mem>>) src(%dma_wait3A_1356 : memref<512xf32, #tpu.memory_space<vmem>>) dst(%dma_wait3A_1354 : memref<512xf32, #tpu.memory_space<hbm>>)
    %dma_wait3A_1357 = arith.constant 21504 : i32
    %dma_wait3A_1358 = tpu.memref_slice %arg6[%dma_wait3A_1357] : memref<25600xf32, #tpu.memory_space<vmem>> -> memref<512xf32, #tpu.memory_space<vmem>>
    %dma_wait3A_1359 = tpu.memref_slice %arg4[%add3A_1042] : memref<819200xf32, #tpu.memory_space<hbm>> -> memref<512xf32, #tpu.memory_space<hbm>>
    %dma_wait3A_1360 = tpu.memref_slice %arg4[%add3A_1042] : memref<819200xf32, #tpu.memory_space<hbm>> -> memref<512xf32, #tpu.memory_space<hbm>>
    %dma_wait3A_1361 = arith.constant 21504 : i32
    %dma_wait3A_1362 = tpu.memref_slice %arg6[%dma_wait3A_1361] : memref<25600xf32, #tpu.memory_space<vmem>> -> memref<512xf32, #tpu.memory_space<vmem>>
    tpu.wait_dma2 semaphore(%arg9 : memref<!tpu.dma_semaphore, #tpu.memory_space<semaphore_mem>>) src(%dma_wait3A_1362 : memref<512xf32, #tpu.memory_space<vmem>>) dst(%dma_wait3A_1360 : memref<512xf32, #tpu.memory_space<hbm>>)
    %dma_wait3A_1363 = arith.constant 22016 : i32
    %dma_wait3A_1364 = tpu.memref_slice %arg6[%dma_wait3A_1363] : memref<25600xf32, #tpu.memory_space<vmem>> -> memref<512xf32, #tpu.memory_space<vmem>>
    %dma_wait3A_1365 = tpu.memref_slice %arg4[%add3A_1050] : memref<819200xf32, #tpu.memory_space<hbm>> -> memref<512xf32, #tpu.memory_space<hbm>>
    %dma_wait3A_1366 = tpu.memref_slice %arg4[%add3A_1050] : memref<819200xf32, #tpu.memory_space<hbm>> -> memref<512xf32, #tpu.memory_space<hbm>>
    %dma_wait3A_1367 = arith.constant 22016 : i32
    %dma_wait3A_1368 = tpu.memref_slice %arg6[%dma_wait3A_1367] : memref<25600xf32, #tpu.memory_space<vmem>> -> memref<512xf32, #tpu.memory_space<vmem>>
    tpu.wait_dma2 semaphore(%arg9 : memref<!tpu.dma_semaphore, #tpu.memory_space<semaphore_mem>>) src(%dma_wait3A_1368 : memref<512xf32, #tpu.memory_space<vmem>>) dst(%dma_wait3A_1366 : memref<512xf32, #tpu.memory_space<hbm>>)
    %dma_wait3A_1369 = arith.constant 22528 : i32
    %dma_wait3A_1370 = tpu.memref_slice %arg6[%dma_wait3A_1369] : memref<25600xf32, #tpu.memory_space<vmem>> -> memref<512xf32, #tpu.memory_space<vmem>>
    %dma_wait3A_1371 = tpu.memref_slice %arg4[%add3A_1058] : memref<819200xf32, #tpu.memory_space<hbm>> -> memref<512xf32, #tpu.memory_space<hbm>>
    %dma_wait3A_1372 = tpu.memref_slice %arg4[%add3A_1058] : memref<819200xf32, #tpu.memory_space<hbm>> -> memref<512xf32, #tpu.memory_space<hbm>>
    %dma_wait3A_1373 = arith.constant 22528 : i32
    %dma_wait3A_1374 = tpu.memref_slice %arg6[%dma_wait3A_1373] : memref<25600xf32, #tpu.memory_space<vmem>> -> memref<512xf32, #tpu.memory_space<vmem>>
    tpu.wait_dma2 semaphore(%arg9 : memref<!tpu.dma_semaphore, #tpu.memory_space<semaphore_mem>>) src(%dma_wait3A_1374 : memref<512xf32, #tpu.memory_space<vmem>>) dst(%dma_wait3A_1372 : memref<512xf32, #tpu.memory_space<hbm>>)
    %dma_wait3A_1375 = arith.constant 23040 : i32
    %dma_wait3A_1376 = tpu.memref_slice %arg6[%dma_wait3A_1375] : memref<25600xf32, #tpu.memory_space<vmem>> -> memref<512xf32, #tpu.memory_space<vmem>>
    %dma_wait3A_1377 = tpu.memref_slice %arg4[%add3A_1066] : memref<819200xf32, #tpu.memory_space<hbm>> -> memref<512xf32, #tpu.memory_space<hbm>>
    %dma_wait3A_1378 = tpu.memref_slice %arg4[%add3A_1066] : memref<819200xf32, #tpu.memory_space<hbm>> -> memref<512xf32, #tpu.memory_space<hbm>>
    %dma_wait3A_1379 = arith.constant 23040 : i32
    %dma_wait3A_1380 = tpu.memref_slice %arg6[%dma_wait3A_1379] : memref<25600xf32, #tpu.memory_space<vmem>> -> memref<512xf32, #tpu.memory_space<vmem>>
    tpu.wait_dma2 semaphore(%arg9 : memref<!tpu.dma_semaphore, #tpu.memory_space<semaphore_mem>>) src(%dma_wait3A_1380 : memref<512xf32, #tpu.memory_space<vmem>>) dst(%dma_wait3A_1378 : memref<512xf32, #tpu.memory_space<hbm>>)
    %dma_wait3A_1381 = arith.constant 23552 : i32
    %dma_wait3A_1382 = tpu.memref_slice %arg6[%dma_wait3A_1381] : memref<25600xf32, #tpu.memory_space<vmem>> -> memref<512xf32, #tpu.memory_space<vmem>>
    %dma_wait3A_1383 = tpu.memref_slice %arg4[%add3A_1074] : memref<819200xf32, #tpu.memory_space<hbm>> -> memref<512xf32, #tpu.memory_space<hbm>>
    %dma_wait3A_1384 = tpu.memref_slice %arg4[%add3A_1074] : memref<819200xf32, #tpu.memory_space<hbm>> -> memref<512xf32, #tpu.memory_space<hbm>>
    %dma_wait3A_1385 = arith.constant 23552 : i32
    %dma_wait3A_1386 = tpu.memref_slice %arg6[%dma_wait3A_1385] : memref<25600xf32, #tpu.memory_space<vmem>> -> memref<512xf32, #tpu.memory_space<vmem>>
    tpu.wait_dma2 semaphore(%arg9 : memref<!tpu.dma_semaphore, #tpu.memory_space<semaphore_mem>>) src(%dma_wait3A_1386 : memref<512xf32, #tpu.memory_space<vmem>>) dst(%dma_wait3A_1384 : memref<512xf32, #tpu.memory_space<hbm>>)
    %dma_wait3A_1387 = arith.constant 24064 : i32
    %dma_wait3A_1388 = tpu.memref_slice %arg6[%dma_wait3A_1387] : memref<25600xf32, #tpu.memory_space<vmem>> -> memref<512xf32, #tpu.memory_space<vmem>>
    %dma_wait3A_1389 = tpu.memref_slice %arg4[%add3A_1082] : memref<819200xf32, #tpu.memory_space<hbm>> -> memref<512xf32, #tpu.memory_space<hbm>>
    %dma_wait3A_1390 = tpu.memref_slice %arg4[%add3A_1082] : memref<819200xf32, #tpu.memory_space<hbm>> -> memref<512xf32, #tpu.memory_space<hbm>>
    %dma_wait3A_1391 = arith.constant 24064 : i32
    %dma_wait3A_1392 = tpu.memref_slice %arg6[%dma_wait3A_1391] : memref<25600xf32, #tpu.memory_space<vmem>> -> memref<512xf32, #tpu.memory_space<vmem>>
    tpu.wait_dma2 semaphore(%arg9 : memref<!tpu.dma_semaphore, #tpu.memory_space<semaphore_mem>>) src(%dma_wait3A_1392 : memref<512xf32, #tpu.memory_space<vmem>>) dst(%dma_wait3A_1390 : memref<512xf32, #tpu.memory_space<hbm>>)
    %dma_wait3A_1393 = arith.constant 24576 : i32
    %dma_wait3A_1394 = tpu.memref_slice %arg6[%dma_wait3A_1393] : memref<25600xf32, #tpu.memory_space<vmem>> -> memref<512xf32, #tpu.memory_space<vmem>>
    %dma_wait3A_1395 = tpu.memref_slice %arg4[%add3A_1090] : memref<819200xf32, #tpu.memory_space<hbm>> -> memref<512xf32, #tpu.memory_space<hbm>>
    %dma_wait3A_1396 = tpu.memref_slice %arg4[%add3A_1090] : memref<819200xf32, #tpu.memory_space<hbm>> -> memref<512xf32, #tpu.memory_space<hbm>>
    %dma_wait3A_1397 = arith.constant 24576 : i32
    %dma_wait3A_1398 = tpu.memref_slice %arg6[%dma_wait3A_1397] : memref<25600xf32, #tpu.memory_space<vmem>> -> memref<512xf32, #tpu.memory_space<vmem>>
    tpu.wait_dma2 semaphore(%arg9 : memref<!tpu.dma_semaphore, #tpu.memory_space<semaphore_mem>>) src(%dma_wait3A_1398 : memref<512xf32, #tpu.memory_space<vmem>>) dst(%dma_wait3A_1396 : memref<512xf32, #tpu.memory_space<hbm>>)
    %dma_wait3A_1399 = arith.constant 25088 : i32
    %dma_wait3A_1400 = tpu.memref_slice %arg6[%dma_wait3A_1399] : memref<25600xf32, #tpu.memory_space<vmem>> -> memref<512xf32, #tpu.memory_space<vmem>>
    %dma_wait3A_1401 = tpu.memref_slice %arg4[%add3A_1098] : memref<819200xf32, #tpu.memory_space<hbm>> -> memref<512xf32, #tpu.memory_space<hbm>>
    %dma_wait3A_1402 = tpu.memref_slice %arg4[%add3A_1098] : memref<819200xf32, #tpu.memory_space<hbm>> -> memref<512xf32, #tpu.memory_space<hbm>>
    %dma_wait3A_1403 = arith.constant 25088 : i32
    %dma_wait3A_1404 = tpu.memref_slice %arg6[%dma_wait3A_1403] : memref<25600xf32, #tpu.memory_space<vmem>> -> memref<512xf32, #tpu.memory_space<vmem>>
    tpu.wait_dma2 semaphore(%arg9 : memref<!tpu.dma_semaphore, #tpu.memory_space<semaphore_mem>>) src(%dma_wait3A_1404 : memref<512xf32, #tpu.memory_space<vmem>>) dst(%dma_wait3A_1402 : memref<512xf32, #tpu.memory_space<hbm>>)
    return
  }
}

module attributes {stable_mosaic.version = 14 : i64} {
  func.func @_rowsum_body(%arg0: i32, %arg1: memref<64x32768xf32, #tpu.memory_space<vmem>>, %arg2: memref<256x128xf32, #tpu.memory_space<vmem>>) attributes {dimension_semantics = [#tpu.dimension_semantics<arbitrary>], iteration_bounds = array<i64: 31>, scalar_prefetch = 0 : i64, scratch_operands = 0 : i64, tpu.core_type = #tpu.core_type<tc>, window_params = [{transform_indices = @transform_0, window_bounds = array<i64: 64, 32768>}, {transform_indices = @transform_1, window_bounds = array<i64: 256, 128>}]} {
    %get3A = arith.constant 0 : index
    %get3A_0 = arith.constant 0 : index
    %get3A_1 = vector.load %arg1[%get3A, %get3A_0] : memref<64x32768xf32, #tpu.memory_space<vmem>>, vector<64x32768xf32>
    %reduce_sum3A = arith.constant dense<0.000000e+00> : vector<32768xf32>
    %reduce_sum3A_2 = vector.multi_reduction <add>, %get3A_1, %reduce_sum3A [0] : vector<64x32768xf32> to vector<32768xf32>
    %mul3A = arith.constant 2.000000e-02 : f32
    %mul3A_3 = vector.broadcast %mul3A : f32 to vector<32768xf32>
    %mul3A_4 = arith.mulf %reduce_sum3A_2, %mul3A_3 : vector<32768xf32>
    %reshape3A = vector.shape_cast %mul3A_4 : vector<32768xf32> to vector<256x128xf32>
    %swap3A = arith.constant 0 : index
    %swap3A_5 = arith.constant 0 : index
    %swap3A_6 = vector.load %arg2[%swap3A, %swap3A_5] : memref<256x128xf32, #tpu.memory_space<vmem>>, vector<256x128xf32>
    tpu.vector_store %arg2[%swap3A, %swap3A_5], %reshape3A {strides = array<i32>} : memref<256x128xf32, #tpu.memory_space<vmem>>, vector<256x128xf32>,
    return
  }
  func.func @transform_0(%arg0: i32) -> (i32, i32) {
    %c0_i32 = arith.constant 0 : i32
    %c0_i32_0 = arith.constant 0 : i32
    return %c0_i32, %arg0 : i32, i32
  }
  func.func @transform_1(%arg0: i32) -> (i32, i32) {
    %c0_i32 = arith.constant 0 : i32
    %c0_i32_0 = arith.constant 0 : i32
    return %arg0, %c0_i32 : i32, i32
  }
}

module attributes {stable_mosaic.version = 14 : i64} {
  func.func @_finish_body(%arg0: i32, %arg1: memref<6400x128xf32, #tpu.memory_space<vmem>>, %arg2: memref<100x64xf32, #tpu.memory_space<vmem>>, %arg3: memref<1x100xf32, #tpu.memory_space<vmem>>, %arg4: memref<1024x100xf32, #tpu.memory_space<vmem>>) attributes {dimension_semantics = [#tpu.dimension_semantics<arbitrary>], iteration_bounds = array<i64: 16>, scalar_prefetch = 0 : i64, scratch_operands = 0 : i64, tpu.core_type = #tpu.core_type<tc>, window_params = [{pipeline_mode = #tpu.pipeline_mode<synchronous>, transform_indices = @transform_0, window_bounds = array<i64: 6400, 128>}, {pipeline_mode = #tpu.pipeline_mode<synchronous>, transform_indices = @transform_1, window_bounds = array<i64: 100, 64>}, {pipeline_mode = #tpu.pipeline_mode<synchronous>, transform_indices = @transform_2, window_bounds = array<i64: 1, 100>}, {transform_indices = @transform_3, window_bounds = array<i64: 1024, 100>}]} {
    %broadcast_in_dim3A = arith.constant 0.000000e+00 : f32
    %broadcast_in_dim3A_0 = vector.broadcast %broadcast_in_dim3A : f32 to vector<8x128xf32>
    %mul3A = arith.constant 8 : i32
    %mul3A_1 = arith.muli %mul3A, %arg0 : i32
    %add3A = arith.constant 0 : i32
    %add3A_2 = arith.addi %add3A, %mul3A_1 : i32
    %get3A = arith.index_cast %add3A_2 : i32 to index
    %get3A_3 = arith.constant 0 : index
    %get3A_4 = vector.load %arg1[%get3A, %get3A_3] : memref<6400x128xf32, #tpu.memory_space<vmem>>, vector<8x128xf32>
    %add3A_5 = arith.addf %broadcast_in_dim3A_0, %get3A_4 : vector<8x128xf32>
    %mul3A_6 = arith.constant 8 : i32
    %mul3A_7 = arith.muli %mul3A_6, %arg0 : i32
    %add3A_8 = arith.constant 128 : i32
    %add3A_9 = arith.addi %add3A_8, %mul3A_7 : i32
    %get3A_10 = arith.index_cast %add3A_9 : i32 to index
    %get3A_11 = arith.constant 0 : index
    %get3A_12 = vector.load %arg1[%get3A_10, %get3A_11] : memref<6400x128xf32, #tpu.memory_space<vmem>>, vector<8x128xf32>
    %add3A_13 = arith.addf %add3A_5, %get3A_12 : vector<8x128xf32>
    %mul3A_14 = arith.constant 8 : i32
    %mul3A_15 = arith.muli %mul3A_14, %arg0 : i32
    %add3A_16 = arith.constant 256 : i32
    %add3A_17 = arith.addi %add3A_16, %mul3A_15 : i32
    %get3A_18 = arith.index_cast %add3A_17 : i32 to index
    %get3A_19 = arith.constant 0 : index
    %get3A_20 = vector.load %arg1[%get3A_18, %get3A_19] : memref<6400x128xf32, #tpu.memory_space<vmem>>, vector<8x128xf32>
    %add3A_21 = arith.addf %add3A_13, %get3A_20 : vector<8x128xf32>
    %mul3A_22 = arith.constant 8 : i32
    %mul3A_23 = arith.muli %mul3A_22, %arg0 : i32
    %add3A_24 = arith.constant 384 : i32
    %add3A_25 = arith.addi %add3A_24, %mul3A_23 : i32
    %get3A_26 = arith.index_cast %add3A_25 : i32 to index
    %get3A_27 = arith.constant 0 : index
    %get3A_28 = vector.load %arg1[%get3A_26, %get3A_27] : memref<6400x128xf32, #tpu.memory_space<vmem>>, vector<8x128xf32>
    %add3A_29 = arith.addf %add3A_21, %get3A_28 : vector<8x128xf32>
    %mul3A_30 = arith.constant 8 : i32
    %mul3A_31 = arith.muli %mul3A_30, %arg0 : i32
    %add3A_32 = arith.constant 512 : i32
    %add3A_33 = arith.addi %add3A_32, %mul3A_31 : i32
    %get3A_34 = arith.index_cast %add3A_33 : i32 to index
    %get3A_35 = arith.constant 0 : index
    %get3A_36 = vector.load %arg1[%get3A_34, %get3A_35] : memref<6400x128xf32, #tpu.memory_space<vmem>>, vector<8x128xf32>
    %add3A_37 = arith.addf %add3A_29, %get3A_36 : vector<8x128xf32>
    %mul3A_38 = arith.constant 8 : i32
    %mul3A_39 = arith.muli %mul3A_38, %arg0 : i32
    %add3A_40 = arith.constant 640 : i32
    %add3A_41 = arith.addi %add3A_40, %mul3A_39 : i32
    %get3A_42 = arith.index_cast %add3A_41 : i32 to index
    %get3A_43 = arith.constant 0 : index
    %get3A_44 = vector.load %arg1[%get3A_42, %get3A_43] : memref<6400x128xf32, #tpu.memory_space<vmem>>, vector<8x128xf32>
    %add3A_45 = arith.addf %add3A_37, %get3A_44 : vector<8x128xf32>
    %mul3A_46 = arith.constant 8 : i32
    %mul3A_47 = arith.muli %mul3A_46, %arg0 : i32
    %add3A_48 = arith.constant 768 : i32
    %add3A_49 = arith.addi %add3A_48, %mul3A_47 : i32
    %get3A_50 = arith.index_cast %add3A_49 : i32 to index
    %get3A_51 = arith.constant 0 : index
    %get3A_52 = vector.load %arg1[%get3A_50, %get3A_51] : memref<6400x128xf32, #tpu.memory_space<vmem>>, vector<8x128xf32>
    %add3A_53 = arith.addf %add3A_45, %get3A_52 : vector<8x128xf32>
    %mul3A_54 = arith.constant 8 : i32
    %mul3A_55 = arith.muli %mul3A_54, %arg0 : i32
    %add3A_56 = arith.constant 896 : i32
    %add3A_57 = arith.addi %add3A_56, %mul3A_55 : i32
    %get3A_58 = arith.index_cast %add3A_57 : i32 to index
    %get3A_59 = arith.constant 0 : index
    %get3A_60 = vector.load %arg1[%get3A_58, %get3A_59] : memref<6400x128xf32, #tpu.memory_space<vmem>>, vector<8x128xf32>
    %add3A_61 = arith.addf %add3A_53, %get3A_60 : vector<8x128xf32>
    %mul3A_62 = arith.constant 8 : i32
    %mul3A_63 = arith.muli %mul3A_62, %arg0 : i32
    %add3A_64 = arith.constant 1024 : i32
    %add3A_65 = arith.addi %add3A_64, %mul3A_63 : i32
    %get3A_66 = arith.index_cast %add3A_65 : i32 to index
    %get3A_67 = arith.constant 0 : index
    %get3A_68 = vector.load %arg1[%get3A_66, %get3A_67] : memref<6400x128xf32, #tpu.memory_space<vmem>>, vector<8x128xf32>
    %add3A_69 = arith.addf %add3A_61, %get3A_68 : vector<8x128xf32>
    %mul3A_70 = arith.constant 8 : i32
    %mul3A_71 = arith.muli %mul3A_70, %arg0 : i32
    %add3A_72 = arith.constant 1152 : i32
    %add3A_73 = arith.addi %add3A_72, %mul3A_71 : i32
    %get3A_74 = arith.index_cast %add3A_73 : i32 to index
    %get3A_75 = arith.constant 0 : index
    %get3A_76 = vector.load %arg1[%get3A_74, %get3A_75] : memref<6400x128xf32, #tpu.memory_space<vmem>>, vector<8x128xf32>
    %add3A_77 = arith.addf %add3A_69, %get3A_76 : vector<8x128xf32>
    %mul3A_78 = arith.constant 8 : i32
    %mul3A_79 = arith.muli %mul3A_78, %arg0 : i32
    %add3A_80 = arith.constant 1280 : i32
    %add3A_81 = arith.addi %add3A_80, %mul3A_79 : i32
    %get3A_82 = arith.index_cast %add3A_81 : i32 to index
    %get3A_83 = arith.constant 0 : index
    %get3A_84 = vector.load %arg1[%get3A_82, %get3A_83] : memref<6400x128xf32, #tpu.memory_space<vmem>>, vector<8x128xf32>
    %add3A_85 = arith.addf %add3A_77, %get3A_84 : vector<8x128xf32>
    %mul3A_86 = arith.constant 8 : i32
    %mul3A_87 = arith.muli %mul3A_86, %arg0 : i32
    %add3A_88 = arith.constant 1408 : i32
    %add3A_89 = arith.addi %add3A_88, %mul3A_87 : i32
    %get3A_90 = arith.index_cast %add3A_89 : i32 to index
    %get3A_91 = arith.constant 0 : index
    %get3A_92 = vector.load %arg1[%get3A_90, %get3A_91] : memref<6400x128xf32, #tpu.memory_space<vmem>>, vector<8x128xf32>
    %add3A_93 = arith.addf %add3A_85, %get3A_92 : vector<8x128xf32>
    %mul3A_94 = arith.constant 8 : i32
    %mul3A_95 = arith.muli %mul3A_94, %arg0 : i32
    %add3A_96 = arith.constant 1536 : i32
    %add3A_97 = arith.addi %add3A_96, %mul3A_95 : i32
    %get3A_98 = arith.index_cast %add3A_97 : i32 to index
    %get3A_99 = arith.constant 0 : index
    %get3A_100 = vector.load %arg1[%get3A_98, %get3A_99] : memref<6400x128xf32, #tpu.memory_space<vmem>>, vector<8x128xf32>
    %add3A_101 = arith.addf %add3A_93, %get3A_100 : vector<8x128xf32>
    %mul3A_102 = arith.constant 8 : i32
    %mul3A_103 = arith.muli %mul3A_102, %arg0 : i32
    %add3A_104 = arith.constant 1664 : i32
    %add3A_105 = arith.addi %add3A_104, %mul3A_103 : i32
    %get3A_106 = arith.index_cast %add3A_105 : i32 to index
    %get3A_107 = arith.constant 0 : index
    %get3A_108 = vector.load %arg1[%get3A_106, %get3A_107] : memref<6400x128xf32, #tpu.memory_space<vmem>>, vector<8x128xf32>
    %add3A_109 = arith.addf %add3A_101, %get3A_108 : vector<8x128xf32>
    %mul3A_110 = arith.constant 8 : i32
    %mul3A_111 = arith.muli %mul3A_110, %arg0 : i32
    %add3A_112 = arith.constant 1792 : i32
    %add3A_113 = arith.addi %add3A_112, %mul3A_111 : i32
    %get3A_114 = arith.index_cast %add3A_113 : i32 to index
    %get3A_115 = arith.constant 0 : index
    %get3A_116 = vector.load %arg1[%get3A_114, %get3A_115] : memref<6400x128xf32, #tpu.memory_space<vmem>>, vector<8x128xf32>
    %add3A_117 = arith.addf %add3A_109, %get3A_116 : vector<8x128xf32>
    %mul3A_118 = arith.constant 8 : i32
    %mul3A_119 = arith.muli %mul3A_118, %arg0 : i32
    %add3A_120 = arith.constant 1920 : i32
    %add3A_121 = arith.addi %add3A_120, %mul3A_119 : i32
    %get3A_122 = arith.index_cast %add3A_121 : i32 to index
    %get3A_123 = arith.constant 0 : index
    %get3A_124 = vector.load %arg1[%get3A_122, %get3A_123] : memref<6400x128xf32, #tpu.memory_space<vmem>>, vector<8x128xf32>
    %add3A_125 = arith.addf %add3A_117, %get3A_124 : vector<8x128xf32>
    %mul3A_126 = arith.constant 8 : i32
    %mul3A_127 = arith.muli %mul3A_126, %arg0 : i32
    %add3A_128 = arith.constant 2048 : i32
    %add3A_129 = arith.addi %add3A_128, %mul3A_127 : i32
    %get3A_130 = arith.index_cast %add3A_129 : i32 to index
    %get3A_131 = arith.constant 0 : index
    %get3A_132 = vector.load %arg1[%get3A_130, %get3A_131] : memref<6400x128xf32, #tpu.memory_space<vmem>>, vector<8x128xf32>
    %add3A_133 = arith.addf %add3A_125, %get3A_132 : vector<8x128xf32>
    %mul3A_134 = arith.constant 8 : i32
    %mul3A_135 = arith.muli %mul3A_134, %arg0 : i32
    %add3A_136 = arith.constant 2176 : i32
    %add3A_137 = arith.addi %add3A_136, %mul3A_135 : i32
    %get3A_138 = arith.index_cast %add3A_137 : i32 to index
    %get3A_139 = arith.constant 0 : index
    %get3A_140 = vector.load %arg1[%get3A_138, %get3A_139] : memref<6400x128xf32, #tpu.memory_space<vmem>>, vector<8x128xf32>
    %add3A_141 = arith.addf %add3A_133, %get3A_140 : vector<8x128xf32>
    %mul3A_142 = arith.constant 8 : i32
    %mul3A_143 = arith.muli %mul3A_142, %arg0 : i32
    %add3A_144 = arith.constant 2304 : i32
    %add3A_145 = arith.addi %add3A_144, %mul3A_143 : i32
    %get3A_146 = arith.index_cast %add3A_145 : i32 to index
    %get3A_147 = arith.constant 0 : index
    %get3A_148 = vector.load %arg1[%get3A_146, %get3A_147] : memref<6400x128xf32, #tpu.memory_space<vmem>>, vector<8x128xf32>
    %add3A_149 = arith.addf %add3A_141, %get3A_148 : vector<8x128xf32>
    %mul3A_150 = arith.constant 8 : i32
    %mul3A_151 = arith.muli %mul3A_150, %arg0 : i32
    %add3A_152 = arith.constant 2432 : i32
    %add3A_153 = arith.addi %add3A_152, %mul3A_151 : i32
    %get3A_154 = arith.index_cast %add3A_153 : i32 to index
    %get3A_155 = arith.constant 0 : index
    %get3A_156 = vector.load %arg1[%get3A_154, %get3A_155] : memref<6400x128xf32, #tpu.memory_space<vmem>>, vector<8x128xf32>
    %add3A_157 = arith.addf %add3A_149, %get3A_156 : vector<8x128xf32>
    %mul3A_158 = arith.constant 8 : i32
    %mul3A_159 = arith.muli %mul3A_158, %arg0 : i32
    %add3A_160 = arith.constant 2560 : i32
    %add3A_161 = arith.addi %add3A_160, %mul3A_159 : i32
    %get3A_162 = arith.index_cast %add3A_161 : i32 to index
    %get3A_163 = arith.constant 0 : index
    %get3A_164 = vector.load %arg1[%get3A_162, %get3A_163] : memref<6400x128xf32, #tpu.memory_space<vmem>>, vector<8x128xf32>
    %add3A_165 = arith.addf %add3A_157, %get3A_164 : vector<8x128xf32>
    %mul3A_166 = arith.constant 8 : i32
    %mul3A_167 = arith.muli %mul3A_166, %arg0 : i32
    %add3A_168 = arith.constant 2688 : i32
    %add3A_169 = arith.addi %add3A_168, %mul3A_167 : i32
    %get3A_170 = arith.index_cast %add3A_169 : i32 to index
    %get3A_171 = arith.constant 0 : index
    %get3A_172 = vector.load %arg1[%get3A_170, %get3A_171] : memref<6400x128xf32, #tpu.memory_space<vmem>>, vector<8x128xf32>
    %add3A_173 = arith.addf %add3A_165, %get3A_172 : vector<8x128xf32>
    %mul3A_174 = arith.constant 8 : i32
    %mul3A_175 = arith.muli %mul3A_174, %arg0 : i32
    %add3A_176 = arith.constant 2816 : i32
    %add3A_177 = arith.addi %add3A_176, %mul3A_175 : i32
    %get3A_178 = arith.index_cast %add3A_177 : i32 to index
    %get3A_179 = arith.constant 0 : index
    %get3A_180 = vector.load %arg1[%get3A_178, %get3A_179] : memref<6400x128xf32, #tpu.memory_space<vmem>>, vector<8x128xf32>
    %add3A_181 = arith.addf %add3A_173, %get3A_180 : vector<8x128xf32>
    %mul3A_182 = arith.constant 8 : i32
    %mul3A_183 = arith.muli %mul3A_182, %arg0 : i32
    %add3A_184 = arith.constant 2944 : i32
    %add3A_185 = arith.addi %add3A_184, %mul3A_183 : i32
    %get3A_186 = arith.index_cast %add3A_185 : i32 to index
    %get3A_187 = arith.constant 0 : index
    %get3A_188 = vector.load %arg1[%get3A_186, %get3A_187] : memref<6400x128xf32, #tpu.memory_space<vmem>>, vector<8x128xf32>
    %add3A_189 = arith.addf %add3A_181, %get3A_188 : vector<8x128xf32>
    %mul3A_190 = arith.constant 8 : i32
    %mul3A_191 = arith.muli %mul3A_190, %arg0 : i32
    %add3A_192 = arith.constant 3072 : i32
    %add3A_193 = arith.addi %add3A_192, %mul3A_191 : i32
    %get3A_194 = arith.index_cast %add3A_193 : i32 to index
    %get3A_195 = arith.constant 0 : index
    %get3A_196 = vector.load %arg1[%get3A_194, %get3A_195] : memref<6400x128xf32, #tpu.memory_space<vmem>>, vector<8x128xf32>
    %add3A_197 = arith.addf %add3A_189, %get3A_196 : vector<8x128xf32>
    %mul3A_198 = arith.constant 8 : i32
    %mul3A_199 = arith.muli %mul3A_198, %arg0 : i32
    %add3A_200 = arith.constant 3200 : i32
    %add3A_201 = arith.addi %add3A_200, %mul3A_199 : i32
    %get3A_202 = arith.index_cast %add3A_201 : i32 to index
    %get3A_203 = arith.constant 0 : index
    %get3A_204 = vector.load %arg1[%get3A_202, %get3A_203] : memref<6400x128xf32, #tpu.memory_space<vmem>>, vector<8x128xf32>
    %add3A_205 = arith.addf %add3A_197, %get3A_204 : vector<8x128xf32>
    %mul3A_206 = arith.constant 8 : i32
    %mul3A_207 = arith.muli %mul3A_206, %arg0 : i32
    %add3A_208 = arith.constant 3328 : i32
    %add3A_209 = arith.addi %add3A_208, %mul3A_207 : i32
    %get3A_210 = arith.index_cast %add3A_209 : i32 to index
    %get3A_211 = arith.constant 0 : index
    %get3A_212 = vector.load %arg1[%get3A_210, %get3A_211] : memref<6400x128xf32, #tpu.memory_space<vmem>>, vector<8x128xf32>
    %add3A_213 = arith.addf %add3A_205, %get3A_212 : vector<8x128xf32>
    %mul3A_214 = arith.constant 8 : i32
    %mul3A_215 = arith.muli %mul3A_214, %arg0 : i32
    %add3A_216 = arith.constant 3456 : i32
    %add3A_217 = arith.addi %add3A_216, %mul3A_215 : i32
    %get3A_218 = arith.index_cast %add3A_217 : i32 to index
    %get3A_219 = arith.constant 0 : index
    %get3A_220 = vector.load %arg1[%get3A_218, %get3A_219] : memref<6400x128xf32, #tpu.memory_space<vmem>>, vector<8x128xf32>
    %add3A_221 = arith.addf %add3A_213, %get3A_220 : vector<8x128xf32>
    %mul3A_222 = arith.constant 8 : i32
    %mul3A_223 = arith.muli %mul3A_222, %arg0 : i32
    %add3A_224 = arith.constant 3584 : i32
    %add3A_225 = arith.addi %add3A_224, %mul3A_223 : i32
    %get3A_226 = arith.index_cast %add3A_225 : i32 to index
    %get3A_227 = arith.constant 0 : index
    %get3A_228 = vector.load %arg1[%get3A_226, %get3A_227] : memref<6400x128xf32, #tpu.memory_space<vmem>>, vector<8x128xf32>
    %add3A_229 = arith.addf %add3A_221, %get3A_228 : vector<8x128xf32>
    %mul3A_230 = arith.constant 8 : i32
    %mul3A_231 = arith.muli %mul3A_230, %arg0 : i32
    %add3A_232 = arith.constant 3712 : i32
    %add3A_233 = arith.addi %add3A_232, %mul3A_231 : i32
    %get3A_234 = arith.index_cast %add3A_233 : i32 to index
    %get3A_235 = arith.constant 0 : index
    %get3A_236 = vector.load %arg1[%get3A_234, %get3A_235] : memref<6400x128xf32, #tpu.memory_space<vmem>>, vector<8x128xf32>
    %add3A_237 = arith.addf %add3A_229, %get3A_236 : vector<8x128xf32>
    %mul3A_238 = arith.constant 8 : i32
    %mul3A_239 = arith.muli %mul3A_238, %arg0 : i32
    %add3A_240 = arith.constant 3840 : i32
    %add3A_241 = arith.addi %add3A_240, %mul3A_239 : i32
    %get3A_242 = arith.index_cast %add3A_241 : i32 to index
    %get3A_243 = arith.constant 0 : index
    %get3A_244 = vector.load %arg1[%get3A_242, %get3A_243] : memref<6400x128xf32, #tpu.memory_space<vmem>>, vector<8x128xf32>
    %add3A_245 = arith.addf %add3A_237, %get3A_244 : vector<8x128xf32>
    %mul3A_246 = arith.constant 8 : i32
    %mul3A_247 = arith.muli %mul3A_246, %arg0 : i32
    %add3A_248 = arith.constant 3968 : i32
    %add3A_249 = arith.addi %add3A_248, %mul3A_247 : i32
    %get3A_250 = arith.index_cast %add3A_249 : i32 to index
    %get3A_251 = arith.constant 0 : index
    %get3A_252 = vector.load %arg1[%get3A_250, %get3A_251] : memref<6400x128xf32, #tpu.memory_space<vmem>>, vector<8x128xf32>
    %add3A_253 = arith.addf %add3A_245, %get3A_252 : vector<8x128xf32>
    %mul3A_254 = arith.constant 8 : i32
    %mul3A_255 = arith.muli %mul3A_254, %arg0 : i32
    %add3A_256 = arith.constant 4096 : i32
    %add3A_257 = arith.addi %add3A_256, %mul3A_255 : i32
    %get3A_258 = arith.index_cast %add3A_257 : i32 to index
    %get3A_259 = arith.constant 0 : index
    %get3A_260 = vector.load %arg1[%get3A_258, %get3A_259] : memref<6400x128xf32, #tpu.memory_space<vmem>>, vector<8x128xf32>
    %add3A_261 = arith.addf %add3A_253, %get3A_260 : vector<8x128xf32>
    %mul3A_262 = arith.constant 8 : i32
    %mul3A_263 = arith.muli %mul3A_262, %arg0 : i32
    %add3A_264 = arith.constant 4224 : i32
    %add3A_265 = arith.addi %add3A_264, %mul3A_263 : i32
    %get3A_266 = arith.index_cast %add3A_265 : i32 to index
    %get3A_267 = arith.constant 0 : index
    %get3A_268 = vector.load %arg1[%get3A_266, %get3A_267] : memref<6400x128xf32, #tpu.memory_space<vmem>>, vector<8x128xf32>
    %add3A_269 = arith.addf %add3A_261, %get3A_268 : vector<8x128xf32>
    %mul3A_270 = arith.constant 8 : i32
    %mul3A_271 = arith.muli %mul3A_270, %arg0 : i32
    %add3A_272 = arith.constant 4352 : i32
    %add3A_273 = arith.addi %add3A_272, %mul3A_271 : i32
    %get3A_274 = arith.index_cast %add3A_273 : i32 to index
    %get3A_275 = arith.constant 0 : index
    %get3A_276 = vector.load %arg1[%get3A_274, %get3A_275] : memref<6400x128xf32, #tpu.memory_space<vmem>>, vector<8x128xf32>
    %add3A_277 = arith.addf %add3A_269, %get3A_276 : vector<8x128xf32>
    %mul3A_278 = arith.constant 8 : i32
    %mul3A_279 = arith.muli %mul3A_278, %arg0 : i32
    %add3A_280 = arith.constant 4480 : i32
    %add3A_281 = arith.addi %add3A_280, %mul3A_279 : i32
    %get3A_282 = arith.index_cast %add3A_281 : i32 to index
    %get3A_283 = arith.constant 0 : index
    %get3A_284 = vector.load %arg1[%get3A_282, %get3A_283] : memref<6400x128xf32, #tpu.memory_space<vmem>>, vector<8x128xf32>
    %add3A_285 = arith.addf %add3A_277, %get3A_284 : vector<8x128xf32>
    %mul3A_286 = arith.constant 8 : i32
    %mul3A_287 = arith.muli %mul3A_286, %arg0 : i32
    %add3A_288 = arith.constant 4608 : i32
    %add3A_289 = arith.addi %add3A_288, %mul3A_287 : i32
    %get3A_290 = arith.index_cast %add3A_289 : i32 to index
    %get3A_291 = arith.constant 0 : index
    %get3A_292 = vector.load %arg1[%get3A_290, %get3A_291] : memref<6400x128xf32, #tpu.memory_space<vmem>>, vector<8x128xf32>
    %add3A_293 = arith.addf %add3A_285, %get3A_292 : vector<8x128xf32>
    %mul3A_294 = arith.constant 8 : i32
    %mul3A_295 = arith.muli %mul3A_294, %arg0 : i32
    %add3A_296 = arith.constant 4736 : i32
    %add3A_297 = arith.addi %add3A_296, %mul3A_295 : i32
    %get3A_298 = arith.index_cast %add3A_297 : i32 to index
    %get3A_299 = arith.constant 0 : index
    %get3A_300 = vector.load %arg1[%get3A_298, %get3A_299] : memref<6400x128xf32, #tpu.memory_space<vmem>>, vector<8x128xf32>
    %add3A_301 = arith.addf %add3A_293, %get3A_300 : vector<8x128xf32>
    %mul3A_302 = arith.constant 8 : i32
    %mul3A_303 = arith.muli %mul3A_302, %arg0 : i32
    %add3A_304 = arith.constant 4864 : i32
    %add3A_305 = arith.addi %add3A_304, %mul3A_303 : i32
    %get3A_306 = arith.index_cast %add3A_305 : i32 to index
    %get3A_307 = arith.constant 0 : index
    %get3A_308 = vector.load %arg1[%get3A_306, %get3A_307] : memref<6400x128xf32, #tpu.memory_space<vmem>>, vector<8x128xf32>
    %add3A_309 = arith.addf %add3A_301, %get3A_308 : vector<8x128xf32>
    %mul3A_310 = arith.constant 8 : i32
    %mul3A_311 = arith.muli %mul3A_310, %arg0 : i32
    %add3A_312 = arith.constant 4992 : i32
    %add3A_313 = arith.addi %add3A_312, %mul3A_311 : i32
    %get3A_314 = arith.index_cast %add3A_313 : i32 to index
    %get3A_315 = arith.constant 0 : index
    %get3A_316 = vector.load %arg1[%get3A_314, %get3A_315] : memref<6400x128xf32, #tpu.memory_space<vmem>>, vector<8x128xf32>
    %add3A_317 = arith.addf %add3A_309, %get3A_316 : vector<8x128xf32>
    %mul3A_318 = arith.constant 8 : i32
    %mul3A_319 = arith.muli %mul3A_318, %arg0 : i32
    %add3A_320 = arith.constant 5120 : i32
    %add3A_321 = arith.addi %add3A_320, %mul3A_319 : i32
    %get3A_322 = arith.index_cast %add3A_321 : i32 to index
    %get3A_323 = arith.constant 0 : index
    %get3A_324 = vector.load %arg1[%get3A_322, %get3A_323] : memref<6400x128xf32, #tpu.memory_space<vmem>>, vector<8x128xf32>
    %add3A_325 = arith.addf %add3A_317, %get3A_324 : vector<8x128xf32>
    %mul3A_326 = arith.constant 8 : i32
    %mul3A_327 = arith.muli %mul3A_326, %arg0 : i32
    %add3A_328 = arith.constant 5248 : i32
    %add3A_329 = arith.addi %add3A_328, %mul3A_327 : i32
    %get3A_330 = arith.index_cast %add3A_329 : i32 to index
    %get3A_331 = arith.constant 0 : index
    %get3A_332 = vector.load %arg1[%get3A_330, %get3A_331] : memref<6400x128xf32, #tpu.memory_space<vmem>>, vector<8x128xf32>
    %add3A_333 = arith.addf %add3A_325, %get3A_332 : vector<8x128xf32>
    %mul3A_334 = arith.constant 8 : i32
    %mul3A_335 = arith.muli %mul3A_334, %arg0 : i32
    %add3A_336 = arith.constant 5376 : i32
    %add3A_337 = arith.addi %add3A_336, %mul3A_335 : i32
    %get3A_338 = arith.index_cast %add3A_337 : i32 to index
    %get3A_339 = arith.constant 0 : index
    %get3A_340 = vector.load %arg1[%get3A_338, %get3A_339] : memref<6400x128xf32, #tpu.memory_space<vmem>>, vector<8x128xf32>
    %add3A_341 = arith.addf %add3A_333, %get3A_340 : vector<8x128xf32>
    %mul3A_342 = arith.constant 8 : i32
    %mul3A_343 = arith.muli %mul3A_342, %arg0 : i32
    %add3A_344 = arith.constant 5504 : i32
    %add3A_345 = arith.addi %add3A_344, %mul3A_343 : i32
    %get3A_346 = arith.index_cast %add3A_345 : i32 to index
    %get3A_347 = arith.constant 0 : index
    %get3A_348 = vector.load %arg1[%get3A_346, %get3A_347] : memref<6400x128xf32, #tpu.memory_space<vmem>>, vector<8x128xf32>
    %add3A_349 = arith.addf %add3A_341, %get3A_348 : vector<8x128xf32>
    %mul3A_350 = arith.constant 8 : i32
    %mul3A_351 = arith.muli %mul3A_350, %arg0 : i32
    %add3A_352 = arith.constant 5632 : i32
    %add3A_353 = arith.addi %add3A_352, %mul3A_351 : i32
    %get3A_354 = arith.index_cast %add3A_353 : i32 to index
    %get3A_355 = arith.constant 0 : index
    %get3A_356 = vector.load %arg1[%get3A_354, %get3A_355] : memref<6400x128xf32, #tpu.memory_space<vmem>>, vector<8x128xf32>
    %add3A_357 = arith.addf %add3A_349, %get3A_356 : vector<8x128xf32>
    %mul3A_358 = arith.constant 8 : i32
    %mul3A_359 = arith.muli %mul3A_358, %arg0 : i32
    %add3A_360 = arith.constant 5760 : i32
    %add3A_361 = arith.addi %add3A_360, %mul3A_359 : i32
    %get3A_362 = arith.index_cast %add3A_361 : i32 to index
    %get3A_363 = arith.constant 0 : index
    %get3A_364 = vector.load %arg1[%get3A_362, %get3A_363] : memref<6400x128xf32, #tpu.memory_space<vmem>>, vector<8x128xf32>
    %add3A_365 = arith.addf %add3A_357, %get3A_364 : vector<8x128xf32>
    %mul3A_366 = arith.constant 8 : i32
    %mul3A_367 = arith.muli %mul3A_366, %arg0 : i32
    %add3A_368 = arith.constant 5888 : i32
    %add3A_369 = arith.addi %add3A_368, %mul3A_367 : i32
    %get3A_370 = arith.index_cast %add3A_369 : i32 to index
    %get3A_371 = arith.constant 0 : index
    %get3A_372 = vector.load %arg1[%get3A_370, %get3A_371] : memref<6400x128xf32, #tpu.memory_space<vmem>>, vector<8x128xf32>
    %add3A_373 = arith.addf %add3A_365, %get3A_372 : vector<8x128xf32>
    %mul3A_374 = arith.constant 8 : i32
    %mul3A_375 = arith.muli %mul3A_374, %arg0 : i32
    %add3A_376 = arith.constant 6016 : i32
    %add3A_377 = arith.addi %add3A_376, %mul3A_375 : i32
    %get3A_378 = arith.index_cast %add3A_377 : i32 to index
    %get3A_379 = arith.constant 0 : index
    %get3A_380 = vector.load %arg1[%get3A_378, %get3A_379] : memref<6400x128xf32, #tpu.memory_space<vmem>>, vector<8x128xf32>
    %add3A_381 = arith.addf %add3A_373, %get3A_380 : vector<8x128xf32>
    %mul3A_382 = arith.constant 8 : i32
    %mul3A_383 = arith.muli %mul3A_382, %arg0 : i32
    %add3A_384 = arith.constant 6144 : i32
    %add3A_385 = arith.addi %add3A_384, %mul3A_383 : i32
    %get3A_386 = arith.index_cast %add3A_385 : i32 to index
    %get3A_387 = arith.constant 0 : index
    %get3A_388 = vector.load %arg1[%get3A_386, %get3A_387] : memref<6400x128xf32, #tpu.memory_space<vmem>>, vector<8x128xf32>
    %add3A_389 = arith.addf %add3A_381, %get3A_388 : vector<8x128xf32>
    %mul3A_390 = arith.constant 8 : i32
    %mul3A_391 = arith.muli %mul3A_390, %arg0 : i32
    %add3A_392 = arith.constant 6272 : i32
    %add3A_393 = arith.addi %add3A_392, %mul3A_391 : i32
    %get3A_394 = arith.index_cast %add3A_393 : i32 to index
    %get3A_395 = arith.constant 0 : index
    %get3A_396 = vector.load %arg1[%get3A_394, %get3A_395] : memref<6400x128xf32, #tpu.memory_space<vmem>>, vector<8x128xf32>
    %add3A_397 = arith.addf %add3A_389, %get3A_396 : vector<8x128xf32>
    %broadcast_in_dim3A_398 = arith.constant 1.000000e+00 : f32
    %broadcast_in_dim3A_399 = vector.broadcast %broadcast_in_dim3A_398 : f32 to vector<1x64xf32>
    %get3A_400 = arith.constant 0 : index
    %get3A_401 = arith.constant 0 : index
    %get3A_402 = vector.load %arg2[%get3A_400, %get3A_401] : memref<100x64xf32, #tpu.memory_space<vmem>>, vector<100x64xf32>
    %dot_general3A = arith.constant dense<0.000000e+00> : vector<1x100xf32>
    %dot_general3A_403 = tpu.matmul %broadcast_in_dim3A_399, %get3A_402, %dot_general3A {dimension_numbers = #tpu.dot_dimension_numbers<[1], [1], [0], [0], [0, 0, 1, 0], [], []>, transpose_lhs_hint = false} : vector<1x64xf32>, vector<100x64xf32>, vector<1x100xf32> -> vector<1x100xf32>
    %slice3A = vector.extract_strided_slice %add3A_397 {offsets = [0, 0], sizes = [1, 128], strides = [1, 1]} : vector<8x128xf32> to vector<1x128xf32>
    %dot_general3A_404 = arith.constant dense<0.000000e+00> : vector<128x100xf32>
    %dot_general3A_405 = tpu.matmul %slice3A, %dot_general3A_403, %dot_general3A_404 {dimension_numbers = #tpu.dot_dimension_numbers<[0], [0], [1], [1], [0, 1, 1, 1], [], []>, transpose_lhs_hint = false} : vector<1x128xf32>, vector<1x100xf32>, vector<128x100xf32> -> vector<128x100xf32>
    %get3A_406 = arith.constant 0 : index
    %get3A_407 = arith.constant 0 : index
    %get3A_408 = vector.load %arg3[%get3A_406, %get3A_407] : memref<1x100xf32, #tpu.memory_space<vmem>>, vector<1x100xf32>
    %add3A_409 = vector.broadcast %get3A_408 : vector<1x100xf32> to vector<128x100xf32>
    %add3A_410 = arith.addf %dot_general3A_405, %add3A_409 : vector<128x100xf32>
    %slice3A_411 = vector.extract_strided_slice %add3A_397 {offsets = [1, 0], sizes = [1, 128], strides = [1, 1]} : vector<8x128xf32> to vector<1x128xf32>
    %dot_general3A_412 = arith.constant dense<0.000000e+00> : vector<128x100xf32>
    %dot_general3A_413 = tpu.matmul %slice3A_411, %dot_general3A_403, %dot_general3A_412 {dimension_numbers = #tpu.dot_dimension_numbers<[0], [0], [1], [1], [0, 1, 1, 1], [], []>, transpose_lhs_hint = false} : vector<1x128xf32>, vector<1x100xf32>, vector<128x100xf32> -> vector<128x100xf32>
    %get3A_414 = arith.constant 0 : index
    %get3A_415 = arith.constant 0 : index
    %get3A_416 = vector.load %arg3[%get3A_414, %get3A_415] : memref<1x100xf32, #tpu.memory_space<vmem>>, vector<1x100xf32>
    %add3A_417 = vector.broadcast %get3A_416 : vector<1x100xf32> to vector<128x100xf32>
    %add3A_418 = arith.addf %dot_general3A_413, %add3A_417 : vector<128x100xf32>
    %slice3A_419 = vector.extract_strided_slice %add3A_397 {offsets = [2, 0], sizes = [1, 128], strides = [1, 1]} : vector<8x128xf32> to vector<1x128xf32>
    %dot_general3A_420 = arith.constant dense<0.000000e+00> : vector<128x100xf32>
    %dot_general3A_421 = tpu.matmul %slice3A_419, %dot_general3A_403, %dot_general3A_420 {dimension_numbers = #tpu.dot_dimension_numbers<[0], [0], [1], [1], [0, 1, 1, 1], [], []>, transpose_lhs_hint = false} : vector<1x128xf32>, vector<1x100xf32>, vector<128x100xf32> -> vector<128x100xf32>
    %get3A_422 = arith.constant 0 : index
    %get3A_423 = arith.constant 0 : index
    %get3A_424 = vector.load %arg3[%get3A_422, %get3A_423] : memref<1x100xf32, #tpu.memory_space<vmem>>, vector<1x100xf32>
    %add3A_425 = vector.broadcast %get3A_424 : vector<1x100xf32> to vector<128x100xf32>
    %add3A_426 = arith.addf %dot_general3A_421, %add3A_425 : vector<128x100xf32>
    %slice3A_427 = vector.extract_strided_slice %add3A_397 {offsets = [3, 0], sizes = [1, 128], strides = [1, 1]} : vector<8x128xf32> to vector<1x128xf32>
    %dot_general3A_428 = arith.constant dense<0.000000e+00> : vector<128x100xf32>
    %dot_general3A_429 = tpu.matmul %slice3A_427, %dot_general3A_403, %dot_general3A_428 {dimension_numbers = #tpu.dot_dimension_numbers<[0], [0], [1], [1], [0, 1, 1, 1], [], []>, transpose_lhs_hint = false} : vector<1x128xf32>, vector<1x100xf32>, vector<128x100xf32> -> vector<128x100xf32>
    %get3A_430 = arith.constant 0 : index
    %get3A_431 = arith.constant 0 : index
    %get3A_432 = vector.load %arg3[%get3A_430, %get3A_431] : memref<1x100xf32, #tpu.memory_space<vmem>>, vector<1x100xf32>
    %add3A_433 = vector.broadcast %get3A_432 : vector<1x100xf32> to vector<128x100xf32>
    %add3A_434 = arith.addf %dot_general3A_429, %add3A_433 : vector<128x100xf32>
    %slice3A_435 = vector.extract_strided_slice %add3A_397 {offsets = [4, 0], sizes = [1, 128], strides = [1, 1]} : vector<8x128xf32> to vector<1x128xf32>
    %dot_general3A_436 = arith.constant dense<0.000000e+00> : vector<128x100xf32>
    %dot_general3A_437 = tpu.matmul %slice3A_435, %dot_general3A_403, %dot_general3A_436 {dimension_numbers = #tpu.dot_dimension_numbers<[0], [0], [1], [1], [0, 1, 1, 1], [], []>, transpose_lhs_hint = false} : vector<1x128xf32>, vector<1x100xf32>, vector<128x100xf32> -> vector<128x100xf32>
    %get3A_438 = arith.constant 0 : index
    %get3A_439 = arith.constant 0 : index
    %get3A_440 = vector.load %arg3[%get3A_438, %get3A_439] : memref<1x100xf32, #tpu.memory_space<vmem>>, vector<1x100xf32>
    %add3A_441 = vector.broadcast %get3A_440 : vector<1x100xf32> to vector<128x100xf32>
    %add3A_442 = arith.addf %dot_general3A_437, %add3A_441 : vector<128x100xf32>
    %slice3A_443 = vector.extract_strided_slice %add3A_397 {offsets = [5, 0], sizes = [1, 128], strides = [1, 1]} : vector<8x128xf32> to vector<1x128xf32>
    %dot_general3A_444 = arith.constant dense<0.000000e+00> : vector<128x100xf32>
    %dot_general3A_445 = tpu.matmul %slice3A_443, %dot_general3A_403, %dot_general3A_444 {dimension_numbers = #tpu.dot_dimension_numbers<[0], [0], [1], [1], [0, 1, 1, 1], [], []>, transpose_lhs_hint = false} : vector<1x128xf32>, vector<1x100xf32>, vector<128x100xf32> -> vector<128x100xf32>
    %get3A_446 = arith.constant 0 : index
    %get3A_447 = arith.constant 0 : index
    %get3A_448 = vector.load %arg3[%get3A_446, %get3A_447] : memref<1x100xf32, #tpu.memory_space<vmem>>, vector<1x100xf32>
    %add3A_449 = vector.broadcast %get3A_448 : vector<1x100xf32> to vector<128x100xf32>
    %add3A_450 = arith.addf %dot_general3A_445, %add3A_449 : vector<128x100xf32>
    %slice3A_451 = vector.extract_strided_slice %add3A_397 {offsets = [6, 0], sizes = [1, 128], strides = [1, 1]} : vector<8x128xf32> to vector<1x128xf32>
    %dot_general3A_452 = arith.constant dense<0.000000e+00> : vector<128x100xf32>
    %dot_general3A_453 = tpu.matmul %slice3A_451, %dot_general3A_403, %dot_general3A_452 {dimension_numbers = #tpu.dot_dimension_numbers<[0], [0], [1], [1], [0, 1, 1, 1], [], []>, transpose_lhs_hint = false} : vector<1x128xf32>, vector<1x100xf32>, vector<128x100xf32> -> vector<128x100xf32>
    %get3A_454 = arith.constant 0 : index
    %get3A_455 = arith.constant 0 : index
    %get3A_456 = vector.load %arg3[%get3A_454, %get3A_455] : memref<1x100xf32, #tpu.memory_space<vmem>>, vector<1x100xf32>
    %add3A_457 = vector.broadcast %get3A_456 : vector<1x100xf32> to vector<128x100xf32>
    %add3A_458 = arith.addf %dot_general3A_453, %add3A_457 : vector<128x100xf32>
    %slice3A_459 = vector.extract_strided_slice %add3A_397 {offsets = [7, 0], sizes = [1, 128], strides = [1, 1]} : vector<8x128xf32> to vector<1x128xf32>
    %dot_general3A_460 = arith.constant dense<0.000000e+00> : vector<128x100xf32>
    %dot_general3A_461 = tpu.matmul %slice3A_459, %dot_general3A_403, %dot_general3A_460 {dimension_numbers = #tpu.dot_dimension_numbers<[0], [0], [1], [1], [0, 1, 1, 1], [], []>, transpose_lhs_hint = false} : vector<1x128xf32>, vector<1x100xf32>, vector<128x100xf32> -> vector<128x100xf32>
    %get3A_462 = arith.constant 0 : index
    %get3A_463 = arith.constant 0 : index
    %get3A_464 = vector.load %arg3[%get3A_462, %get3A_463] : memref<1x100xf32, #tpu.memory_space<vmem>>, vector<1x100xf32>
    %add3A_465 = vector.broadcast %get3A_464 : vector<1x100xf32> to vector<128x100xf32>
    %add3A_466 = arith.addf %dot_general3A_461, %add3A_465 : vector<128x100xf32>
    %concatenate3A = tpu.concatenate %add3A_410, %add3A_418, %add3A_426, %add3A_434, %add3A_442, %add3A_450, %add3A_458, %add3A_466 in 0 : vector<128x100xf32>, vector<128x100xf32>, vector<128x100xf32>, vector<128x100xf32>, vector<128x100xf32>, vector<128x100xf32>, vector<128x100xf32>, vector<128x100xf32> -> vector<1024x100xf32>
    %swap3A = arith.constant 0 : index
    %swap3A_467 = arith.constant 0 : index
    %swap3A_468 = vector.load %arg4[%swap3A, %swap3A_467] : memref<1024x100xf32, #tpu.memory_space<vmem>>, vector<1024x100xf32>
    tpu.vector_store %arg4[%swap3A, %swap3A_467], %concatenate3A {strides = array<i32>} : memref<1024x100xf32, #tpu.memory_space<vmem>>, vector<1024x100xf32>,
    return
  }
  func.func @transform_0(%arg0: i32) -> (i32, i32) {
    %c0_i32 = arith.constant 0 : i32
    %c0_i32_0 = arith.constant 0 : i32
    %c0_i32_1 = arith.constant 0 : i32
    return %c0_i32, %c0_i32_0 : i32, i32
  }
  func.func @transform_1(%arg0: i32) -> (i32, i32) {
    %c0_i32 = arith.constant 0 : i32
    %c0_i32_0 = arith.constant 0 : i32
    %c0_i32_1 = arith.constant 0 : i32
    return %c0_i32, %c0_i32_0 : i32, i32
  }
  func.func @transform_2(%arg0: i32) -> (i32, i32) {
    %c0_i32 = arith.constant 0 : i32
    %c0_i32_0 = arith.constant 0 : i32
    %c0_i32_1 = arith.constant 0 : i32
    return %c0_i32, %c0_i32_0 : i32, i32
  }
  func.func @transform_3(%arg0: i32) -> (i32, i32) {
    %c0_i32 = arith.constant 0 : i32
    %c0_i32_0 = arith.constant 0 : i32
    return %arg0, %c0_i32 : i32, i32
  }
}

</mosaic_0001>

<sc_bundles>
// kernel: kernel.5.cloned.1.call-start
scs
__scs_entry_jumppad:
0x0: {  	(pc) =	sbr.rel $0x88, $3  }
0x1: {  	(tag) =	ssettag $0x0;
	lr =	simm.s32 $0x1  }
0x2: {  	[smem:$0x3F9D] =	sst lr;
	_ =	strace $0xD0000000  }
0x3: {  	_ = 	snop  }
0x4: {  	_ = 	snop  }
0x5: {  	_ = 	snop  }
0x6: {  	_ = 	snop  }
0x7: {  	_ = 	snop  }
__scs_overlays_trampoline_lowered:
0x8: {  	[smem:$0x3FAC] =	sst s0  }
0x9: {  	[smem:$0x3FAD] =	sst s1  }
0xa: {  	[smem:$0x3FAE] =	sst s2  }
0xb: {  	[smem:$0x3FAF] =	sst s3  }
0xc: {  	[smem:$0x3FB0] =	sst s4  }
0xd: {  	[smem:$0x3FB1] =	sst s5  }
0xe: {  	[smem:$0x3FB2] =	sst s6  }
0xf: {  	[smem:$0x3FB3] =	sst s7  }
0x10: {  	[smem:$0x3FB4] =	sst s8  }
0x11: {  	[smem:$0x3FB5] =	sst s9;
	s0 =	simm.s32 @!p0 $0x0  }
0x12: {  	s1 =	sld [smem:$0x3F9B];
	s0 =	simm.s32 @p0 $0x1  }
0x13: {  	[smem:$0x3FB6] =	sst s0;
	s0 =	simm.s32 @!p1 $0x0  }
0x14: {  	s2 =	sld [smem:$0x3F9A];
	s0 =	simm.s32 @p1 $0x1  }
0x15: {  	[smem:$0x3FB7] =	sst s0;
	s0 =	simm.s32 @!p2 $0x0  }
0x16: {  	s3 =	sld [smem:$0x3FDB];
	s0 =	simm.s32 @p2 $0x1  }
0x17: {  	s4 =	simm.s32 $0x1BF5;
	[smem:$0x3FB9] =	sst s0  }
0x18: {  	s0 =	sld [smem:$0x3F9C];
	_ =	swait.ge [sflag:s4], $0x0  }
0x19: {  	s7 =	sld [smem:$0x3F9D]  }
0x1a: {  	s8 =	sadd.s32 $0xFFFFE003, lr  }
0x1b: {  	s9 =	sadd.s32 $0xFFFFFEF7, lr;
	s5 =	simm.s32 $0xFFFFFFFF;
	p2 =	slt.u32 s8, $0xFFFFF086  }
0x1c: {  	p1 =	slt.u32 s9, $0xF7A;
	s5 =	simm.s32 @!p2 $0x0  }
0x1d: {  	s5 =	simm.s32 @p1 $0x1;
	p0 =	seq.s32 s7, s2  }
0x1e: {  	s7 =	smul.u32 @!p0 $0xF7A, s2;
	p2 =	seq.s32 @!p0 s5, $0x0  }
0x1f: {  	s9 =	smul.u32 $0xF7A, s1;
	s8 =	simm.s32 @!p0 $0x1BF5;
	p2 =	por !p2, p0  }
0x20: {  	[sflag:s8] =	ssyncset.s32 @!p0 $0xFFFFF086;
	s6 =	sadd.s32 @!p0 s3, s7;
	s7 =	simm.s32 @!p0 $0x108  }
0x21: {  	s3 =	sadd.s32 s3, s9;
	s6 =	sadd.s32 @!p0 $0x88, s6;
	s7 =	simm.s32 @p2 $0x1082  }
0x22: {  	[simem:s7], [sflag:s8] =	dma.local @!p0 [hbm:s6], $0xF7A  }
0x23: {  	s9 =	sor.u32 $0xD0000000, s2;
	s6 =	simm.s32 $0x108;
	_ =	swait.ge @!p0 [sflag:s8], $0x0  }
0x24: {  	s3 =	sadd.s32 $0x88, s3;
	s6 =	simm.s32 @!p1 $0x1082;
	[sflag:s4] =	ssyncset.s32 $0xFFFFF086  }
0x25: {  	[simem:s6], [sflag:s4] =	dma.local [hbm:s3], $0xF7A  }
0x26: {  	[smem:$0x3F9D] =	sst s1;
	(tag) =	ssettag s2;
	_ =	strace s9  }
0x27: {  	s1 =	sld [smem:$0x3FAD]  }
0x28: {  	s2 =	sld [smem:$0x3FAE]  }
0x29: {  	s4 =	sld [smem:$0x3FB0]  }
0x2a: {  	p0 =	seq.s32 s5, $0x0;
	s5 =	sld [smem:$0x3FB1]  }
0x2b: {  	s6 =	sld [smem:$0x3FB2]  }
0x2c: {  	s7 =	sld [smem:$0x3FB3]  }
0x2d: {  	s3 =	simm.s32 $0x108;
	s8 =	sld [smem:$0x3FB4]  }
0x2e: {  	s3 =	simm.s32 @!p0 $0x1082;
	s9 =	sld [smem:$0x3FB5]  }
0x2f: {  	lr =	sadd.s32 s0, s3;
	s0 =	sld [smem:$0x3FAC]  }
0x30: {  	s3 =	sld [smem:$0x3FAF]  }
0x31: {  	[smem:$0x3FB8] =	sst s10  }
0x32: {  	s10 =	sld [smem:$0x3FB6];
	_ =	sdelay $0x3  }
0x33: {  	p0 =	seq.s32 s10, $0x1;
	s10 =	sld [smem:$0x3FB8];
	_ =	sdelay $0x3  }
0x34: {  	[smem:$0x3FB8] =	sst s10  }
0x35: {  	s10 =	sld [smem:$0x3FB7];
	_ =	sdelay $0x3  }
0x36: {  	p1 =	seq.s32 s10, $0x1;
	s10 =	sld [smem:$0x3FB8];
	_ =	sdelay $0x3  }
0x37: {  	[smem:$0x3FB8] =	sst s10  }
0x38: {  	s10 =	sld [smem:$0x3FB9]  }
0x39: {  	_ = 	snop;
	(pc) =	sbr.ind lr, $3  }
0x3a: {  	_ = 	snop  }
0x3b: {  	_ = 	snop  }
0x3c: {  	p2 =	seq.s32 s10, $0x1;
	s10 =	sld [smem:$0x3FB8]  }
0x3d: {  	_ =	shalt  }
0x3e: {  	_ =	shalt  }
0x3f: {  	_ =	shalt  }
0x40: {  	_ =	shalt  }
0x41: {  	_ =	shalt  }
0x42: {  	_ =	shalt  }
0x43: {  	_ =	shalt  }
0x44: {  	_ =	shalt  }
0x45: {  	_ =	shalt  }
0x46: {  	_ =	shalt  }
0x47: {  	_ =	shalt  }
0x48: {  	_ =	shalt  }
0x49: {  	_ =	shalt  }
0x4a: {  	_ =	shalt  }
0x4b: {  	_ =	shalt  }
0x4c: {  	_ =	shalt  }
0x4d: {  	_ =	shalt  }
0x4e: {  	_ =	shalt  }
0x4f: {  	_ =	shalt  }
0x50: {  	_ =	shalt  }
0x51: {  	_ =	shalt  }
0x52: {  	_ =	shalt  }
0x53: {  	_ =	shalt  }
0x54: {  	_ =	shalt  }
0x55: {  	_ =	shalt  }
0x56: {  	_ =	shalt  }
0x57: {  	_ =	shalt  }
0x58: {  	_ =	shalt  }
0x59: {  	_ =	shalt  }
0x5a: {  	_ =	shalt  }
0x5b: {  	_ =	shalt  }
0x5c: {  	_ =	shalt  }
0x5d: {  	_ =	shalt  }
0x5e: {  	_ =	shalt  }
0x5f: {  	_ =	shalt  }
0x60: {  	_ =	shalt  }
0x61: {  	_ =	shalt  }
0x62: {  	_ =	shalt  }
0x63: {  	_ =	shalt  }
0x64: {  	_ =	shalt  }
0x65: {  	_ =	shalt  }
0x66: {  	_ =	shalt  }
0x67: {  	_ =	shalt  }
0x68: {  	_ =	shalt  }
0x69: {  	_ =	shalt  }
0x6a: {  	_ =	shalt  }
0x6b: {  	_ =	shalt  }
0x6c: {  	_ =	shalt  }
0x6d: {  	_ =	shalt  }
0x6e: {  	_ =	shalt  }
0x6f: {  	_ =	shalt  }
0x70: {  	_ =	shalt  }
0x71: {  	_ =	shalt  }
0x72: {  	_ =	shalt  }
0x73: {  	_ =	shalt  }
0x74: {  	_ =	shalt  }
0x75: {  	_ =	shalt  }
0x76: {  	_ =	shalt  }
0x77: {  	_ =	shalt  }
0x78: {  	_ =	shalt  }
0x79: {  	_ =	shalt  }
0x7a: {  	_ =	shalt  }
0x7b: {  	_ =	shalt  }
0x7c: {  	_ =	shalt  }
0x7d: {  	_ =	shalt  }
0x7e: {  	_ =	shalt  }
0x7f: {  	_ =	shalt  }
0x80: {  	_ =	shalt  }
0x81: {  	_ =	shalt  }
0x82: {  	_ =	shalt  }
0x83: {  	_ =	shalt  }
0x84: {  	_ =	shalt  }
0x85: {  	_ =	shalt  }
0x86: {  	_ =	shalt  }
0x87: {  	_ =	shalt  }
.Lfunc_end0:
.L_simem_size_0:
called_computation_lowered:
.L_overlay_start_0:
0x88: {  	s2 =	sld [smem:$0x3FD9]  }
0x89: {  	s3 =	sld [smem:$0x3FFE];
	_ =	sdelay $0x1  }
0x8a: {  	s1 =	srdreg.scid  }
0x8b: {  	s0 =	sand.u32 $0x1, s1  }
0x8c: {  	s17 =	sshll.u32 s0, $0xA;
	s2 =	sadd.s32 s3, s2  }
0x8d: {  	s2 =	sadd.s32 s2, s17  }
0x8e: {  	[smem:$0x3FC4] =	sst s2  }
0x8f: {  	_ = 	snop  }
0x90: {  	s2 =	sld [smem:$0x3FD0];
	(tm) =	ssettm $0x1  }
0x91: {  	s18 =	sld [smem:$0x3FFB];
	_ =	sdelay $0x3  }
0x92: {  	_ =	strace s18  }
0x93: {  	s3 =	sld [smem:$0x3FFC];
	_ =	sdelay $0x3  }
0x94: {  	_ =	strace s3  }
0x95: {  	s3 =	sld [smem:$0x3FFD];
	_ =	sdelay $0x3  }
0x96: {  	_ =	strace s3  }
0x97: {  	_ =	strace $0x8FFFFFFF  }
0x98: {  	s19 =	sld [smem:$0x3FDB];
	_ =	sdelay $0x1  }
0x99: {  	s4 =	simm.s32 $_scs_section_size  }
0x9a: {  	s5 =	simm.s32 $_size__tile_overlayer_lowered;
	s6 =	simm.s32 $_tile_overlayer_lowered  }
0x9b: {  	s22 =	simm.s32 $0x1BFF;
	s21 =	sshll.u32 s6, $0x1;
	s3 =	sadd.s32 s4, s19  }
0x9c: {  	s7 =	simm.s32 $0x0;
	s20 =	sshll.u32 s5, $0x1;
	s5 =	sadd.s32 s21, s3  }
0x9d: {  	[timem:s7], [sflag:s22] =	dma.local [hbm:s5], s20  }
0x9e: {  	_ =	swait.ge [sflag:s22], s20  }
0x9f: {  	s4 =	ssub.s32 $0x0, s20;
	[sflag:s22] =	ssyncset.done $0x0  }
0xa0: {  	[sflag:s22] =	ssyncadd.s32 s4;
	_ =	sdelay $0x1  }
0xa1: {  	s23 =	simm.s32 $0x1B8B  }
0xa2: {  	_ =	swait.ge [sflag:s23], $0x1  }
0xa3: {  	[sflag:s23] =	ssyncset.done $0x0  }
0xa4: {  	s25 =	simm.s32 $0x1B8E;
	s24 =	sld [smem:$0x3FFE];
	[sflag:s23] =	ssyncadd.s32 $0xFFFFFFFF  }
0xa5: {  	s26 =	simm.s32 $execute0_lowered;
	[smem:$0x3FD2] =	sst s25  }
0xa6: {  	s5 =	sshll.u32 s26, $0x1;
	_ =	strace $0x80000046;
	[dreg:$0x1] =	wrdreg $0xFFFFFFFF  }
0xa7: {  	s28 =	simm.s32 $_size_execute0_lowered;
	s3 =	sadd.s32 s3, s5;
	[dreg:$0x0] =	wrdreg $0x0  }
0xa8: {  	s5 =	sshll.u32 s28, $0x1;
	[dreg:$0x2] =	wrdreg s3  }
0xa9: {  	[dreg:$0x3] =	wrdreg s5  }
0xaa: {  	[dreg:$0x4] =	wrdreg $0xC0  }
0xab: {  	_ =	task [dreg:s7], $0x5FFFF  }
0xac: {  	[dreg:$0x1] =	wrdreg $0xFFFFFFFF  }
0xad: {  	[dreg:$0x0] =	wrdreg $0x60  }
0xae: {  	[dreg:$0x2] =	wrdreg s2  }
0xaf: {  	[dreg:$0x3] =	wrdreg s24  }
0xb0: {  	[dreg:$0x4] =	wrdreg $0x9  }
0xb1: {  	_ =	task.clear_ibuf [dreg:s7], $0x5FFFF;
	_ =	strace $0x90000046  }
0xb2: {  	s29 =	simm.s32 $0x9;
	_ =	strace $0x80000048  }
0xb3: {  	_ =	swait.ge [sflag:s29], $0x1  }
0xb4: {  	[sflag:s29] =	ssyncadd.s32 $0xFFFFFFFF  }
0xb5: {  	_ =	strace $0x90000048  }
0xb6: {  	_ =	sfence  }
0xb7: {  	s30 =	sld [smem:$0x0];
	_ =	sdelay $0x2  }
0xb8: {  	s31 =	sshll.u32 s1, $0xD;
	s1 =	sshrl.u32 s1, $0x2  }
0xb9: {  	s3 =	sand.u32 $0x4000, s31;
	s1 =	sadd.s32 s1, s30  }
0xba: {  	s0 =	sor.u32 s3, s0;
	s1 =	sshll.u32 s1, $0x11  }
0xbb: {  	s0 =	sor.u32 s1, s0  }
0xbc: {  	s0 =	sadd.s32 $0x8F2B, s0  }
0xbd: {  	[sflag:s0] =	ssyncadd.remote.s32 $0x1  }
0xbe: {  	_ =	sfence.sel $0xFFFF  }
0xbf: {  	[dreg:$0x0] =	wrdreg $0xFFFFFFFF;
	(pc) =	sbr.abs _section_cstart, $3  }
0xc0: {  	[dreg:$0x1] =	wrdreg $0xFFFFFFFF  }
0xc1: {  	_ =	task.clear_ibuf [dreg:s7], $0x2FFFF;
	_ =	strace $0x9FFFFFFF  }
0xc2: {  	(tm) =	ssettm $0x7FFFFFFF  }
0xc3: {  	_ =	shalt  }
tec
execute0_lowered:
.L_overlay_start_1:
0x0: {  	(tag) =	ssettag $0x1  }
0x1: {  	s0 =	rddreg [dreg:$0x0]  }
0x2: {  	s4 =	rddreg [dreg:$0x1];
	s8 =	srdreg.scid  }
0x3: {  	s1 =	stileid.u32;
	s2 =	simm.s32 $0x0;
	s3 =	sand.u32 $0x1, s8  }
0x4: {  	[dreg:$0x3] =	wrdreg s0;
	s9 =	sshll.u32 s1, $0x7;
	s10 =	sshll.u32 s3, $0x6  }
0x5: {  	[smem:$0x7FF] =	sst s2;
	s5 =	sadd.s32 $0xC00, s4;
	s4 =	sor.u32 s10, s9  }
0x6: {  	[smem:$0x7F6] =	sst s3;
	s1 =	sor.u32 $0x800, s4  }
0x7: {  	_ =	strace $0x80000047;
	s0 =	sadd.s32 s5, s4;
	[smem:$0x76C] =	sst s1  }
0x8: {  	s12 =	sor.u32 $0x1000, s4;
	[dreg:$0x4] =	wrdreg s0  }
0x9: {  	s14 =	sor.u32 $0x1800, s4;
	[smem:$0x76E] =	sst s12  }
0xa: {  	s16 =	sor.u32 $0x2000, s4;
	[smem:$0x770] =	sst s14  }
0xb: {  	s18 =	sor.u32 $0x2800, s4;
	[smem:$0x772] =	sst s16  }
0xc: {  	s20 =	sor.u32 $0x3000, s4;
	[smem:$0x774] =	sst s18  }
0xd: {  	s22 =	sor.u32 $0x3800, s4;
	[smem:$0x776] =	sst s20  }
0xe: {  	s24 =	sor.u32 $0x4000, s4;
	[smem:$0x778] =	sst s22  }
0xf: {  	s26 =	sor.u32 $0x4800, s4;
	[smem:$0x77A] =	sst s24  }
0x10: {  	s6 =	sor.u32 $0x5000, s4;
	[smem:$0x77C] =	sst s26  }
0x11: {  	s8 =	sor.u32 $0x5800, s4;
	[smem:$0x77E] =	sst s6  }
0x12: {  	s10 =	sor.u32 $0x6000, s4;
	[smem:$0x780] =	sst s8  }
0x13: {  	s11 =	sadd.s32 s5, s1;
	[smem:$0x782] =	sst s10  }
0x14: {  	s13 =	sadd.s32 s5, s12;
	[dreg:$0x5] =	wrdreg s11  }
0x15: {  	s15 =	sadd.s32 s5, s14;
	[dreg:$0x6] =	wrdreg s13  }
0x16: {  	s17 =	sadd.s32 s5, s16;
	[dreg:$0x7] =	wrdreg s15  }
0x17: {  	s19 =	sadd.s32 s5, s18;
	[dreg:$0x8] =	wrdreg s17  }
0x18: {  	s21 =	sadd.s32 s5, s20;
	[dreg:$0x9] =	wrdreg s19  }
0x19: {  	s23 =	sadd.s32 s5, s22;
	[dreg:$0xa] =	wrdreg s21  }
0x1a: {  	s25 =	sadd.s32 s5, s24;
	[dreg:$0xb] =	wrdreg s23  }
0x1b: {  	s3 =	sadd.s32 s5, s26;
	[dreg:$0xc] =	wrdreg s25  }
0x1c: {  	s7 =	sadd.s32 s5, s6;
	[dreg:$0xd] =	wrdreg s3  }
0x1d: {  	s9 =	sadd.s32 s5, s8;
	[dreg:$0xe] =	wrdreg s7  }
0x1e: {  	s12 =	sor.u32 $0x6800, s4;
	[dreg:$0xf] =	wrdreg s9  }
0x1f: {  	s14 =	sor.u32 $0x7000, s4;
	[smem:$0x784] =	sst s12  }
0x20: {  	s16 =	sor.u32 $0x7800, s4;
	[smem:$0x786] =	sst s14  }
0x21: {  	s18 =	sor.u32 $0x8000, s4;
	[smem:$0x788] =	sst s16  }
0x22: {  	s20 =	sor.u32 $0x8800, s4;
	[smem:$0x78A] =	sst s18  }
0x23: {  	s22 =	sor.u32 $0x9000, s4;
	[smem:$0x78C] =	sst s20  }
0x24: {  	s24 =	sor.u32 $0x9800, s4;
	[smem:$0x78E] =	sst s22  }
0x25: {  	s26 =	sor.u32 $0xA000, s4;
	[smem:$0x790] =	sst s24  }
0x26: {  	s6 =	sor.u32 $0xA800, s4;
	[smem:$0x792] =	sst s26  }
0x27: {  	s8 =	sor.u32 $0xB000, s4;
	[smem:$0x794] =	sst s6  }
0x28: {  	s11 =	sadd.s32 s5, s10;
	[smem:$0x796] =	sst s8  }
0x29: {  	s13 =	sadd.s32 s5, s12;
	[dreg:$0x10] =	wrdreg s11  }
0x2a: {  	s15 =	sadd.s32 s5, s14;
	[dreg:$0x11] =	wrdreg s13  }
0x2b: {  	s17 =	sadd.s32 s5, s16;
	[dreg:$0x12] =	wrdreg s15  }
0x2c: {  	s19 =	sadd.s32 s5, s18;
	[dreg:$0x13] =	wrdreg s17  }
0x2d: {  	s21 =	sadd.s32 s5, s20;
	[dreg:$0x14] =	wrdreg s19  }
0x2e: {  	s23 =	sadd.s32 s5, s22;
	[dreg:$0x15] =	wrdreg s21  }
0x2f: {  	s25 =	sadd.s32 s5, s24;
	[dreg:$0x16] =	wrdreg s23  }
0x30: {  	s3 =	sadd.s32 s5, s26;
	[dreg:$0x17] =	wrdreg s25  }
0x31: {  	s7 =	sadd.s32 s5, s6;
	[dreg:$0x18] =	wrdreg s3  }
0x32: {  	s29 =	sor.u32 $0xB800, s4;
	s9 =	sadd.s32 s5, s8;
	[dreg:$0x19] =	wrdreg s7  }
0x33: {  	s31 =	sor.u32 $0xC800, s4;
	s10 =	sadd.s32 s5, s29;
	[dreg:$0x1a] =	wrdreg s9  }
0x34: {  	s30 =	sor.u32 $0xC000, s4;
	s12 =	sadd.s32 s5, s31;
	[dreg:$0x1b] =	wrdreg s10  }
0x35: {  	s28 =	sor.u32 $0xD000, s4;
	s11 =	sadd.s32 s5, s30;
	[dreg:$0x1d] =	wrdreg s12  }
0x36: {  	s26 =	sor.u32 $0xD800, s4;
	s13 =	sadd.s32 s5, s28;
	[dreg:$0x1c] =	wrdreg s11  }
0x37: {  	s24 =	sor.u32 $0xE800, s4;
	s14 =	sadd.s32 s5, s26;
	[dreg:$0x1e] =	wrdreg s13  }
0x38: {  	s22 =	sor.u32 $0xF800, s4;
	s16 =	sadd.s32 s5, s24;
	[dreg:$0x1f] =	wrdreg s14  }
0x39: {  	s20 =	sor.u32 $0x10800, s4;
	s18 =	sadd.s32 s5, s22;
	[smem:$0x756] =	sst s16  }
0x3a: {  	s25 =	sor.u32 $0xE000, s4;
	s1 =	sadd.s32 s5, s20;
	[smem:$0x758] =	sst s18  }
0x3b: {  	s23 =	sor.u32 $0xF000, s4;
	s15 =	sadd.s32 s5, s25;
	[smem:$0x75A] =	sst s1  }
0x3c: {  	s21 =	sor.u32 $0x10000, s4;
	s17 =	sadd.s32 s5, s23;
	[smem:$0x755] =	sst s15  }
0x3d: {  	s12 =	sor.u32 $0x14800, s4;
	s19 =	sadd.s32 s5, s21;
	[smem:$0x757] =	sst s17  }
0x3e: {  	s18 =	sor.u32 $0x11800, s4;
	s1 =	sadd.s32 s5, s12;
	[smem:$0x759] =	sst s19  }
0x3f: {  	s16 =	sor.u32 $0x12800, s4;
	s6 =	sadd.s32 s5, s18;
	[smem:$0x762] =	sst s1  }
0x40: {  	s14 =	sor.u32 $0x13800, s4;
	s8 =	sadd.s32 s5, s16;
	[smem:$0x75C] =	sst s6  }
0x41: {  	s13 =	sor.u32 $0x14000, s4;
	s10 =	sadd.s32 s5, s14;
	[smem:$0x75E] =	sst s8  }
0x42: {  	s19 =	sor.u32 $0x11000, s4;
	s11 =	sadd.s32 s5, s13;
	[smem:$0x760] =	sst s10  }
0x43: {  	s17 =	sor.u32 $0x12000, s4;
	s3 =	sadd.s32 s5, s19;
	[smem:$0x761] =	sst s11  }
0x44: {  	s15 =	sor.u32 $0x13000, s4;
	s7 =	sadd.s32 s5, s17;
	[smem:$0x75B] =	sst s3  }
0x45: {  	s9 =	sadd.s32 s5, s15;
	s11 =	sor.u32 $0x15000, s4;
	[smem:$0x75D] =	sst s7  }
0x46: {  	s10 =	sor.u32 $0x15800, s4;
	[smem:$0x75F] =	sst s9;
	s3 =	sadd.s32 s5, s11  }
0x47: {  	s6 =	sadd.s32 s5, s10;
	s9 =	sor.u32 $0x16000, s4;
	[smem:$0x763] =	sst s3  }
0x48: {  	s8 =	sor.u32 $0x16800, s4;
	[smem:$0x764] =	sst s6;
	s7 =	sadd.s32 s5, s9  }
0x49: {  	s1 =	sadd.s32 s5, s8;
	[smem:$0x765] =	sst s7;
	s7 =	sor.u32 $0x17000, s4  }
0x4a: {  	[smem:$0x766] =	sst s1;
	s6 =	sor.u32 $0x17800, s4;
	s3 =	sadd.s32 s5, s7  }
0x4b: {  	s1 =	sadd.s32 s5, s6;
	[smem:$0x767] =	sst s3;
	s3 =	sor.u32 $0x18000, s4  }
0x4c: {  	[smem:$0x768] =	sst s1;
	s0 =	sadd.s32 s5, s3  }
0x4d: {  	s1 =	sor.u32 $0x18800, s4;
	[smem:$0x769] =	sst s0  }
0x4e: {  	s5 =	sadd.s32 s5, s1;
	s0 =	rddreg [dreg:$0x1]  }
0x4f: {  	[smem:$0x76A] =	sst s5  }
0x50: {  	s5 =	sld [smem:$0x76C];
	s0 =	sadd.s32 $0x19C00, s0  }
0x51: {  	s4 =	sadd.s32 s0, s4  }
0x52: {  	[smem:$0x76B] =	sst s4  }
0x53: {  	s26 =	sadd.s32 s0, s26;
	s4 =	sadd.s32 s0, s5;
	s5 =	sld [smem:$0x76E]  }
0x54: {  	s3 =	sadd.s32 s0, s3;
	[smem:$0x79C] =	sst s26  }
0x55: {  	[smem:$0x7B1] =	sst s3  }
0x56: {  	s26 =	sadd.s32 s0, s23;
	[smem:$0x76D] =	sst s4  }
0x57: {  	s23 =	sadd.s32 s0, s20;
	[smem:$0x79F] =	sst s26  }
0x58: {  	s20 =	sadd.s32 s0, s11;
	[smem:$0x7A2] =	sst s23  }
0x59: {  	s3 =	simm.s32 $0x600;
	[smem:$0x7AB] =	sst s20  }
0x5a: {  	s11 =	simm.s32 $0x1600;
	[smem:$0x7B5] =	sst s3  }
0x5b: {  	s26 =	sadd.s32 s0, s17;
	[smem:$0x7BD] =	sst s11  }
0x5c: {  	s17 =	sadd.s32 s0, s14;
	[smem:$0x7A5] =	sst s26  }
0x5d: {  	s23 =	sadd.s32 s0, s8;
	[smem:$0x7A8] =	sst s17  }
0x5e: {  	s8 =	simm.s32 $0x1000;
	[smem:$0x7AE] =	sst s23  }
0x5f: {  	s14 =	simm.s32 $0x1C00;
	[smem:$0x7BA] =	sst s8  }
0x60: {  	[smem:$0x7C0] =	sst s14  }
0x61: {  	s20 =	simm.s32 $0x2800;
	s4 =	sadd.s32 s0, s5;
	s5 =	sld [smem:$0x770]  }
0x62: {  	[smem:$0x7C6] =	sst s20  }
0x63: {  	[smem:$0x76F] =	sst s4  }
0x64: {  	s3 =	simm.s32 $0x3800;
	s4 =	sadd.s32 s0, s5;
	s5 =	sld [smem:$0x772]  }
0x65: {  	[smem:$0x7CE] =	sst s3  }
0x66: {  	[smem:$0x771] =	sst s4  }
0x67: {  	s11 =	simm.s32 $0x4800;
	s4 =	sadd.s32 s0, s5;
	s5 =	sld [smem:$0x774]  }
0x68: {  	[smem:$0x7D6] =	sst s11  }
0x69: {  	[smem:$0x773] =	sst s4  }
0x6a: {  	s26 =	simm.s32 $0x200;
	s4 =	sadd.s32 s0, s5;
	s5 =	sld [smem:$0x776]  }
0x6b: {  	[smem:$0x7B3] =	sst s26  }
0x6c: {  	[smem:$0x775] =	sst s4  }
0x6d: {  	s17 =	simm.s32 $0x2200;
	s4 =	sadd.s32 s0, s5;
	s5 =	sld [smem:$0x778]  }
0x6e: {  	[smem:$0x7C3] =	sst s17  }
0x6f: {  	[smem:$0x777] =	sst s4  }
0x70: {  	s23 =	simm.s32 $0x2E00;
	s4 =	sadd.s32 s0, s5;
	s5 =	sld [smem:$0x77A]  }
0x71: {  	[smem:$0x7C9] =	sst s23  }
0x72: {  	[smem:$0x779] =	sst s4  }
0x73: {  	s8 =	simm.s32 $0x4200;
	s4 =	sadd.s32 s0, s5;
	s5 =	sld [smem:$0x77C]  }
0x74: {  	[smem:$0x7D3] =	sst s8  }
0x75: {  	[smem:$0x77B] =	sst s4  }
0x76: {  	s14 =	simm.s32 $0x4E00;
	s4 =	sadd.s32 s0, s5;
	s5 =	sld [smem:$0x77E]  }
0x77: {  	[smem:$0x7D9] =	sst s14  }
0x78: {  	[smem:$0x77D] =	sst s4  }
0x79: {  	s20 =	simm.s32 $0x5A00;
	s4 =	sadd.s32 s0, s5;
	s5 =	sld [smem:$0x780]  }
0x7a: {  	[smem:$0x7DF] =	sst s20  }
0x7b: {  	[smem:$0x77F] =	sst s4  }
0x7c: {  	s3 =	simm.s32 $0x6C00;
	s4 =	sadd.s32 s0, s5;
	s5 =	sld [smem:$0x782]  }
0x7d: {  	[smem:$0x7E7] =	sst s3  }
0x7e: {  	[smem:$0x781] =	sst s4  }
0x7f: {  	s11 =	simm.s32 $0x7C00;
	s4 =	sadd.s32 s0, s5;
	s5 =	sld [smem:$0x784]  }
0x80: {  	[smem:$0x7EF] =	sst s11  }
0x81: {  	[smem:$0x783] =	sst s4  }
0x82: {  	s26 =	simm.s32 $0x3400;
	s4 =	sadd.s32 s0, s5;
	s5 =	sld [smem:$0x786]  }
0x83: {  	[smem:$0x7CC] =	sst s26  }
0x84: {  	[smem:$0x785] =	sst s4  }
0x85: {  	s17 =	simm.s32 $0x5400;
	s4 =	sadd.s32 s0, s5;
	s5 =	sld [smem:$0x788]  }
0x86: {  	[smem:$0x7DC] =	sst s17  }
0x87: {  	[smem:$0x787] =	sst s4  }
0x88: {  	s23 =	simm.s32 $0x6000;
	s4 =	sadd.s32 s0, s5;
	s5 =	sld [smem:$0x78A]  }
0x89: {  	[smem:$0x7E2] =	sst s23  }
0x8a: {  	[smem:$0x789] =	sst s4  }
0x8b: {  	s8 =	simm.s32 $0x7600;
	s4 =	sadd.s32 s0, s5;
	s5 =	sld [smem:$0x78C]  }
0x8c: {  	[smem:$0x7EC] =	sst s8  }
0x8d: {  	[smem:$0x78B] =	sst s4  }
0x8e: {  	s14 =	simm.s32 $0x8200;
	s4 =	sadd.s32 s0, s5;
	s5 =	sld [smem:$0x78E]  }
0x8f: {  	[smem:$0x7F2] =	sst s14  }
0x90: {  	[smem:$0x78D] =	sst s4  }
0x91: {  	s20 =	simm.s32 $0x8C00;
	s4 =	sadd.s32 s0, s5;
	s5 =	sld [smem:$0x790]  }
0x92: {  	[smem:$0x7F8] =	sst s20  }
0x93: {  	[smem:$0x78F] =	sst s4  }
0x94: {  	s26 =	simm.s32 $0x6800;
	s4 =	sadd.s32 s0, s5;
	s5 =	sld [smem:$0x792]  }
0x95: {  	[smem:$0x7E5] =	sst s26  }
0x96: {  	[smem:$0x791] =	sst s4  }
0x97: {  	s17 =	simm.s32 $0x8800;
	s4 =	sadd.s32 s0, s5;
	s5 =	sld [smem:$0x794]  }
0x98: {  	[smem:$0x7F5] =	sst s17  }
0x99: {  	[smem:$0x793] =	sst s4  }
0x9a: {  	s23 =	simm.s32 $0x9000;
	s4 =	sadd.s32 s0, s5;
	s5 =	sld [smem:$0x796]  }
0x9b: {  	[smem:$0x7FA] =	sst s23;
	s26 =	simm.s32 $0x9600  }
0x9c: {  	[smem:$0x7FD] =	sst s26  }
0x9d: {  	[smem:$0x795] =	sst s4;
	s4 =	sadd.s32 s0, s5  }
0x9e: {  	s5 =	sadd.s32 s0, s29;
	[smem:$0x797] =	sst s4  }
0x9f: {  	[smem:$0x798] =	sst s5;
	s5 =	sadd.s32 s0, s30  }
0xa0: {  	s4 =	simm.s32 $0x800;
	[smem:$0x799] =	sst s5  }
0xa1: {  	s5 =	sadd.s32 s0, s31;
	[smem:$0x7B6] =	sst s4  }
0xa2: {  	s4 =	simm.s32 $0x3A00;
	[smem:$0x79A] =	sst s5  }
0xa3: {  	s5 =	sadd.s32 s0, s28;
	[smem:$0x7CF] =	sst s4  }
0xa4: {  	s4 =	simm.s32 $0x6E00;
	[smem:$0x79B] =	sst s5  }
0xa5: {  	s5 =	sadd.s32 s0, s25;
	[smem:$0x7E8] =	sst s4  }
0xa6: {  	s25 =	sadd.s32 s0, s24;
	[smem:$0x79D] =	sst s5  }
0xa7: {  	s24 =	sadd.s32 s0, s19;
	[smem:$0x79E] =	sst s25  }
0xa8: {  	s19 =	sadd.s32 s0, s12;
	[smem:$0x7A3] =	sst s24  }
0xa9: {  	s12 =	simm.s32 $0x1800;
	[smem:$0x7AA] =	sst s19  }
0xaa: {  	s5 =	sadd.s32 s0, s22;
	[smem:$0x7BE] =	sst s12  }
0xab: {  	s22 =	sadd.s32 s0, s21;
	[smem:$0x7A0] =	sst s5  }
0xac: {  	s25 =	sadd.s32 s0, s18;
	[smem:$0x7A1] =	sst s22  }
0xad: {  	s18 =	sadd.s32 s0, s13;
	[smem:$0x7A4] =	sst s25  }
0xae: {  	s21 =	sadd.s32 s0, s10;
	[smem:$0x7A9] =	sst s18  }
0xaf: {  	s24 =	sadd.s32 s0, s7;
	[smem:$0x7AC] =	sst s21  }
0xb0: {  	s7 =	simm.s32 $0xE00;
	[smem:$0x7AF] =	sst s24  }
0xb1: {  	s10 =	simm.s32 $0x1400;
	[smem:$0x7B9] =	sst s7  }
0xb2: {  	s13 =	simm.s32 $0x1A00;
	[smem:$0x7BC] =	sst s10  }
0xb3: {  	s19 =	simm.s32 $0x2600;
	[smem:$0x7BF] =	sst s13  }
0xb4: {  	s12 =	simm.s32 $0x4A00;
	[smem:$0x7C5] =	sst s19  }
0xb5: {  	s5 =	sadd.s32 s0, s16;
	[smem:$0x7D7] =	sst s12  }
0xb6: {  	s16 =	sadd.s32 s0, s15;
	[smem:$0x7A6] =	sst s5  }
0xb7: {  	s22 =	sadd.s32 s0, s9;
	[smem:$0x7A7] =	sst s16  }
0xb8: {  	s25 =	sadd.s32 s0, s6;
	[smem:$0x7AD] =	sst s22  }
0xb9: {  	s0 =	sadd.s32 s0, s1;
	[smem:$0x7B0] =	sst s25  }
0xba: {  	s1 =	simm.s32 $0x400;
	[smem:$0x7B2] =	sst s0  }
0xbb: {  	s6 =	simm.s32 $0xC00;
	[smem:$0x7B4] =	sst s1  }
0xbc: {  	s9 =	simm.s32 $0x1200;
	[smem:$0x7B8] =	sst s6  }
0xbd: {  	s15 =	simm.s32 $0x1E00;
	[smem:$0x7BB] =	sst s9  }
0xbe: {  	s18 =	simm.s32 $0x2400;
	[smem:$0x7C1] =	sst s15  }
0xbf: {  	s21 =	simm.s32 $0x2A00;
	[smem:$0x7C4] =	sst s18  }
0xc0: {  	s24 =	simm.s32 $0x3000;
	[smem:$0x7C7] =	sst s21  }
0xc1: {  	s7 =	simm.s32 $0x4000;
	[smem:$0x7CA] =	sst s24  }
0xc2: {  	s10 =	simm.s32 $0x4600;
	[smem:$0x7D2] =	sst s7  }
0xc3: {  	s13 =	simm.s32 $0x4C00;
	[smem:$0x7D5] =	sst s10  }
0xc4: {  	s19 =	simm.s32 $0x5800;
	[smem:$0x7D8] =	sst s13  }
0xc5: {  	s12 =	simm.s32 $0x7E00;
	[smem:$0x7DE] =	sst s19  }
0xc6: {  	[smem:$0x7F0] =	sst s12  }
0xc7: {  	s5 =	simm.s32 $0xA00;
	s19 =	sld [smem:$0x7F6]  }
0xc8: {  	s16 =	simm.s32 $0x2000;
	[smem:$0x7B7] =	sst s5  }
0xc9: {  	s22 =	simm.s32 $0x2C00;
	[smem:$0x7C2] =	sst s16  }
0xca: {  	s25 =	simm.s32 $0x3200;
	[smem:$0x7C8] =	sst s22  }
0xcb: {  	s1 =	simm.s32 $0x3600;
	[smem:$0x7CB] =	sst s25  }
0xcc: {  	s6 =	simm.s32 $0x3E00;
	[smem:$0x7CD] =	sst s1  }
0xcd: {  	s9 =	simm.s32 $0x4400;
	[smem:$0x7D1] =	sst s6  }
0xce: {  	s11 =	simm.s32 $0xA000;
	s15 =	simm.s32 $0x5000;
	[smem:$0x7D4] =	sst s9  }
0xcf: {  	s14 =	simm.s32 $0xA600;
	s18 =	simm.s32 $0x5600;
	[smem:$0x7DA] =	sst s15  }
0xd0: {  	s20 =	simm.s32 $0xB200;
	s21 =	simm.s32 $0x5C00;
	[smem:$0x7DD] =	sst s18  }
0xd1: {  	s17 =	simm.s32 $0xAC00;
	s24 =	simm.s32 $0x6200;
	[smem:$0x7E0] =	sst s21  }
0xd2: {  	s23 =	simm.s32 $0xB800;
	s7 =	simm.s32 $0x7400;
	[smem:$0x7E3] =	sst s24  }
0xd3: {  	s26 =	simm.s32 $0xBE00;
	s10 =	simm.s32 $0x7A00;
	[smem:$0x7EB] =	sst s7  }
0xd4: {  	s29 =	simm.s32 $0xC200;
	s13 =	simm.s32 $0x8000;
	[smem:$0x7EE] =	sst s10  }
0xd5: {  	s30 =	simm.s32 $0xC400;
	s5 =	simm.s32 $0x3C00;
	[smem:$0x7F1] =	sst s13  }
0xd6: {  	s31 =	simm.s32 $0xC600;
	s16 =	simm.s32 $0x5200;
	[smem:$0x7D0] =	sst s5  }
0xd7: {  	s28 =	simm.s32 $0xC000;
	s22 =	simm.s32 $0x5E00;
	[smem:$0x7DB] =	sst s16  }
0xd8: {  	s4 =	simm.s32 $0x1;
	s25 =	simm.s32 $0x6600;
	[smem:$0x7E1] =	sst s22  }
0xd9: {  	s12 =	simm.s32 $0xA200;
	s1 =	simm.s32 $0x6A00;
	[smem:$0x7E4] =	sst s25  }
0xda: {  	s0 =	simm.s32 $0x3;
	s6 =	simm.s32 $0x7200;
	[smem:$0x7E6] =	sst s1  }
0xdb: {  	s9 =	simm.s32 $0x7800;
	s15 =	simm.s32 $0x8400;
	[smem:$0x7EA] =	sst s6  }
0xdc: {  	s18 =	simm.s32 $0x8A00;
	s24 =	simm.s32 $0x9200;
	[smem:$0x7ED] =	sst s9  }
0xdd: {  	s10 =	simm.s32 $0x9E00;
	s13 =	simm.s32 $0xA400;
	[smem:$0x7F3] =	sst s15  }
0xde: {  	s5 =	simm.s32 $0x7000;
	s16 =	simm.s32 $0x8600;
	[smem:$0x7F7] =	sst s18  }
0xdf: {  	s22 =	simm.s32 $0x8E00;
	[smem:$0x7FB] =	sst s24;
	s25 =	simm.s32 $0x9400  }
0xe0: {  	s6 =	simm.s32 $0x2;
	s15 =	simm.s32 $0xA800;
	[smem:$0x7E9] =	sst s5  }
0xe1: {  	s18 =	simm.s32 $0xAE00;
	s24 =	simm.s32 $0xBA00;
	[smem:$0x7F4] =	sst s16  }
0xe2: {  	s1 =	ssub.s32 $0x2, s19;
	[smem:$0x7F9] =	sst s22;
	s5 =	simm.s32 $0x6400  }
0xe3: {  	[smem:$0x7FC] =	sst s25;
	s16 =	simm.s32 $0xAA00;
	s21 =	sshrl.u32 s1, $0x1  }
0xe4: {  	s19 =	simm.s32 $0xB000;
	s22 =	simm.s32 $0xB600;
	s1 =	ssub.s32 s1, s21  }
0xe5: {  	s25 =	simm.s32 $0xBC00;
	s21 =	simm.s32 $0xB400;
	s3 =	smax.u32 s1, $0x1  }
.LBB2_1:
0xe6: {  	s1 =	rddreg [dreg:$0x4]  }
0xe7: {  	s7 =	rddreg [dreg:$0x5]  }
0xe8: {  	s8 =	sld [smem:$0x7B3]  }
0xe9: {  	[tilespmem:s2], [sflag:$0x1] =	stream.linear.gather [hbm4b:s1+s2], $0x200, $0x38;
	[tilespmem:$0xC800] =	vst v63  }
0xea: {  	s9 =	sld [smem:$0x7B5]  }
0xeb: {  	[tilespmem:s8], [sflag:$0x1] =	stream.linear.gather [hbm4b:s7+s2], $0x200, $0x38;
	[tilespmem:$0xC800] =	vst v63  }
0xec: {  	s7 =	sld [smem:$0x7B4]  }
0xed: {  	s1 =	rddreg [dreg:$0x6]  }
0xee: {  	s8 =	rddreg [dreg:$0x7]  }
0xef: {  	[tilespmem:s7], [sflag:$0x1] =	stream.linear.gather [hbm4b:s1+s2], $0x200, $0x38;
	[tilespmem:$0xC800] =	vst v63  }
0xf0: {  	s1 =	rddreg [dreg:$0x8]  }
0xf1: {  	s7 =	sld [smem:$0x7B6]  }
0xf2: {  	[tilespmem:s9], [sflag:$0x1] =	stream.linear.gather [hbm4b:s8+s2], $0x200, $0x38;
	[tilespmem:$0xC800] =	vst v63  }
0xf3: {  	s8 =	rddreg [dreg:$0x9]  }
0xf4: {  	s9 =	sld [smem:$0x7B7]  }
0xf5: {  	[tilespmem:s7], [sflag:$0x1] =	stream.linear.gather [hbm4b:s1+s2], $0x200, $0x38;
	[tilespmem:$0xC800] =	vst v63  }
0xf6: {  	s1 =	rddreg [dreg:$0xa]  }
0xf7: {  	s7 =	sld [smem:$0x7B8]  }
0xf8: {  	[tilespmem:s9], [sflag:$0x1] =	stream.linear.gather [hbm4b:s8+s2], $0x200, $0x38;
	[tilespmem:$0xC800] =	vst v63  }
0xf9: {  	s8 =	rddreg [dreg:$0xb]  }
0xfa: {  	s9 =	sld [smem:$0x7B9]  }
0xfb: {  	[tilespmem:s7], [sflag:$0x1] =	stream.linear.gather [hbm4b:s1+s2], $0x200, $0x38;
	[tilespmem:$0xC800] =	vst v63  }
0xfc: {  	s1 =	rddreg [dreg:$0xc]  }
0xfd: {  	s7 =	sld [smem:$0x7BA]  }
0xfe: {  	[tilespmem:s9], [sflag:$0x1] =	stream.linear.gather [hbm4b:s8+s2], $0x200, $0x38;
	[tilespmem:$0xC800] =	vst v63  }
0xff: {  	s8 =	rddreg [dreg:$0xd]  }
0x100: {  	s9 =	sld [smem:$0x7BB]  }
0x101: {  	[tilespmem:s7], [sflag:$0x1] =	stream.linear.gather [hbm4b:s1+s2], $0x200, $0x38;
	[tilespmem:$0xC800] =	vst v63  }
0x102: {  	s1 =	rddreg [dreg:$0xe]  }
0x103: {  	s7 =	sld [smem:$0x7BC]  }
0x104: {  	[tilespmem:s9], [sflag:$0x1] =	stream.linear.gather [hbm4b:s8+s2], $0x200, $0x38;
	[tilespmem:$0xC800] =	vst v63  }
0x105: {  	s8 =	rddreg [dreg:$0xf]  }
0x106: {  	s9 =	sld [smem:$0x7BD]  }
0x107: {  	[tilespmem:s7], [sflag:$0x1] =	stream.linear.gather [hbm4b:s1+s2], $0x200, $0x38;
	[tilespmem:$0xC800] =	vst v63  }
0x108: {  	s1 =	rddreg [dreg:$0x10]  }
0x109: {  	s7 =	sld [smem:$0x7BE]  }
0x10a: {  	[tilespmem:s9], [sflag:$0x1] =	stream.linear.gather [hbm4b:s8+s2], $0x200, $0x38;
	[tilespmem:$0xC800] =	vst v63  }
0x10b: {  	s8 =	rddreg [dreg:$0x11]  }
0x10c: {  	s9 =	sld [smem:$0x7BF]  }
0x10d: {  	[tilespmem:s7], [sflag:$0x1] =	stream.linear.gather [hbm4b:s1+s2], $0x200, $0x38;
	[tilespmem:$0xC800] =	vst v63  }
0x10e: {  	s1 =	rddreg [dreg:$0x12]  }
0x10f: {  	s7 =	sld [smem:$0x7C0]  }
0x110: {  	[tilespmem:s9], [sflag:$0x1] =	stream.linear.gather [hbm4b:s8+s2], $0x200, $0x38;
	[tilespmem:$0xC800] =	vst v63  }
0x111: {  	s8 =	rddreg [dreg:$0x13]  }
0x112: {  	s9 =	sld [smem:$0x7C1]  }
0x113: {  	[tilespmem:s7], [sflag:$0x1] =	stream.linear.gather [hbm4b:s1+s2], $0x200, $0x38;
	[tilespmem:$0xC800] =	vst v63  }
0x114: {  	s1 =	rddreg [dreg:$0x14]  }
0x115: {  	s7 =	sld [smem:$0x7C2]  }
0x116: {  	[tilespmem:s9], [sflag:$0x1] =	stream.linear.gather [hbm4b:s8+s2], $0x200, $0x38;
	[tilespmem:$0xC800] =	vst v63  }
0x117: {  	s8 =	rddreg [dreg:$0x15]  }
0x118: {  	s9 =	sld [smem:$0x7C3]  }
0x119: {  	[tilespmem:s7], [sflag:$0x1] =	stream.linear.gather [hbm4b:s1+s2], $0x200, $0x38;
	[tilespmem:$0xC800] =	vst v63  }
0x11a: {  	s1 =	rddreg [dreg:$0x16]  }
0x11b: {  	s7 =	sld [smem:$0x7C4]  }
0x11c: {  	[tilespmem:s9], [sflag:$0x1] =	stream.linear.gather [hbm4b:s8+s2], $0x200, $0x38;
	[tilespmem:$0xC800] =	vst v63  }
0x11d: {  	s8 =	rddreg [dreg:$0x17]  }
0x11e: {  	s9 =	sld [smem:$0x7C5]  }
0x11f: {  	[tilespmem:s7], [sflag:$0x1] =	stream.linear.gather [hbm4b:s1+s2], $0x200, $0x38;
	[tilespmem:$0xC800] =	vst v63  }
0x120: {  	s1 =	rddreg [dreg:$0x18]  }
0x121: {  	s7 =	sld [smem:$0x7C6]  }
0x122: {  	[tilespmem:s9], [sflag:$0x1] =	stream.linear.gather [hbm4b:s8+s2], $0x200, $0x38;
	[tilespmem:$0xC800] =	vst v63  }
0x123: {  	s8 =	rddreg [dreg:$0x19]  }
0x124: {  	s9 =	sld [smem:$0x7C7]  }
0x125: {  	[tilespmem:s7], [sflag:$0x1] =	stream.linear.gather [hbm4b:s1+s2], $0x200, $0x38;
	[tilespmem:$0xC800] =	vst v63  }
0x126: {  	s1 =	rddreg [dreg:$0x1a]  }
0x127: {  	s7 =	sld [smem:$0x7C8]  }
0x128: {  	[tilespmem:s9], [sflag:$0x1] =	stream.linear.gather [hbm4b:s8+s2], $0x200, $0x38;
	[tilespmem:$0xC800] =	vst v63  }
0x129: {  	s8 =	rddreg [dreg:$0x1b]  }
0x12a: {  	s9 =	sld [smem:$0x7C9]  }
0x12b: {  	[tilespmem:s7], [sflag:$0x1] =	stream.linear.gather [hbm4b:s1+s2], $0x200, $0x38;
	[tilespmem:$0xC800] =	vst v63  }
0x12c: {  	s1 =	rddreg [dreg:$0x1c]  }
0x12d: {  	s7 =	sld [smem:$0x7CA]  }
0x12e: {  	[tilespmem:s9], [sflag:$0x1] =	stream.linear.gather [hbm4b:s8+s2], $0x200, $0x38;
	[tilespmem:$0xC800] =	vst v63  }
0x12f: {  	s8 =	rddreg [dreg:$0x1d]  }
0x130: {  	s9 =	sld [smem:$0x7CB]  }
0x131: {  	[tilespmem:s7], [sflag:$0x1] =	stream.linear.gather [hbm4b:s1+s2], $0x200, $0x38;
	[tilespmem:$0xC800] =	vst v63  }
0x132: {  	s1 =	rddreg [dreg:$0x1e]  }
0x133: {  	s7 =	sld [smem:$0x7CC]  }
0x134: {  	[tilespmem:s9], [sflag:$0x1] =	stream.linear.gather [hbm4b:s8+s2], $0x200, $0x38;
	[tilespmem:$0xC800] =	vst v63  }
0x135: {  	s8 =	rddreg [dreg:$0x1f]  }
0x136: {  	s9 =	sld [smem:$0x7CD]  }
0x137: {  	[tilespmem:s7], [sflag:$0x1] =	stream.linear.gather [hbm4b:s1+s2], $0x200, $0x38;
	[tilespmem:$0xC800] =	vst v63  }
0x138: {  	s1 =	sld [smem:$0x755]  }
0x139: {  	s7 =	sld [smem:$0x7CE]  }
0x13a: {  	[tilespmem:s9], [sflag:$0x1] =	stream.linear.gather [hbm4b:s8+s2], $0x200, $0x38;
	[tilespmem:$0xC800] =	vst v63  }
0x13b: {  	s8 =	sld [smem:$0x756]  }
0x13c: {  	s9 =	sld [smem:$0x7CF]  }
0x13d: {  	[tilespmem:s7], [sflag:$0x1] =	stream.linear.gather [hbm4b:s1+s2], $0x200, $0x38;
	[tilespmem:$0xC800] =	vst v63  }
0x13e: {  	s1 =	sld [smem:$0x757]  }
0x13f: {  	s7 =	sld [smem:$0x7D0]  }
0x140: {  	[tilespmem:s9], [sflag:$0x1] =	stream.linear.gather [hbm4b:s8+s2], $0x200, $0x38;
	[tilespmem:$0xC800] =	vst v63  }
0x141: {  	s8 =	sld [smem:$0x758]  }
0x142: {  	s9 =	sld [smem:$0x7D1]  }
0x143: {  	[tilespmem:s7], [sflag:$0x1] =	stream.linear.gather [hbm4b:s1+s2], $0x200, $0x38;
	[tilespmem:$0xC800] =	vst v63  }
0x144: {  	s1 =	sld [smem:$0x759]  }
0x145: {  	s7 =	sld [smem:$0x7D2]  }
0x146: {  	[tilespmem:s9], [sflag:$0x1] =	stream.linear.gather [hbm4b:s8+s2], $0x200, $0x38;
	[tilespmem:$0xC800] =	vst v63  }
0x147: {  	s8 =	sld [smem:$0x75A]  }
0x148: {  	s9 =	sld [smem:$0x7D3]  }
0x149: {  	[tilespmem:s7], [sflag:$0x1] =	stream.linear.gather [hbm4b:s1+s2], $0x200, $0x38;
	[tilespmem:$0xC800] =	vst v63  }
0x14a: {  	s1 =	sld [smem:$0x75B]  }
0x14b: {  	s7 =	sld [smem:$0x7D4]  }
0x14c: {  	[tilespmem:s9], [sflag:$0x1] =	stream.linear.gather [hbm4b:s8+s2], $0x200, $0x38;
	[tilespmem:$0xC800] =	vst v63  }
0x14d: {  	s8 =	sld [smem:$0x75C]  }
0x14e: {  	s9 =	sld [smem:$0x7D5]  }
0x14f: {  	[tilespmem:s7], [sflag:$0x1] =	stream.linear.gather [hbm4b:s1+s2], $0x200, $0x38;
	[tilespmem:$0xC800] =	vst v63  }
0x150: {  	s1 =	sld [smem:$0x75D]  }
0x151: {  	s7 =	sld [smem:$0x7D6]  }
0x152: {  	[tilespmem:s9], [sflag:$0x1] =	stream.linear.gather [hbm4b:s8+s2], $0x200, $0x38;
	[tilespmem:$0xC800] =	vst v63  }
0x153: {  	s8 =	sld [smem:$0x75E]  }
0x154: {  	s9 =	sld [smem:$0x7D7]  }
0x155: {  	[tilespmem:s7], [sflag:$0x1] =	stream.linear.gather [hbm4b:s1+s2], $0x200, $0x38;
	[tilespmem:$0xC800] =	vst v63  }
0x156: {  	s1 =	sld [smem:$0x75F]  }
0x157: {  	s7 =	sld [smem:$0x7D8]  }
0x158: {  	[tilespmem:s9], [sflag:$0x1] =	stream.linear.gather [hbm4b:s8+s2], $0x200, $0x38;
	[tilespmem:$0xC800] =	vst v63  }
0x159: {  	s8 =	sld [smem:$0x760]  }
0x15a: {  	s9 =	sld [smem:$0x7D9]  }
0x15b: {  	[tilespmem:s7], [sflag:$0x1] =	stream.linear.gather [hbm4b:s1+s2], $0x200, $0x38;
	[tilespmem:$0xC800] =	vst v63  }
0x15c: {  	s1 =	sld [smem:$0x761]  }
0x15d: {  	s7 =	sld [smem:$0x7DA]  }
0x15e: {  	[tilespmem:s9], [sflag:$0x1] =	stream.linear.gather [hbm4b:s8+s2], $0x200, $0x38;
	[tilespmem:$0xC800] =	vst v63  }
0x15f: {  	s8 =	sld [smem:$0x762]  }
0x160: {  	s9 =	sld [smem:$0x7DB]  }
0x161: {  	[tilespmem:s7], [sflag:$0x1] =	stream.linear.gather [hbm4b:s1+s2], $0x200, $0x38;
	[tilespmem:$0xC800] =	vst v63  }
0x162: {  	s1 =	sld [smem:$0x763]  }
0x163: {  	s7 =	sld [smem:$0x7DC]  }
0x164: {  	[tilespmem:s9], [sflag:$0x1] =	stream.linear.gather [hbm4b:s8+s2], $0x200, $0x38;
	[tilespmem:$0xC800] =	vst v63  }
0x165: {  	s8 =	sld [smem:$0x764]  }
0x166: {  	s9 =	sld [smem:$0x7DD]  }
0x167: {  	[tilespmem:s7], [sflag:$0x1] =	stream.linear.gather [hbm4b:s1+s2], $0x200, $0x38;
	[tilespmem:$0xC800] =	vst v63  }
0x168: {  	s1 =	sld [smem:$0x765]  }
0x169: {  	s7 =	sld [smem:$0x7DE]  }
0x16a: {  	[tilespmem:s9], [sflag:$0x1] =	stream.linear.gather [hbm4b:s8+s2], $0x200, $0x38;
	[tilespmem:$0xC800] =	vst v63  }
0x16b: {  	s8 =	sld [smem:$0x766]  }
0x16c: {  	s9 =	sld [smem:$0x7DF]  }
0x16d: {  	[tilespmem:s7], [sflag:$0x1] =	stream.linear.gather [hbm4b:s1+s2], $0x200, $0x38;
	[tilespmem:$0xC800] =	vst v63  }
0x16e: {  	s1 =	sld [smem:$0x767]  }
0x16f: {  	s7 =	sld [smem:$0x7E0]  }
0x170: {  	[tilespmem:s9], [sflag:$0x1] =	stream.linear.gather [hbm4b:s8+s2], $0x200, $0x38;
	[tilespmem:$0xC800] =	vst v63  }
0x171: {  	s8 =	sld [smem:$0x768]  }
0x172: {  	s9 =	sld [smem:$0x7E1]  }
0x173: {  	[tilespmem:s7], [sflag:$0x1] =	stream.linear.gather [hbm4b:s1+s2], $0x200, $0x38;
	[tilespmem:$0xC800] =	vst v63  }
0x174: {  	s1 =	sld [smem:$0x769]  }
0x175: {  	s7 =	sld [smem:$0x7E2]  }
0x176: {  	[tilespmem:s9], [sflag:$0x1] =	stream.linear.gather [hbm4b:s8+s2], $0x200, $0x38;
	[tilespmem:$0xC800] =	vst v63  }
0x177: {  	s8 =	sld [smem:$0x76A]  }
0x178: {  	s9 =	sld [smem:$0x7E3]  }
0x179: {  	[tilespmem:s7], [sflag:$0x1] =	stream.linear.gather [hbm4b:s1+s2], $0x200, $0x38;
	[tilespmem:$0xC800] =	vst v63  }
0x17a: {  	_ = 	snop  }
0x17b: {  	[tilespmem:s9], [sflag:$0x1] =	stream.linear.gather [hbm4b:s8+s2], $0x200, $0x38;
	[tilespmem:$0xC800] =	vst v63  }
0x17c: {  	_ =	swait.ge [sflag:s4], $0x200  }
0x17d: {  	[sflag:s4] =	ssyncset.done $0x0  }
0x17e: {  	[sflag:s4] =	ssyncadd.s32 $0xFFFFFE00  }
0x17f: {  	_ =	swait.ge [sflag:s4], $0x200  }
0x180: {  	[sflag:s4] =	ssyncset.done $0x0  }
0x181: {  	[sflag:s4] =	ssyncadd.s32 $0xFFFFFE00  }
0x182: {  	_ =	swait.ge [sflag:s4], $0x200  }
0x183: {  	[sflag:s4] =	ssyncset.done $0x0  }
0x184: {  	[sflag:s4] =	ssyncadd.s32 $0xFFFFFE00  }
0x185: {  	_ =	swait.ge [sflag:s4], $0x200  }
0x186: {  	[sflag:s4] =	ssyncset.done $0x0  }
0x187: {  	[sflag:s4] =	ssyncadd.s32 $0xFFFFFE00  }
0x188: {  	_ =	swait.ge [sflag:s4], $0x200  }
0x189: {  	[sflag:s4] =	ssyncset.done $0x0  }
0x18a: {  	[sflag:s4] =	ssyncadd.s32 $0xFFFFFE00  }
0x18b: {  	_ =	swait.ge [sflag:s4], $0x200  }
0x18c: {  	[sflag:s4] =	ssyncset.done $0x0  }
0x18d: {  	[sflag:s4] =	ssyncadd.s32 $0xFFFFFE00  }
0x18e: {  	_ =	swait.ge [sflag:s4], $0x200  }
0x18f: {  	[sflag:s4] =	ssyncset.done $0x0  }
0x190: {  	[sflag:s4] =	ssyncadd.s32 $0xFFFFFE00  }
0x191: {  	_ =	swait.ge [sflag:s4], $0x200  }
0x192: {  	[sflag:s4] =	ssyncset.done $0x0  }
0x193: {  	[sflag:s4] =	ssyncadd.s32 $0xFFFFFE00  }
0x194: {  	_ =	swait.ge [sflag:s4], $0x200  }
0x195: {  	[sflag:s4] =	ssyncset.done $0x0  }
0x196: {  	[sflag:s4] =	ssyncadd.s32 $0xFFFFFE00  }
0x197: {  	_ =	swait.ge [sflag:s4], $0x200  }
0x198: {  	[sflag:s4] =	ssyncset.done $0x0  }
0x199: {  	[sflag:s4] =	ssyncadd.s32 $0xFFFFFE00  }
0x19a: {  	_ =	swait.ge [sflag:s4], $0x200  }
0x19b: {  	[sflag:s4] =	ssyncset.done $0x0  }
0x19c: {  	[sflag:s4] =	ssyncadd.s32 $0xFFFFFE00  }
0x19d: {  	_ =	swait.ge [sflag:s4], $0x200  }
0x19e: {  	[sflag:s4] =	ssyncset.done $0x0  }
0x19f: {  	[sflag:s4] =	ssyncadd.s32 $0xFFFFFE00  }
0x1a0: {  	_ =	swait.ge [sflag:s4], $0x200  }
0x1a1: {  	[sflag:s4] =	ssyncset.done $0x0  }
0x1a2: {  	[sflag:s4] =	ssyncadd.s32 $0xFFFFFE00  }
0x1a3: {  	_ =	swait.ge [sflag:s4], $0x200  }
0x1a4: {  	[sflag:s4] =	ssyncset.done $0x0  }
0x1a5: {  	[sflag:s4] =	ssyncadd.s32 $0xFFFFFE00  }
0x1a6: {  	_ =	swait.ge [sflag:s4], $0x200  }
0x1a7: {  	[sflag:s4] =	ssyncset.done $0x0  }
0x1a8: {  	[sflag:s4] =	ssyncadd.s32 $0xFFFFFE00  }
0x1a9: {  	_ =	swait.ge [sflag:s4], $0x200  }
0x1aa: {  	[sflag:s4] =	ssyncset.done $0x0  }
0x1ab: {  	[sflag:s4] =	ssyncadd.s32 $0xFFFFFE00  }
0x1ac: {  	_ =	swait.ge [sflag:s4], $0x200  }
0x1ad: {  	[sflag:s4] =	ssyncset.done $0x0  }
0x1ae: {  	[sflag:s4] =	ssyncadd.s32 $0xFFFFFE00  }
0x1af: {  	_ =	swait.ge [sflag:s4], $0x200  }
0x1b0: {  	[sflag:s4] =	ssyncset.done $0x0  }
0x1b1: {  	[sflag:s4] =	ssyncadd.s32 $0xFFFFFE00  }
0x1b2: {  	_ =	swait.ge [sflag:s4], $0x200  }
0x1b3: {  	[sflag:s4] =	ssyncset.done $0x0  }
0x1b4: {  	[sflag:s4] =	ssyncadd.s32 $0xFFFFFE00  }
0x1b5: {  	_ =	swait.ge [sflag:s4], $0x200  }
0x1b6: {  	[sflag:s4] =	ssyncset.done $0x0  }
0x1b7: {  	[sflag:s4] =	ssyncadd.s32 $0xFFFFFE00  }
0x1b8: {  	_ =	swait.ge [sflag:s4], $0x200  }
0x1b9: {  	[sflag:s4] =	ssyncset.done $0x0  }
0x1ba: {  	[sflag:s4] =	ssyncadd.s32 $0xFFFFFE00  }
0x1bb: {  	_ =	swait.ge [sflag:s4], $0x200  }
0x1bc: {  	[sflag:s4] =	ssyncset.done $0x0  }
0x1bd: {  	[sflag:s4] =	ssyncadd.s32 $0xFFFFFE00  }
0x1be: {  	_ =	swait.ge [sflag:s4], $0x200  }
0x1bf: {  	[sflag:s4] =	ssyncset.done $0x0  }
0x1c0: {  	[sflag:s4] =	ssyncadd.s32 $0xFFFFFE00  }
0x1c1: {  	_ =	swait.ge [sflag:s4], $0x200  }
0x1c2: {  	[sflag:s4] =	ssyncset.done $0x0  }
0x1c3: {  	[sflag:s4] =	ssyncadd.s32 $0xFFFFFE00  }
0x1c4: {  	_ =	swait.ge [sflag:s4], $0x200  }
0x1c5: {  	[sflag:s4] =	ssyncset.done $0x0  }
0x1c6: {  	[sflag:s4] =	ssyncadd.s32 $0xFFFFFE00  }
0x1c7: {  	_ =	swait.ge [sflag:s4], $0x200  }
0x1c8: {  	[sflag:s4] =	ssyncset.done $0x0  }
0x1c9: {  	[sflag:s4] =	ssyncadd.s32 $0xFFFFFE00  }
0x1ca: {  	_ =	swait.ge [sflag:s4], $0x200  }
0x1cb: {  	[sflag:s4] =	ssyncset.done $0x0  }
0x1cc: {  	[sflag:s4] =	ssyncadd.s32 $0xFFFFFE00  }
0x1cd: {  	_ =	swait.ge [sflag:s4], $0x200  }
0x1ce: {  	[sflag:s4] =	ssyncset.done $0x0  }
0x1cf: {  	[sflag:s4] =	ssyncadd.s32 $0xFFFFFE00  }
0x1d0: {  	_ =	swait.ge [sflag:s4], $0x200  }
0x1d1: {  	[sflag:s4] =	ssyncset.done $0x0  }
0x1d2: {  	[sflag:s4] =	ssyncadd.s32 $0xFFFFFE00  }
0x1d3: {  	_ =	swait.ge [sflag:s4], $0x200  }
0x1d4: {  	[sflag:s4] =	ssyncset.done $0x0  }
0x1d5: {  	[sflag:s4] =	ssyncadd.s32 $0xFFFFFE00  }
0x1d6: {  	_ =	swait.ge [sflag:s4], $0x200  }
0x1d7: {  	[sflag:s4] =	ssyncset.done $0x0  }
0x1d8: {  	[sflag:s4] =	ssyncadd.s32 $0xFFFFFE00  }
0x1d9: {  	_ =	swait.ge [sflag:s4], $0x200  }
0x1da: {  	[sflag:s4] =	ssyncset.done $0x0  }
0x1db: {  	[sflag:s4] =	ssyncadd.s32 $0xFFFFFE00  }
0x1dc: {  	_ =	swait.ge [sflag:s4], $0x200  }
0x1dd: {  	[sflag:s4] =	ssyncset.done $0x0  }
0x1de: {  	[sflag:s4] =	ssyncadd.s32 $0xFFFFFE00  }
0x1df: {  	_ =	swait.ge [sflag:s4], $0x200  }
0x1e0: {  	[sflag:s4] =	ssyncset.done $0x0  }
0x1e1: {  	[sflag:s4] =	ssyncadd.s32 $0xFFFFFE00  }
0x1e2: {  	_ =	swait.ge [sflag:s4], $0x200  }
0x1e3: {  	[sflag:s4] =	ssyncset.done $0x0  }
0x1e4: {  	[sflag:s4] =	ssyncadd.s32 $0xFFFFFE00  }
0x1e5: {  	_ =	swait.ge [sflag:s4], $0x200  }
0x1e6: {  	[sflag:s4] =	ssyncset.done $0x0  }
0x1e7: {  	[sflag:s4] =	ssyncadd.s32 $0xFFFFFE00  }
0x1e8: {  	_ =	swait.ge [sflag:s4], $0x200  }
0x1e9: {  	[sflag:s4] =	ssyncset.done $0x0  }
0x1ea: {  	[sflag:s4] =	ssyncadd.s32 $0xFFFFFE00  }
0x1eb: {  	_ =	swait.ge [sflag:s4], $0x200  }
0x1ec: {  	[sflag:s4] =	ssyncset.done $0x0  }
0x1ed: {  	[sflag:s4] =	ssyncadd.s32 $0xFFFFFE00  }
0x1ee: {  	_ =	swait.ge [sflag:s4], $0x200  }
0x1ef: {  	[sflag:s4] =	ssyncset.done $0x0  }
0x1f0: {  	[sflag:s4] =	ssyncadd.s32 $0xFFFFFE00  }
0x1f1: {  	_ =	swait.ge [sflag:s4], $0x200  }
0x1f2: {  	[sflag:s4] =	ssyncset.done $0x0  }
0x1f3: {  	[sflag:s4] =	ssyncadd.s32 $0xFFFFFE00  }
0x1f4: {  	_ =	swait.ge [sflag:s4], $0x200  }
0x1f5: {  	[sflag:s4] =	ssyncset.done $0x0  }
0x1f6: {  	[sflag:s4] =	ssyncadd.s32 $0xFFFFFE00  }
0x1f7: {  	_ =	swait.ge [sflag:s4], $0x200  }
0x1f8: {  	[sflag:s4] =	ssyncset.done $0x0  }
0x1f9: {  	[sflag:s4] =	ssyncadd.s32 $0xFFFFFE00  }
0x1fa: {  	_ =	swait.ge [sflag:s4], $0x200  }
0x1fb: {  	[sflag:s4] =	ssyncset.done $0x0  }
0x1fc: {  	[sflag:s4] =	ssyncadd.s32 $0xFFFFFE00  }
0x1fd: {  	_ =	swait.ge [sflag:s4], $0x200  }
0x1fe: {  	[sflag:s4] =	ssyncset.done $0x0  }
0x1ff: {  	[sflag:s4] =	ssyncadd.s32 $0xFFFFFE00  }
0x200: {  	_ =	swait.ge [sflag:s4], $0x200  }
0x201: {  	[sflag:s4] =	ssyncset.done $0x0  }
0x202: {  	[sflag:s4] =	ssyncadd.s32 $0xFFFFFE00  }
0x203: {  	_ =	swait.ge [sflag:s4], $0x200  }
0x204: {  	[sflag:s4] =	ssyncset.done $0x0  }
0x205: {  	[sflag:s4] =	ssyncadd.s32 $0xFFFFFE00  }
0x206: {  	_ =	swait.ge [sflag:s4], $0x200  }
0x207: {  	[sflag:s4] =	ssyncset.done $0x0  }
0x208: {  	[sflag:s4] =	ssyncadd.s32 $0xFFFFFE00  }
0x209: {  	_ =	swait.ge [sflag:s4], $0x200  }
0x20a: {  	[sflag:s4] =	ssyncset.done $0x0  }
0x20b: {  	[sflag:s4] =	ssyncadd.s32 $0xFFFFFE00  }
0x20c: {  	_ =	swait.ge [sflag:s4], $0x200  }
0x20d: {  	[sflag:s4] =	ssyncset.done $0x0  }
0x20e: {  	[sflag:s4] =	ssyncadd.s32 $0xFFFFFE00  }
0x20f: {  	_ =	swait.ge [sflag:s4], $0x200  }
0x210: {  	[sflag:s4] =	ssyncset.done $0x0  }
0x211: {  	s9 =	rddreg [dreg:$0x3];
	[sflag:s4] =	ssyncadd.s32 $0xFFFFFE00  }
0x212: {  	[tilespmem:s5], [sflag:$0x2] =	stream.indirect.gather [hbm4b:s9+s5], $0x1, s2, s5, $0xb8;
	[tilespmem:$0xC800] =	vst v63  }
0x213: {  	_ =	swait.ge [sflag:s6], $0x6400  }
0x214: {  	s7 =	sld [smem:$0x76B]  }
0x215: {  	s8 =	sld [smem:$0x76D]  }
0x216: {  	[sflag:s6] =	ssyncset.done $0x0;
	s9 =	sld [smem:$0x7E4]  }
0x217: {  	s1 =	sld [smem:$0x76F];
	[sflag:s6] =	ssyncadd.s32 $0xFFFF9C00  }
0x218: {  	[hbm4b:s7+s2] =	stream.linear.scatter [tilespmem:s5], [sflag:$0x3], $0x200, $0x38;
	[tilespmem:$0xC800] =	vst v63  }
0x219: {  	s7 =	sld [smem:$0x7E5]  }
0x21a: {  	[hbm4b:s8+s2] =	stream.linear.scatter [tilespmem:s9], [sflag:$0x3], $0x200, $0x38;
	[tilespmem:$0xC800] =	vst v63  }
0x21b: {  	s8 =	sld [smem:$0x771]  }
0x21c: {  	s9 =	sld [smem:$0x7E6]  }
0x21d: {  	[hbm4b:s1+s2] =	stream.linear.scatter [tilespmem:s7], [sflag:$0x3], $0x200, $0x38;
	[tilespmem:$0xC800] =	vst v63  }
0x21e: {  	s1 =	sld [smem:$0x773]  }
0x21f: {  	s7 =	sld [smem:$0x7E7]  }
0x220: {  	[hbm4b:s8+s2] =	stream.linear.scatter [tilespmem:s9], [sflag:$0x3], $0x200, $0x38;
	[tilespmem:$0xC800] =	vst v63  }
0x221: {  	s8 =	sld [smem:$0x775]  }
0x222: {  	s9 =	sld [smem:$0x7E8]  }
0x223: {  	[hbm4b:s1+s2] =	stream.linear.scatter [tilespmem:s7], [sflag:$0x3], $0x200, $0x38;
	[tilespmem:$0xC800] =	vst v63  }
0x224: {  	s1 =	sld [smem:$0x777]  }
0x225: {  	s7 =	sld [smem:$0x7E9]  }
0x226: {  	[hbm4b:s8+s2] =	stream.linear.scatter [tilespmem:s9], [sflag:$0x3], $0x200, $0x38;
	[tilespmem:$0xC800] =	vst v63  }
0x227: {  	s8 =	sld [smem:$0x779]  }
0x228: {  	s9 =	sld [smem:$0x7EA]  }
0x229: {  	[hbm4b:s1+s2] =	stream.linear.scatter [tilespmem:s7], [sflag:$0x3], $0x200, $0x38;
	[tilespmem:$0xC800] =	vst v63  }
0x22a: {  	s1 =	sld [smem:$0x77B]  }
0x22b: {  	s7 =	sld [smem:$0x7EB]  }
0x22c: {  	[hbm4b:s8+s2] =	stream.linear.scatter [tilespmem:s9], [sflag:$0x3], $0x200, $0x38;
	[tilespmem:$0xC800] =	vst v63  }
0x22d: {  	s8 =	sld [smem:$0x77D]  }
0x22e: {  	s9 =	sld [smem:$0x7EC]  }
0x22f: {  	[hbm4b:s1+s2] =	stream.linear.scatter [tilespmem:s7], [sflag:$0x3], $0x200, $0x38;
	[tilespmem:$0xC800] =	vst v63  }
0x230: {  	s1 =	sld [smem:$0x77F]  }
0x231: {  	s7 =	sld [smem:$0x7ED]  }
0x232: {  	[hbm4b:s8+s2] =	stream.linear.scatter [tilespmem:s9], [sflag:$0x3], $0x200, $0x38;
	[tilespmem:$0xC800] =	vst v63  }
0x233: {  	s8 =	sld [smem:$0x781]  }
0x234: {  	s9 =	sld [smem:$0x7EE]  }
0x235: {  	[hbm4b:s1+s2] =	stream.linear.scatter [tilespmem:s7], [sflag:$0x3], $0x200, $0x38;
	[tilespmem:$0xC800] =	vst v63  }
0x236: {  	s1 =	sld [smem:$0x783]  }
0x237: {  	s7 =	sld [smem:$0x7EF]  }
0x238: {  	[hbm4b:s8+s2] =	stream.linear.scatter [tilespmem:s9], [sflag:$0x3], $0x200, $0x38;
	[tilespmem:$0xC800] =	vst v63  }
0x239: {  	s8 =	sld [smem:$0x785]  }
0x23a: {  	s9 =	sld [smem:$0x7F0]  }
0x23b: {  	[hbm4b:s1+s2] =	stream.linear.scatter [tilespmem:s7], [sflag:$0x3], $0x200, $0x38;
	[tilespmem:$0xC800] =	vst v63  }
0x23c: {  	s1 =	sld [smem:$0x787]  }
0x23d: {  	s7 =	sld [smem:$0x7F1]  }
0x23e: {  	[hbm4b:s8+s2] =	stream.linear.scatter [tilespmem:s9], [sflag:$0x3], $0x200, $0x38;
	[tilespmem:$0xC800] =	vst v63  }
0x23f: {  	s8 =	sld [smem:$0x789]  }
0x240: {  	s9 =	sld [smem:$0x7F2]  }
0x241: {  	[hbm4b:s1+s2] =	stream.linear.scatter [tilespmem:s7], [sflag:$0x3], $0x200, $0x38;
	[tilespmem:$0xC800] =	vst v63  }
0x242: {  	s1 =	sld [smem:$0x78B]  }
0x243: {  	s7 =	sld [smem:$0x7F3]  }
0x244: {  	[hbm4b:s8+s2] =	stream.linear.scatter [tilespmem:s9], [sflag:$0x3], $0x200, $0x38;
	[tilespmem:$0xC800] =	vst v63  }
0x245: {  	s8 =	sld [smem:$0x78D]  }
0x246: {  	s9 =	sld [smem:$0x7F4]  }
0x247: {  	[hbm4b:s1+s2] =	stream.linear.scatter [tilespmem:s7], [sflag:$0x3], $0x200, $0x38;
	[tilespmem:$0xC800] =	vst v63  }
0x248: {  	s1 =	sld [smem:$0x78F]  }
0x249: {  	s7 =	sld [smem:$0x7F5]  }
0x24a: {  	[hbm4b:s8+s2] =	stream.linear.scatter [tilespmem:s9], [sflag:$0x3], $0x200, $0x38;
	[tilespmem:$0xC800] =	vst v63  }
0x24b: {  	s8 =	sld [smem:$0x791]  }
0x24c: {  	s9 =	sld [smem:$0x7F7]  }
0x24d: {  	[hbm4b:s1+s2] =	stream.linear.scatter [tilespmem:s7], [sflag:$0x3], $0x200, $0x38;
	[tilespmem:$0xC800] =	vst v63  }
0x24e: {  	s1 =	sld [smem:$0x793]  }
0x24f: {  	s7 =	sld [smem:$0x7F8]  }
0x250: {  	[hbm4b:s8+s2] =	stream.linear.scatter [tilespmem:s9], [sflag:$0x3], $0x200, $0x38;
	[tilespmem:$0xC800] =	vst v63  }
0x251: {  	s8 =	sld [smem:$0x795]  }
0x252: {  	s9 =	sld [smem:$0x7F9]  }
0x253: {  	[hbm4b:s1+s2] =	stream.linear.scatter [tilespmem:s7], [sflag:$0x3], $0x200, $0x38;
	[tilespmem:$0xC800] =	vst v63  }
0x254: {  	s1 =	sld [smem:$0x797]  }
0x255: {  	s7 =	sld [smem:$0x7FA]  }
0x256: {  	[hbm4b:s8+s2] =	stream.linear.scatter [tilespmem:s9], [sflag:$0x3], $0x200, $0x38;
	[tilespmem:$0xC800] =	vst v63  }
0x257: {  	s8 =	sld [smem:$0x798]  }
0x258: {  	s9 =	sld [smem:$0x7FB]  }
0x259: {  	[hbm4b:s1+s2] =	stream.linear.scatter [tilespmem:s7], [sflag:$0x3], $0x200, $0x38;
	[tilespmem:$0xC800] =	vst v63  }
0x25a: {  	s1 =	sld [smem:$0x799]  }
0x25b: {  	s7 =	sld [smem:$0x7FC]  }
0x25c: {  	[hbm4b:s8+s2] =	stream.linear.scatter [tilespmem:s9], [sflag:$0x3], $0x200, $0x38;
	[tilespmem:$0xC800] =	vst v63  }
0x25d: {  	s8 =	sld [smem:$0x79A]  }
0x25e: {  	s9 =	sld [smem:$0x7FD]  }
0x25f: {  	[hbm4b:s1+s2] =	stream.linear.scatter [tilespmem:s7], [sflag:$0x3], $0x200, $0x38;
	[tilespmem:$0xC800] =	vst v63  }
0x260: {  	s1 =	sld [smem:$0x79B]  }
0x261: {  	[hbm4b:s8+s2] =	stream.linear.scatter [tilespmem:s9], [sflag:$0x3], $0x200, $0x38;
	[tilespmem:$0xC800] =	vst v63  }
0x262: {  	s7 =	sld [smem:$0x79C];
	s9 =	simm.s32 $0x9800  }
0x263: {  	[hbm4b:s1+s2] =	stream.linear.scatter [tilespmem:s9], [sflag:$0x3], $0x200, $0x38;
	[tilespmem:$0xC800] =	vst v63  }
0x264: {  	s1 =	sld [smem:$0x79D];
	s9 =	simm.s32 $0x9A00  }
0x265: {  	[hbm4b:s7+s2] =	stream.linear.scatter [tilespmem:s9], [sflag:$0x3], $0x200, $0x38;
	[tilespmem:$0xC800] =	vst v63  }
0x266: {  	s7 =	sld [smem:$0x79E];
	s9 =	simm.s32 $0x9C00  }
0x267: {  	[hbm4b:s1+s2] =	stream.linear.scatter [tilespmem:s9], [sflag:$0x3], $0x200, $0x38;
	[tilespmem:$0xC800] =	vst v63  }
0x268: {  	s8 =	sld [smem:$0x79F]  }
0x269: {  	[hbm4b:s7+s2] =	stream.linear.scatter [tilespmem:s10], [sflag:$0x3], $0x200, $0x38;
	[tilespmem:$0xC800] =	vst v63  }
0x26a: {  	s9 =	sld [smem:$0x7A0]  }
0x26b: {  	[hbm4b:s8+s2] =	stream.linear.scatter [tilespmem:s11], [sflag:$0x3], $0x200, $0x38;
	[tilespmem:$0xC800] =	vst v63  }
0x26c: {  	s8 =	sld [smem:$0x7A1]  }
0x26d: {  	[hbm4b:s9+s2] =	stream.linear.scatter [tilespmem:s12], [sflag:$0x3], $0x200, $0x38;
	[tilespmem:$0xC800] =	vst v63  }
0x26e: {  	s9 =	sld [smem:$0x7A2]  }
0x26f: {  	[hbm4b:s8+s2] =	stream.linear.scatter [tilespmem:s13], [sflag:$0x3], $0x200, $0x38;
	[tilespmem:$0xC800] =	vst v63  }
0x270: {  	s8 =	sld [smem:$0x7A3]  }
0x271: {  	[hbm4b:s9+s2] =	stream.linear.scatter [tilespmem:s14], [sflag:$0x3], $0x200, $0x38;
	[tilespmem:$0xC800] =	vst v63  }
0x272: {  	s9 =	sld [smem:$0x7A4]  }
0x273: {  	[hbm4b:s8+s2] =	stream.linear.scatter [tilespmem:s15], [sflag:$0x3], $0x200, $0x38;
	[tilespmem:$0xC800] =	vst v63  }
0x274: {  	s8 =	sld [smem:$0x7A5]  }
0x275: {  	[hbm4b:s9+s2] =	stream.linear.scatter [tilespmem:s16], [sflag:$0x3], $0x200, $0x38;
	[tilespmem:$0xC800] =	vst v63  }
0x276: {  	s9 =	sld [smem:$0x7A6]  }
0x277: {  	[hbm4b:s8+s2] =	stream.linear.scatter [tilespmem:s17], [sflag:$0x3], $0x200, $0x38;
	[tilespmem:$0xC800] =	vst v63  }
0x278: {  	s8 =	sld [smem:$0x7A7]  }
0x279: {  	[hbm4b:s9+s2] =	stream.linear.scatter [tilespmem:s18], [sflag:$0x3], $0x200, $0x38;
	[tilespmem:$0xC800] =	vst v63  }
0x27a: {  	s9 =	sld [smem:$0x7A8]  }
0x27b: {  	[hbm4b:s8+s2] =	stream.linear.scatter [tilespmem:s19], [sflag:$0x3], $0x200, $0x38;
	[tilespmem:$0xC800] =	vst v63  }
0x27c: {  	s8 =	sld [smem:$0x7A9]  }
0x27d: {  	[hbm4b:s9+s2] =	stream.linear.scatter [tilespmem:s20], [sflag:$0x3], $0x200, $0x38;
	[tilespmem:$0xC800] =	vst v63  }
0x27e: {  	s9 =	sld [smem:$0x7AA]  }
0x27f: {  	[hbm4b:s8+s2] =	stream.linear.scatter [tilespmem:s21], [sflag:$0x3], $0x200, $0x38;
	[tilespmem:$0xC800] =	vst v63  }
0x280: {  	s8 =	sld [smem:$0x7AB]  }
0x281: {  	[hbm4b:s9+s2] =	stream.linear.scatter [tilespmem:s22], [sflag:$0x3], $0x200, $0x38;
	[tilespmem:$0xC800] =	vst v63  }
0x282: {  	s9 =	sld [smem:$0x7AC]  }
0x283: {  	[hbm4b:s8+s2] =	stream.linear.scatter [tilespmem:s23], [sflag:$0x3], $0x200, $0x38;
	[tilespmem:$0xC800] =	vst v63  }
0x284: {  	s8 =	sld [smem:$0x7AD]  }
0x285: {  	[hbm4b:s9+s2] =	stream.linear.scatter [tilespmem:s24], [sflag:$0x3], $0x200, $0x38;
	[tilespmem:$0xC800] =	vst v63  }
0x286: {  	s9 =	sld [smem:$0x7AE]  }
0x287: {  	[hbm4b:s8+s2] =	stream.linear.scatter [tilespmem:s25], [sflag:$0x3], $0x200, $0x38;
	[tilespmem:$0xC800] =	vst v63  }
0x288: {  	s8 =	sld [smem:$0x7AF]  }
0x289: {  	[hbm4b:s9+s2] =	stream.linear.scatter [tilespmem:s26], [sflag:$0x3], $0x200, $0x38;
	[tilespmem:$0xC800] =	vst v63  }
0x28a: {  	s9 =	sld [smem:$0x7B0]  }
0x28b: {  	[hbm4b:s8+s2] =	stream.linear.scatter [tilespmem:s28], [sflag:$0x3], $0x200, $0x38;
	[tilespmem:$0xC800] =	vst v63  }
0x28c: {  	s8 =	sld [smem:$0x7B1]  }
0x28d: {  	[hbm4b:s9+s2] =	stream.linear.scatter [tilespmem:s29], [sflag:$0x3], $0x200, $0x38;
	[tilespmem:$0xC800] =	vst v63  }
0x28e: {  	s9 =	sld [smem:$0x7B2]  }
0x28f: {  	[hbm4b:s8+s2] =	stream.linear.scatter [tilespmem:s30], [sflag:$0x3], $0x200, $0x38;
	[tilespmem:$0xC800] =	vst v63  }
0x290: {  	_ = 	snop  }
0x291: {  	[hbm4b:s9+s2] =	stream.linear.scatter [tilespmem:s31], [sflag:$0x3], $0x200, $0x38;
	[tilespmem:$0xC800] =	vst v63  }
0x292: {  	_ =	swait.ge [sflag:s0], $0x200  }
0x293: {  	[sflag:s0] =	ssyncset.done $0x0  }
0x294: {  	[sflag:s0] =	ssyncadd.s32 $0xFFFFFE00  }
0x295: {  	_ =	swait.ge [sflag:s0], $0x200  }
0x296: {  	[sflag:s0] =	ssyncset.done $0x0  }
0x297: {  	[sflag:s0] =	ssyncadd.s32 $0xFFFFFE00  }
0x298: {  	_ =	swait.ge [sflag:s0], $0x200  }
0x299: {  	[sflag:s0] =	ssyncset.done $0x0  }
0x29a: {  	[sflag:s0] =	ssyncadd.s32 $0xFFFFFE00  }
0x29b: {  	_ =	swait.ge [sflag:s0], $0x200  }
0x29c: {  	[sflag:s0] =	ssyncset.done $0x0  }
0x29d: {  	[sflag:s0] =	ssyncadd.s32 $0xFFFFFE00  }
0x29e: {  	_ =	swait.ge [sflag:s0], $0x200  }
0x29f: {  	[sflag:s0] =	ssyncset.done $0x0  }
0x2a0: {  	[sflag:s0] =	ssyncadd.s32 $0xFFFFFE00  }
0x2a1: {  	_ =	swait.ge [sflag:s0], $0x200  }
0x2a2: {  	[sflag:s0] =	ssyncset.done $0x0  }
0x2a3: {  	[sflag:s0] =	ssyncadd.s32 $0xFFFFFE00  }
0x2a4: {  	_ =	swait.ge [sflag:s0], $0x200  }
0x2a5: {  	[sflag:s0] =	ssyncset.done $0x0  }
0x2a6: {  	[sflag:s0] =	ssyncadd.s32 $0xFFFFFE00  }
0x2a7: {  	_ =	swait.ge [sflag:s0], $0x200  }
0x2a8: {  	[sflag:s0] =	ssyncset.done $0x0  }
0x2a9: {  	[sflag:s0] =	ssyncadd.s32 $0xFFFFFE00  }
0x2aa: {  	_ =	swait.ge [sflag:s0], $0x200  }
0x2ab: {  	[sflag:s0] =	ssyncset.done $0x0  }
0x2ac: {  	[sflag:s0] =	ssyncadd.s32 $0xFFFFFE00  }
0x2ad: {  	_ =	swait.ge [sflag:s0], $0x200  }
0x2ae: {  	[sflag:s0] =	ssyncset.done $0x0  }
0x2af: {  	[sflag:s0] =	ssyncadd.s32 $0xFFFFFE00  }
0x2b0: {  	_ =	swait.ge [sflag:s0], $0x200  }
0x2b1: {  	[sflag:s0] =	ssyncset.done $0x0  }
0x2b2: {  	[sflag:s0] =	ssyncadd.s32 $0xFFFFFE00  }
0x2b3: {  	_ =	swait.ge [sflag:s0], $0x200  }
0x2b4: {  	[sflag:s0] =	ssyncset.done $0x0  }
0x2b5: {  	[sflag:s0] =	ssyncadd.s32 $0xFFFFFE00  }
0x2b6: {  	_ =	swait.ge [sflag:s0], $0x200  }
0x2b7: {  	[sflag:s0] =	ssyncset.done $0x0  }
0x2b8: {  	[sflag:s0] =	ssyncadd.s32 $0xFFFFFE00  }
0x2b9: {  	_ =	swait.ge [sflag:s0], $0x200  }
0x2ba: {  	[sflag:s0] =	ssyncset.done $0x0  }
0x2bb: {  	[sflag:s0] =	ssyncadd.s32 $0xFFFFFE00  }
0x2bc: {  	_ =	swait.ge [sflag:s0], $0x200  }
0x2bd: {  	[sflag:s0] =	ssyncset.done $0x0  }
0x2be: {  	[sflag:s0] =	ssyncadd.s32 $0xFFFFFE00  }
0x2bf: {  	_ =	swait.ge [sflag:s0], $0x200  }
0x2c0: {  	[sflag:s0] =	ssyncset.done $0x0  }
0x2c1: {  	[sflag:s0] =	ssyncadd.s32 $0xFFFFFE00  }
0x2c2: {  	_ =	swait.ge [sflag:s0], $0x200  }
0x2c3: {  	[sflag:s0] =	ssyncset.done $0x0  }
0x2c4: {  	[sflag:s0] =	ssyncadd.s32 $0xFFFFFE00  }
0x2c5: {  	_ =	swait.ge [sflag:s0], $0x200  }
0x2c6: {  	[sflag:s0] =	ssyncset.done $0x0  }
0x2c7: {  	[sflag:s0] =	ssyncadd.s32 $0xFFFFFE00  }
0x2c8: {  	_ =	swait.ge [sflag:s0], $0x200  }
0x2c9: {  	[sflag:s0] =	ssyncset.done $0x0  }
0x2ca: {  	[sflag:s0] =	ssyncadd.s32 $0xFFFFFE00  }
0x2cb: {  	_ =	swait.ge [sflag:s0], $0x200  }
0x2cc: {  	[sflag:s0] =	ssyncset.done $0x0  }
0x2cd: {  	[sflag:s0] =	ssyncadd.s32 $0xFFFFFE00  }
0x2ce: {  	_ =	swait.ge [sflag:s0], $0x200  }
0x2cf: {  	[sflag:s0] =	ssyncset.done $0x0  }
0x2d0: {  	[sflag:s0] =	ssyncadd.s32 $0xFFFFFE00  }
0x2d1: {  	_ =	swait.ge [sflag:s0], $0x200  }
0x2d2: {  	[sflag:s0] =	ssyncset.done $0x0  }
0x2d3: {  	[sflag:s0] =	ssyncadd.s32 $0xFFFFFE00  }
0x2d4: {  	_ =	swait.ge [sflag:s0], $0x200  }
0x2d5: {  	[sflag:s0] =	ssyncset.done $0x0  }
0x2d6: {  	[sflag:s0] =	ssyncadd.s32 $0xFFFFFE00  }
0x2d7: {  	_ =	swait.ge [sflag:s0], $0x200  }
0x2d8: {  	[sflag:s0] =	ssyncset.done $0x0  }
0x2d9: {  	[sflag:s0] =	ssyncadd.s32 $0xFFFFFE00  }
0x2da: {  	_ =	swait.ge [sflag:s0], $0x200  }
0x2db: {  	[sflag:s0] =	ssyncset.done $0x0  }
0x2dc: {  	[sflag:s0] =	ssyncadd.s32 $0xFFFFFE00  }
0x2dd: {  	_ =	swait.ge [sflag:s0], $0x200  }
0x2de: {  	[sflag:s0] =	ssyncset.done $0x0  }
0x2df: {  	[sflag:s0] =	ssyncadd.s32 $0xFFFFFE00  }
0x2e0: {  	_ =	swait.ge [sflag:s0], $0x200  }
0x2e1: {  	[sflag:s0] =	ssyncset.done $0x0  }
0x2e2: {  	[sflag:s0] =	ssyncadd.s32 $0xFFFFFE00  }
0x2e3: {  	_ =	swait.ge [sflag:s0], $0x200  }
0x2e4: {  	[sflag:s0] =	ssyncset.done $0x0  }
0x2e5: {  	[sflag:s0] =	ssyncadd.s32 $0xFFFFFE00  }
0x2e6: {  	_ =	swait.ge [sflag:s0], $0x200  }
0x2e7: {  	[sflag:s0] =	ssyncset.done $0x0  }
0x2e8: {  	[sflag:s0] =	ssyncadd.s32 $0xFFFFFE00  }
0x2e9: {  	_ =	swait.ge [sflag:s0], $0x200  }
0x2ea: {  	[sflag:s0] =	ssyncset.done $0x0  }
0x2eb: {  	[sflag:s0] =	ssyncadd.s32 $0xFFFFFE00  }
0x2ec: {  	_ =	swait.ge [sflag:s0], $0x200  }
0x2ed: {  	[sflag:s0] =	ssyncset.done $0x0  }
0x2ee: {  	[sflag:s0] =	ssyncadd.s32 $0xFFFFFE00  }
0x2ef: {  	_ =	swait.ge [sflag:s0], $0x200  }
0x2f0: {  	[sflag:s0] =	ssyncset.done $0x0  }
0x2f1: {  	[sflag:s0] =	ssyncadd.s32 $0xFFFFFE00  }
0x2f2: {  	_ =	swait.ge [sflag:s0], $0x200  }
0x2f3: {  	[sflag:s0] =	ssyncset.done $0x0  }
0x2f4: {  	[sflag:s0] =	ssyncadd.s32 $0xFFFFFE00  }
0x2f5: {  	_ =	swait.ge [sflag:s0], $0x200  }
0x2f6: {  	[sflag:s0] =	ssyncset.done $0x0  }
0x2f7: {  	[sflag:s0] =	ssyncadd.s32 $0xFFFFFE00  }
0x2f8: {  	_ =	swait.ge [sflag:s0], $0x200  }
0x2f9: {  	[sflag:s0] =	ssyncset.done $0x0  }
0x2fa: {  	[sflag:s0] =	ssyncadd.s32 $0xFFFFFE00  }
0x2fb: {  	_ =	swait.ge [sflag:s0], $0x200  }
0x2fc: {  	[sflag:s0] =	ssyncset.done $0x0  }
0x2fd: {  	[sflag:s0] =	ssyncadd.s32 $0xFFFFFE00  }
0x2fe: {  	_ =	swait.ge [sflag:s0], $0x200  }
0x2ff: {  	[sflag:s0] =	ssyncset.done $0x0  }
0x300: {  	[sflag:s0] =	ssyncadd.s32 $0xFFFFFE00  }
0x301: {  	_ =	swait.ge [sflag:s0], $0x200  }
0x302: {  	[sflag:s0] =	ssyncset.done $0x0  }
0x303: {  	[sflag:s0] =	ssyncadd.s32 $0xFFFFFE00  }
0x304: {  	_ =	swait.ge [sflag:s0], $0x200  }
0x305: {  	[sflag:s0] =	ssyncset.done $0x0  }
0x306: {  	[sflag:s0] =	ssyncadd.s32 $0xFFFFFE00  }
0x307: {  	_ =	swait.ge [sflag:s0], $0x200  }
0x308: {  	[sflag:s0] =	ssyncset.done $0x0  }
0x309: {  	[sflag:s0] =	ssyncadd.s32 $0xFFFFFE00  }
0x30a: {  	_ =	swait.ge [sflag:s0], $0x200  }
0x30b: {  	[sflag:s0] =	ssyncset.done $0x0  }
0x30c: {  	[sflag:s0] =	ssyncadd.s32 $0xFFFFFE00  }
0x30d: {  	_ =	swait.ge [sflag:s0], $0x200  }
0x30e: {  	[sflag:s0] =	ssyncset.done $0x0  }
0x30f: {  	[sflag:s0] =	ssyncadd.s32 $0xFFFFFE00  }
0x310: {  	_ =	swait.ge [sflag:s0], $0x200  }
0x311: {  	[sflag:s0] =	ssyncset.done $0x0  }
0x312: {  	[sflag:s0] =	ssyncadd.s32 $0xFFFFFE00  }
0x313: {  	_ =	swait.ge [sflag:s0], $0x200  }
0x314: {  	[sflag:s0] =	ssyncset.done $0x0  }
0x315: {  	[sflag:s0] =	ssyncadd.s32 $0xFFFFFE00  }
0x316: {  	_ =	swait.ge [sflag:s0], $0x200  }
0x317: {  	[sflag:s0] =	ssyncset.done $0x0  }
0x318: {  	[sflag:s0] =	ssyncadd.s32 $0xFFFFFE00  }
0x319: {  	_ =	swait.ge [sflag:s0], $0x200  }
0x31a: {  	[sflag:s0] =	ssyncset.done $0x0  }
0x31b: {  	[sflag:s0] =	ssyncadd.s32 $0xFFFFFE00  }
0x31c: {  	_ =	swait.ge [sflag:s0], $0x200  }
0x31d: {  	[sflag:s0] =	ssyncset.done $0x0  }
0x31e: {  	[sflag:s0] =	ssyncadd.s32 $0xFFFFFE00  }
0x31f: {  	_ =	swait.ge [sflag:s0], $0x200  }
0x320: {  	[sflag:s0] =	ssyncset.done $0x0  }
0x321: {  	[sflag:s0] =	ssyncadd.s32 $0xFFFFFE00  }
0x322: {  	p0 =	sne.s32 s3, $0x1;
	_ =	swait.ge [sflag:s0], $0x200  }
.Ltmp0:
0x323: {  	[sflag:s0] =	ssyncset.done $0x0;
	(pc) =	sbr.rel @p0 .LBB2_1-.Ltmp0, $4  }
0x324: {  	[sflag:s0] =	ssyncadd.s32 $0xFFFFFE00  }
0x325: {  	_ =	swait.ge [sflag:s0], $0x200  }
0x326: {  	[sflag:s0] =	ssyncset.done $0x0  }
0x327: {  	s3 =	sadd.s32 $0xFFFFFFFF, s3;
	[sflag:s0] =	ssyncadd.s32 $0xFFFFFE00  }
0x328: {  	_ =	sfence.sel $0x180000  }
0x329: {  	[bflag:$0x0] =	sbarrier.arrive $0xFFFF  }
0x32a: {  	_ =	strace $0x90000047  }
0x32b: {  	s0 =	stileid.u32;
	[bflag:$0x2] =	sbarrier.arrive $0xFFFF  }
0x32c: {  	p0 =	sne.s32 s0, $0x0;
	s0 =	rddreg [dreg:$0x2]  }
0x32d: {  	s0 =	sadd.s32 @!p0 $0x100000, s0  }
0x32e: {  	[sflag:s0] =	ssyncadd.tile.s32 @!p0 $0x1;
	_ =	shalt  }
.Lfunc_end2:
_tile_overlayer_lowered:
.L_overlay_start_2:
0x32f: {  	(tag) =	ssettag $0x2  }
0x330: {  	s0 =	rddreg [dreg:$0x0];
	s2 =	stileid.u32  }
0x331: {  	s1 =	rddreg [dreg:$0x1];
	p0 =	sne.s32 s2, $0x0  }
0x332: {  	s3 =	rddreg [dreg:$0x2];
	[bflag:$0x3] =	sbarrier.arrive $0xFFFF;
	s2 =	simm.s32 @!p0 $0x1C04  }
0x333: {  	[timem:s3], [sflag:s2] =	dma.local @!p0 [hbm:s0], s1  }
0x334: {  	s0 =	simm.s32 @!p0 $0x4  }
0x335: {  	_ =	swait.ge @!p0 [sflag:s0], s1  }
0x336: {  	s1 =	ssub.s32 @!p0 $0x0, s1;
	[sflag:s0] =	ssyncset.done @!p0 $0x0  }
0x337: {  	[sflag:s0] =	ssyncadd.s32 @!p0 s1  }
0x338: {  	[bflag:$0x3] =	sbarrier.arrive $0xFFFF  }
0x339: {  	_ =	shalt  }

</sc_bundles>
